<compile_context>
chip_gen: v7x
topology: tpu7x:2x2x1
jax: 0.10.2.dev20260603
libtpu: 0.0.44.dev20260713+nightly
codegen_flags: <defaults>
</compile_context>

<pallas_src>
import jax
import jax.numpy as jnp
from jax import lax
from jax.experimental import pallas as pl
from jax.experimental.pallas import tpu as pltpu
from jax.experimental.pallas import tpu_sc as plsc

N = 10000
D = 128
E = 320000
NC = 2
NS = 16
CHUNK = 128
NCHUNKS = -(-E // (NS * CHUNK))
EPT = NCHUNKS * CHUNK
E_PAD = EPT * NS
N_PAD = 10240
HN = N_PAD // NC
TRASH = 128
ACC_ROWS = HN + TRASH
ART = ACC_ROWS // NS
OPT = HN // NS
RPT = N_PAD // NS
BLK = 128

_SC_MESH = plsc.VectorSubcoreMesh(
    core_axis_name="c", subcore_axis_name="s", num_cores=NC, num_subcores=NS)



def _deg_body(ei, part, deg_out, idx_v, deg_loc, tmp_v, sum_v):
    c = lax.axis_index("c")
    s = lax.axis_index("s")
    w = c * NS + s
    pltpu.sync_copy(ei.at[pl.ds(s * EPT, EPT)], idx_v.at[pl.ds(0, EPT)])
    pltpu.sync_copy(ei.at[pl.ds(E_PAD + s * EPT, EPT)],
                    idx_v.at[pl.ds(EPT, EPT)])

    one16 = jnp.ones((16,), jnp.float32)
    zero16 = jnp.zeros((16,), jnp.float32)

    def zloc(i, carry):
        deg_loc[pl.ds(i * 16, 16)] = zero16
        return carry

    lax.fori_loop(0, N_PAD // 16, zloc, 0)

    def hist(i, carry):
        v = idx_v[pl.ds(i * 16, 16)]
        plsc.addupdate_scatter(deg_loc, [v], one16)
        return carry

    lax.fori_loop(0, 2 * EPT // 16, hist, 0)

    pltpu.sync_copy(deg_loc, part.at[pl.ds(w * N_PAD, N_PAD)])
    plsc.subcore_barrier()

    def zsum(i, carry):
        sum_v[pl.ds(i * 16, 16)] = zero16
        return carry

    lax.fori_loop(0, RPT // 16, zsum, 0)

    for t in range(NS):
        pltpu.sync_copy(
            part.at[pl.ds((c * NS + t) * N_PAD + s * RPT, RPT)], tmp_v)

        def accum(i, carry):
            sum_v[pl.ds(i * 16, 16)] = (sum_v[pl.ds(i * 16, 16)]
                                        + tmp_v[pl.ds(i * 16, 16)])
            return carry

        lax.fori_loop(0, RPT // 16, accum, 0)

    pltpu.sync_copy(sum_v, deg_out.at[pl.ds(c * N_PAD + s * RPT, RPT)])


_sc_deg = pl.kernel(
    _deg_body,
    out_type=(
        jax.ShapeDtypeStruct((NC * NS * N_PAD,), jnp.float32),
        jax.ShapeDtypeStruct((NC * N_PAD,), jnp.float32),
    ),
    mesh=_SC_MESH,
    scratch_types=[
        pltpu.VMEM((2 * EPT,), jnp.int32),
        pltpu.VMEM((N_PAD,), jnp.float32),
        pltpu.VMEM((RPT,), jnp.float32),
        pltpu.VMEM((RPT,), jnp.float32),
    ],
    compiler_params=pltpu.CompilerParams(needs_layout_passes=False),
)


def _spmm_body(ei, z, accp, idx_v, idx2_v, rows_v, rows2_v, acc_sh, sem,
               sem2):
    c = lax.axis_index("c")
    s = lax.axis_index("s")
    pltpu.sync_copy(ei.at[pl.ds(s * EPT, EPT)], idx_v.at[pl.ds(0, EPT)])
    pltpu.sync_copy(ei.at[pl.ds(E_PAD + s * EPT, EPT)],
                    idx_v.at[pl.ds(EPT, EPT)])

    lo16 = jnp.full((16,), HN, jnp.int32) * c.astype(jnp.int32)
    hn16 = jnp.full((16,), HN, jnp.int32)
    msk16 = jnp.full((16,), TRASH - 1, jnp.int32)
    zero_i16 = jnp.zeros((16,), jnp.int32)
    zero16 = jnp.zeros((16,), jnp.float32)

    def fill(i, carry):
        for k in range(D // 16):
            rows_v[i, pl.ds(k * 16, 16)] = zero16
        return carry

    lax.fori_loop(0, CHUNK, fill, 0)

    for r in range(2):
        pltpu.sync_copy(rows_v,
                        acc_sh.at[pl.ds(s * ART + r * CHUNK, CHUNK)])
    pltpu.sync_copy(rows_v.at[pl.ds(0, ART - 2 * CHUNK)],
                    acc_sh.at[pl.ds(s * ART + 2 * CHUNK, ART - 2 * CHUNK)])
    plsc.subcore_barrier()

    def localize(base, row):
        for k in range(CHUNK // 16):
            v = idx_v[pl.ds(base + k * 16, 16)]
            lv = v - lo16
            ok = (lv >= zero_i16) & (lv < hn16)
            tr = hn16 + (v & msk16)
            idx2_v[row, pl.ds(k * 16, 16)] = jnp.where(ok, lv, tr)

    pltpu.async_copy(z.at[idx_v.at[pl.ds(0, CHUNK)]], rows_v, sem)

    def body(j, carry):
        pltpu.async_copy(z.at[idx_v.at[pl.ds(EPT + j * CHUNK, CHUNK)]],
                         rows2_v, sem2)
        localize(EPT + j * CHUNK, 0)
        pltpu.make_async_copy(z.at[idx_v.at[pl.ds(0, CHUNK)]], rows_v,
                              sem).wait()
        pltpu.sync_copy(rows_v, acc_sh.at[idx2_v.at[0]], add=True)

        @pl.when(j < NCHUNKS - 1)
        def _():
            pltpu.async_copy(
                z.at[idx_v.at[pl.ds((j + 1) * CHUNK, CHUNK)]], rows_v, sem)

        localize(j * CHUNK, 1)
        pltpu.make_async_copy(z.at[idx_v.at[pl.ds(0, CHUNK)]], rows2_v,
                              sem2).wait()
        pltpu.sync_copy(rows2_v, acc_sh.at[idx2_v.at[1]], add=True)
        return carry

    lax.fori_loop(0, NCHUNKS, body, 0)
    plsc.subcore_barrier()
    pltpu.sync_copy(acc_sh.at[pl.ds(s * OPT, OPT)],
                    accp.at[pl.ds(c * HN + s * OPT, OPT)])


_sc_spmm = pl.kernel(
    _spmm_body,
    out_type=jax.ShapeDtypeStruct((N_PAD, D), jnp.float32),
    mesh=_SC_MESH,
    scratch_types=[
        pltpu.VMEM((2 * EPT,), jnp.int32),
        pltpu.VMEM((2, CHUNK), jnp.int32),
        pltpu.VMEM((CHUNK, D), jnp.float32),
        pltpu.VMEM((CHUNK, D), jnp.float32),
        pltpu.VMEM_SHARED((ACC_ROWS, D), jnp.float32),
        pltpu.SemaphoreType.DMA,
        pltpu.SemaphoreType.DMA,
    ],
)



def _prep_body(x_ref, d0_ref, xn_ref, z0_ref, dinv_ref):
    x = x_ref[...]
    nrm = jnp.maximum(jnp.sqrt(jnp.sum(x * x, axis=1, keepdims=True)), 1e-12)
    xn = x / nrm
    deg = d0_ref[...] + 1.0
    dinv = lax.rsqrt(deg)
    xn_ref[...] = xn
    z0_ref[...] = xn * dinv
    dinv_ref[...] = dinv


_row = pl.BlockSpec((BLK, D), lambda i: (i, 0))
_col = pl.BlockSpec((BLK, 1), lambda i: (i, 0))
_wmat = pl.BlockSpec((D, D), lambda i: (0, 0))
_brow = pl.BlockSpec((1, D), lambda i: (0, 0))

_tc_prep = pl.pallas_call(
    _prep_body,
    grid=(N_PAD // BLK,),
    in_specs=[_row, _col],
    out_specs=[_row, _row, _col],
    out_shape=[
        jax.ShapeDtypeStruct((N_PAD, D), jnp.float32),
        jax.ShapeDtypeStruct((N_PAD, D), jnp.float32),
        jax.ShapeDtypeStruct((N_PAD, 1), jnp.float32),
    ],
)


def _layer_body(acc, z, dinv, s_ref, wa, ba, wb, bb, zn_ref, sn_ref):
    dv = dinv[...]
    y = (acc[...] + z[...]) * dv
    ha = jnp.dot(y, wa[...], preferred_element_type=jnp.float32) + ba[...]
    xa = jnp.where(ha >= 0, ha, 0.01 * ha)
    xb = jnp.dot(y, wb[...], preferred_element_type=jnp.float32) + bb[...]
    zn_ref[...] = xa * dv
    sn_ref[...] = s_ref[...] + xa + xb


_tc_layer = pl.pallas_call(
    _layer_body,
    grid=(N_PAD // BLK,),
    in_specs=[_row, _row, _col, _row, _wmat, _brow, _wmat, _brow],
    out_specs=[_row, _row],
    out_shape=[
        jax.ShapeDtypeStruct((N_PAD, D), jnp.float32),
        jax.ShapeDtypeStruct((N_PAD, D), jnp.float32),
    ],
)



def kernel(edge_index, id_embedding, W1, b1, W2, b2, W3, b3):
    pad = jnp.full((2, E_PAD - E), N, dtype=jnp.int32)
    ei = jnp.concatenate([edge_index, pad], axis=1).reshape(2 * E_PAD)
    x_pad = jnp.pad(id_embedding, ((0, N_PAD - N), (0, 0)))

    _, deg_flat = _sc_deg(ei)
    d0 = deg_flat[:N_PAD].reshape(N_PAD, 1)
    xn, z0, dinv = _tc_prep(x_pad, d0)

    was = jnp.stack([W1, W2])
    bas = jnp.stack([b1.reshape(1, D), b2.reshape(1, D)])
    wbs = jnp.stack([jnp.zeros_like(W3), W3])
    bbs = jnp.stack([jnp.zeros((1, D), jnp.float32), b3.reshape(1, D)])

    def step(carry, xs):
        z, s = carry
        wa, ba, wb, bb = xs
        acc = _sc_spmm(ei, z)
        zn, sn = _tc_layer(acc, z, dinv, s, wa, ba, wb, bb)
        return (zn, sn), None

    c1, _ = step((z0, xn), (was[0], bas[0], wbs[0], bbs[0]))
    (_, s_fin), _ = step(c1, (was[1], bas[1], wbs[1], bbs[1]))
    return s_fin[:N]

# --- scband reference (transcript-rebuilt; emitter-appended) ---
"""Pipeline reference for scband-real-gcn-75282186764763 (READ-ONLY COPY).

The authoritative reference and input builder live on the scoring server;
editing this copy changes nothing except your own understanding.
"""

import jax, jax.numpy as jnp
import numpy as np

N = 10000
DIM = 128
E = 320000


def _glorot(key, shape):
    fan = shape[0] + shape[1]
    return jax.random.normal(key, shape, dtype=jnp.float32) * jnp.sqrt(2.0 / fan)


def setup_inputs(seed: int = 0) -> dict:
    key = jax.random.key(seed)
    ks = jax.random.split(key, 8)
    edge_index = jax.random.randint(ks[0], (2, E), 0, N, dtype=jnp.int32)
    id_embedding = _glorot(ks[1], (N, DIM))
    W1 = _glorot(ks[2], (DIM, DIM))
    W2 = _glorot(ks[3], (DIM, DIM))
    W3 = _glorot(ks[4], (DIM, DIM))
    b1 = jnp.zeros((DIM,), dtype=jnp.float32)
    b2 = jnp.zeros((DIM,), dtype=jnp.float32)
    b3 = jnp.zeros((DIM,), dtype=jnp.float32)
    return {"edge_index": edge_index, "id_embedding": id_embedding,
            "W1": W1, "b1": b1, "W2": W2, "b2": b2, "W3": W3, "b3": b3}


def _gcn_conv(x, src, dst, W, b):
    # PyG GCNConv: linear transform, gcn_norm with self-loops, sum-aggregate, add bias
    n = x.shape[0]
    loop = jnp.arange(n, dtype=src.dtype)
    s = jnp.concatenate([src, loop])
    d = jnp.concatenate([dst, loop])
    deg = jnp.zeros((n,), dtype=x.dtype).at[d].add(1.0)
    dinv = jnp.where(deg > 0, jax.lax.rsqrt(jnp.maximum(deg, 1e-12)), 0.0)
    norm = dinv[s] * dinv[d]
    h = x @ W
    msg = h[s] * norm[:, None]
    out = jnp.zeros_like(h).at[d].add(msg)
    return out + b


def reference(edge_index, id_embedding, W1, b1, W2, b2, W3, b3):
    # edge_index = cat(edge_index, edge_index[[1,0]])
    ei = jnp.concatenate([edge_index, edge_index[::-1, :]], axis=1)
    src, dst = ei[0], ei[1]
    # has_norm: F.normalize(x) (L2 per row, eps=1e-12)
    nrm = jnp.maximum(jnp.linalg.norm(id_embedding, axis=-1, keepdims=True), 1e-12)
    x = id_embedding / nrm
    x1 = _gcn_conv(x, src, dst, W1, b1)
    x1 = jax.nn.leaky_relu(x1, negative_slope=0.01)
    x2 = _gcn_conv(x1, src, dst, W2, b2)
    x2 = jax.nn.leaky_relu(x2, negative_slope=0.01)
    x3 = _gcn_conv(x1, src, dst, W3, b3)
    return x + x1 + x2 + x3

if __name__ == "__main__":
    import jax
    _d = setup_inputs()
    print(jax.jit(kernel)(*tuple(_d.values())))

</pallas_src>

<mosaic_0001>
#map = affine_map<(d0, d1) -> (0)>
#map1 = affine_map<(d0, d1) -> (0, 0)>
module attributes {stable_mosaic.version = 14 : i64} {
  func.func @_spmm_body(%arg0: i32, %arg1: i32, %arg2: memref<643072xi32, #tpu.memory_space<hbm>>, %arg3: memref<10240x128xf32, #tpu.memory_space<hbm>>, %arg4: memref<10240x128xf32, #tpu.memory_space<hbm>>, %arg5: memref<40192xi32, #tpu.memory_space<vmem>>, %arg6: memref<2x128xi32, #tpu.memory_space<vmem>>, %arg7: memref<128x128xf32, #tpu.memory_space<vmem>>, %arg8: memref<128x128xf32, #tpu.memory_space<vmem>>, %arg9: memref<5248x128xf32, #tpu.memory_space<vmem_shared>>, %arg10: memref<!tpu.dma_semaphore, #tpu.memory_space<semaphore_mem>>, %arg11: memref<!tpu.dma_semaphore, #tpu.memory_space<semaphore_mem>>) attributes {dimension_semantics = [#tpu.dimension_semantics<core_parallel>, #tpu.dimension_semantics<subcore_parallel>], iteration_bounds = array<i64: 2, 16>, scalar_prefetch = 0 : i64, scratch_operands = 7 : i64, tpu.core_type = #tpu.core_type<sc_vector_subcore>, window_params = [{transform_indices = #map}, {transform_indices = #map1}, {transform_indices = #map1}]} {
    %mul3A = arith.constant 20096 : i32
    %mul3A_0 = arith.muli %arg1, %mul3A : i32
    "tpu.region"() ({
      %run_scoped3A = tpu.sem_alloc : memref<!tpu.dma_semaphore, #tpu.memory_space<semaphore_mem>>
      %dma_start3A_50 = arith.constant 0 : i32
      %dma_start3A_51 = tpu.memref_slice %arg5[%dma_start3A_50] : memref<40192xi32, #tpu.memory_space<vmem>> -> memref<20096xi32, #tpu.memory_space<vmem>>
      %dma_start3A_52 = tpu.memref_slice %arg2[%mul3A_0] : memref<643072xi32, #tpu.memory_space<hbm>> -> memref<20096xi32, #tpu.memory_space<hbm>>
      %dma_start3A_53 = arith.constant 0 : i32
      %dma_start3A_54 = tpu.memref_slice %arg5[%dma_start3A_53] : memref<40192xi32, #tpu.memory_space<vmem>> -> memref<20096xi32, #tpu.memory_space<vmem>>
      %dma_start3A_55 = tpu.memref_slice %arg2[%mul3A_0] : memref<643072xi32, #tpu.memory_space<hbm>> -> memref<20096xi32, #tpu.memory_space<hbm>>
      tpu.enqueue_dma source(%dma_start3A_55 : memref<20096xi32, #tpu.memory_space<hbm>>) target(%dma_start3A_54 : memref<20096xi32, #tpu.memory_space<vmem>>) target_semaphore(%run_scoped3A : memref<!tpu.dma_semaphore, #tpu.memory_space<semaphore_mem>>)
      %dma_wait3A = arith.constant 0 : i32
      %dma_wait3A_56 = tpu.memref_slice %arg5[%dma_wait3A] : memref<40192xi32, #tpu.memory_space<vmem>> -> memref<20096xi32, #tpu.memory_space<vmem>>
      %dma_wait3A_57 = tpu.memref_slice %arg2[%mul3A_0] : memref<643072xi32, #tpu.memory_space<hbm>> -> memref<20096xi32, #tpu.memory_space<hbm>>
      %dma_wait3A_58 = arith.constant 0 : i32
      %dma_wait3A_59 = tpu.memref_slice %arg5[%dma_wait3A_58] : memref<40192xi32, #tpu.memory_space<vmem>> -> memref<20096xi32, #tpu.memory_space<vmem>>
      %dma_wait3A_60 = tpu.memref_slice %arg2[%mul3A_0] : memref<643072xi32, #tpu.memory_space<hbm>> -> memref<20096xi32, #tpu.memory_space<hbm>>
      tpu.wait_dma2 semaphore(%run_scoped3A : memref<!tpu.dma_semaphore, #tpu.memory_space<semaphore_mem>>) src(%dma_wait3A_60 : memref<20096xi32, #tpu.memory_space<hbm>>) dst(%dma_wait3A_59 : memref<20096xi32, #tpu.memory_space<vmem>>)
      tpu.yield
    }) : () -> ()
    %mul3A_1 = arith.constant 20096 : i32
    %mul3A_2 = arith.muli %arg1, %mul3A_1 : i32
    %add3A = arith.constant 321536 : i32
    %add3A_3 = arith.addi %add3A, %mul3A_2 : i32
    "tpu.region"() ({
      %run_scoped3A = tpu.sem_alloc : memref<!tpu.dma_semaphore, #tpu.memory_space<semaphore_mem>>
      %dma_start3A_50 = arith.constant 20096 : i32
      %dma_start3A_51 = tpu.memref_slice %arg5[%dma_start3A_50] : memref<40192xi32, #tpu.memory_space<vmem>> -> memref<20096xi32, #tpu.memory_space<vmem>>
      %dma_start3A_52 = tpu.memref_slice %arg2[%add3A_3] : memref<643072xi32, #tpu.memory_space<hbm>> -> memref<20096xi32, #tpu.memory_space<hbm>>
      %dma_start3A_53 = arith.constant 20096 : i32
      %dma_start3A_54 = tpu.memref_slice %arg5[%dma_start3A_53] : memref<40192xi32, #tpu.memory_space<vmem>> -> memref<20096xi32, #tpu.memory_space<vmem>>
      %dma_start3A_55 = tpu.memref_slice %arg2[%add3A_3] : memref<643072xi32, #tpu.memory_space<hbm>> -> memref<20096xi32, #tpu.memory_space<hbm>>
      tpu.enqueue_dma source(%dma_start3A_55 : memref<20096xi32, #tpu.memory_space<hbm>>) target(%dma_start3A_54 : memref<20096xi32, #tpu.memory_space<vmem>>) target_semaphore(%run_scoped3A : memref<!tpu.dma_semaphore, #tpu.memory_space<semaphore_mem>>)
      %dma_wait3A = arith.constant 20096 : i32
      %dma_wait3A_56 = tpu.memref_slice %arg5[%dma_wait3A] : memref<40192xi32, #tpu.memory_space<vmem>> -> memref<20096xi32, #tpu.memory_space<vmem>>
      %dma_wait3A_57 = tpu.memref_slice %arg2[%add3A_3] : memref<643072xi32, #tpu.memory_space<hbm>> -> memref<20096xi32, #tpu.memory_space<hbm>>
      %dma_wait3A_58 = arith.constant 20096 : i32
      %dma_wait3A_59 = tpu.memref_slice %arg5[%dma_wait3A_58] : memref<40192xi32, #tpu.memory_space<vmem>> -> memref<20096xi32, #tpu.memory_space<vmem>>
      %dma_wait3A_60 = tpu.memref_slice %arg2[%add3A_3] : memref<643072xi32, #tpu.memory_space<hbm>> -> memref<20096xi32, #tpu.memory_space<hbm>>
      tpu.wait_dma2 semaphore(%run_scoped3A : memref<!tpu.dma_semaphore, #tpu.memory_space<semaphore_mem>>) src(%dma_wait3A_60 : memref<20096xi32, #tpu.memory_space<hbm>>) dst(%dma_wait3A_59 : memref<20096xi32, #tpu.memory_space<vmem>>)
      tpu.yield
    }) : () -> ()
    %broadcast_in_dim3A = arith.constant 5120 : i32
    %broadcast_in_dim3A_4 = vector.broadcast %broadcast_in_dim3A : i32 to vector<16xi32>
    %mul3A_5 = vector.broadcast %arg0 : i32 to vector<16xi32>
    %mul3A_6 = arith.muli %broadcast_in_dim3A_4, %mul3A_5 : vector<16xi32>
    %broadcast_in_dim3A_7 = arith.constant 5120 : i32
    %broadcast_in_dim3A_8 = vector.broadcast %broadcast_in_dim3A_7 : i32 to vector<16xi32>
    %broadcast_in_dim3A_9 = arith.constant 127 : i32
    %broadcast_in_dim3A_10 = vector.broadcast %broadcast_in_dim3A_9 : i32 to vector<16xi32>
    %broadcast_in_dim3A_11 = arith.constant 0 : i32
    %broadcast_in_dim3A_12 = vector.broadcast %broadcast_in_dim3A_11 : i32 to vector<16xi32>
    %broadcast_in_dim3A_13 = arith.constant 0.000000e+00 : f32
    %broadcast_in_dim3A_14 = vector.broadcast %broadcast_in_dim3A_13 : f32 to vector<16xf32>
    %scan3A = arith.constant 0 : i32
    %scan3A_15 = arith.constant 0 : i32
    %scan3A_16 = arith.constant 128 : i32
    %scan3A_17 = arith.addi %scan3A_15, %scan3A_16 : i32
    %scan3A_18 = arith.constant 1 : i32
    scf.for %scan3A_50 = %scan3A_15 to %scan3A_17 step %scan3A_18  : i32 {
      %swap3A = arith.index_cast %scan3A_50 : i32 to index
      %swap3A_51 = arith.constant 0 : index
      %swap3A_52 = tpu.vector_load %arg7[%swap3A, %swap3A_51] {strides = array<i32>} : memref<128x128xf32, #tpu.memory_space<vmem>>, vector<1x16xf32>,
      %swap3A_53 = vector.shape_cast %swap3A_52 : vector<1x16xf32> to vector<16xf32>
      %swap3A_54 = vector.shape_cast %broadcast_in_dim3A_14 : vector<16xf32> to vector<1x16xf32>
      tpu.vector_store %arg7[%swap3A, %swap3A_51], %swap3A_54 {strides = array<i32>} : memref<128x128xf32, #tpu.memory_space<vmem>>, vector<1x16xf32>,
      %swap3A_55 = arith.index_cast %scan3A_50 : i32 to index
      %swap3A_56 = arith.constant 16 : index
      %swap3A_57 = tpu.vector_load %arg7[%swap3A_55, %swap3A_56] {strides = array<i32>} : memref<128x128xf32, #tpu.memory_space<vmem>>, vector<1x16xf32>,
      %swap3A_58 = vector.shape_cast %swap3A_57 : vector<1x16xf32> to vector<16xf32>
      %swap3A_59 = vector.shape_cast %broadcast_in_dim3A_14 : vector<16xf32> to vector<1x16xf32>
      tpu.vector_store %arg7[%swap3A_55, %swap3A_56], %swap3A_59 {strides = array<i32>} : memref<128x128xf32, #tpu.memory_space<vmem>>, vector<1x16xf32>,
      %swap3A_60 = arith.index_cast %scan3A_50 : i32 to index
      %swap3A_61 = arith.constant 32 : index
      %swap3A_62 = tpu.vector_load %arg7[%swap3A_60, %swap3A_61] {strides = array<i32>} : memref<128x128xf32, #tpu.memory_space<vmem>>, vector<1x16xf32>,
      %swap3A_63 = vector.shape_cast %swap3A_62 : vector<1x16xf32> to vector<16xf32>
      %swap3A_64 = vector.shape_cast %broadcast_in_dim3A_14 : vector<16xf32> to vector<1x16xf32>
      tpu.vector_store %arg7[%swap3A_60, %swap3A_61], %swap3A_64 {strides = array<i32>} : memref<128x128xf32, #tpu.memory_space<vmem>>, vector<1x16xf32>,
      %swap3A_65 = arith.index_cast %scan3A_50 : i32 to index
      %swap3A_66 = arith.constant 48 : index
      %swap3A_67 = tpu.vector_load %arg7[%swap3A_65, %swap3A_66] {strides = array<i32>} : memref<128x128xf32, #tpu.memory_space<vmem>>, vector<1x16xf32>,
      %swap3A_68 = vector.shape_cast %swap3A_67 : vector<1x16xf32> to vector<16xf32>
      %swap3A_69 = vector.shape_cast %broadcast_in_dim3A_14 : vector<16xf32> to vector<1x16xf32>
      tpu.vector_store %arg7[%swap3A_65, %swap3A_66], %swap3A_69 {strides = array<i32>} : memref<128x128xf32, #tpu.memory_space<vmem>>, vector<1x16xf32>,
      %swap3A_70 = arith.index_cast %scan3A_50 : i32 to index
      %swap3A_71 = arith.constant 64 : index
      %swap3A_72 = tpu.vector_load %arg7[%swap3A_70, %swap3A_71] {strides = array<i32>} : memref<128x128xf32, #tpu.memory_space<vmem>>, vector<1x16xf32>,
      %swap3A_73 = vector.shape_cast %swap3A_72 : vector<1x16xf32> to vector<16xf32>
      %swap3A_74 = vector.shape_cast %broadcast_in_dim3A_14 : vector<16xf32> to vector<1x16xf32>
      tpu.vector_store %arg7[%swap3A_70, %swap3A_71], %swap3A_74 {strides = array<i32>} : memref<128x128xf32, #tpu.memory_space<vmem>>, vector<1x16xf32>,
      %swap3A_75 = arith.index_cast %scan3A_50 : i32 to index
      %swap3A_76 = arith.constant 80 : index
      %swap3A_77 = tpu.vector_load %arg7[%swap3A_75, %swap3A_76] {strides = array<i32>} : memref<128x128xf32, #tpu.memory_space<vmem>>, vector<1x16xf32>,
      %swap3A_78 = vector.shape_cast %swap3A_77 : vector<1x16xf32> to vector<16xf32>
      %swap3A_79 = vector.shape_cast %broadcast_in_dim3A_14 : vector<16xf32> to vector<1x16xf32>
      tpu.vector_store %arg7[%swap3A_75, %swap3A_76], %swap3A_79 {strides = array<i32>} : memref<128x128xf32, #tpu.memory_space<vmem>>, vector<1x16xf32>,
      %swap3A_80 = arith.index_cast %scan3A_50 : i32 to index
      %swap3A_81 = arith.constant 96 : index
      %swap3A_82 = tpu.vector_load %arg7[%swap3A_80, %swap3A_81] {strides = array<i32>} : memref<128x128xf32, #tpu.memory_space<vmem>>, vector<1x16xf32>,
      %swap3A_83 = vector.shape_cast %swap3A_82 : vector<1x16xf32> to vector<16xf32>
      %swap3A_84 = vector.shape_cast %broadcast_in_dim3A_14 : vector<16xf32> to vector<1x16xf32>
      tpu.vector_store %arg7[%swap3A_80, %swap3A_81], %swap3A_84 {strides = array<i32>} : memref<128x128xf32, #tpu.memory_space<vmem>>, vector<1x16xf32>,
      %swap3A_85 = arith.index_cast %scan3A_50 : i32 to index
      %swap3A_86 = arith.constant 112 : index
      %swap3A_87 = tpu.vector_load %arg7[%swap3A_85, %swap3A_86] {strides = array<i32>} : memref<128x128xf32, #tpu.memory_space<vmem>>, vector<1x16xf32>,
      %swap3A_88 = vector.shape_cast %swap3A_87 : vector<1x16xf32> to vector<16xf32>
      %swap3A_89 = vector.shape_cast %broadcast_in_dim3A_14 : vector<16xf32> to vector<1x16xf32>
      tpu.vector_store %arg7[%swap3A_85, %swap3A_86], %swap3A_89 {strides = array<i32>} : memref<128x128xf32, #tpu.memory_space<vmem>>, vector<1x16xf32>,
    }
    %scan3A_19 = arith.constant 128 : i32
    %mul3A_20 = arith.constant 328 : i32
    %mul3A_21 = arith.muli %arg1, %mul3A_20 : i32
    %add3A_22 = arith.constant 0 : i32
    %add3A_23 = arith.addi %mul3A_21, %add3A_22 : i32
    "tpu.region"() ({
      %run_scoped3A = tpu.sem_alloc : memref<!tpu.dma_semaphore, #tpu.memory_space<semaphore_mem>>
      %dma_start3A_50 = arith.constant 0 : i32
      %dma_start3A_51 = tpu.memref_slice %arg9[%add3A_23, %dma_start3A_50] : memref<5248x128xf32, #tpu.memory_space<vmem_shared>> -> memref<128x128xf32, #tpu.memory_space<vmem_shared>>
      %dma_start3A_52 = arith.constant 0 : i32
      %dma_start3A_53 = tpu.memref_slice %arg9[%add3A_23, %dma_start3A_52] : memref<5248x128xf32, #tpu.memory_space<vmem_shared>> -> memref<128x128xf32, #tpu.memory_space<vmem_shared>>
      tpu.enqueue_dma source(%arg7 : memref<128x128xf32, #tpu.memory_space<vmem>>) target(%dma_start3A_53 : memref<128x128xf32, #tpu.memory_space<vmem_shared>>) target_semaphore(%run_scoped3A : memref<!tpu.dma_semaphore, #tpu.memory_space<semaphore_mem>>)
      %dma_wait3A = arith.constant 0 : i32
      %dma_wait3A_54 = tpu.memref_slice %arg9[%add3A_23, %dma_wait3A] : memref<5248x128xf32, #tpu.memory_space<vmem_shared>> -> memref<128x128xf32, #tpu.memory_space<vmem_shared>>
      %dma_wait3A_55 = arith.constant 0 : i32
      %dma_wait3A_56 = tpu.memref_slice %arg9[%add3A_23, %dma_wait3A_55] : memref<5248x128xf32, #tpu.memory_space<vmem_shared>> -> memref<128x128xf32, #tpu.memory_space<vmem_shared>>
      tpu.wait_dma2 semaphore(%run_scoped3A : memref<!tpu.dma_semaphore, #tpu.memory_space<semaphore_mem>>) src(%arg7 : memref<128x128xf32, #tpu.memory_space<vmem>>) dst(%dma_wait3A_56 : memref<128x128xf32, #tpu.memory_space<vmem_shared>>)
      tpu.yield
    }) : () -> ()
    %mul3A_24 = arith.constant 328 : i32
    %mul3A_25 = arith.muli %arg1, %mul3A_24 : i32
    %add3A_26 = arith.constant 128 : i32
    %add3A_27 = arith.addi %mul3A_25, %add3A_26 : i32
    "tpu.region"() ({
      %run_scoped3A = tpu.sem_alloc : memref<!tpu.dma_semaphore, #tpu.memory_space<semaphore_mem>>
      %dma_start3A_50 = arith.constant 0 : i32
      %dma_start3A_51 = tpu.memref_slice %arg9[%add3A_27, %dma_start3A_50] : memref<5248x128xf32, #tpu.memory_space<vmem_shared>> -> memref<128x128xf32, #tpu.memory_space<vmem_shared>>
      %dma_start3A_52 = arith.constant 0 : i32
      %dma_start3A_53 = tpu.memref_slice %arg9[%add3A_27, %dma_start3A_52] : memref<5248x128xf32, #tpu.memory_space<vmem_shared>> -> memref<128x128xf32, #tpu.memory_space<vmem_shared>>
      tpu.enqueue_dma source(%arg7 : memref<128x128xf32, #tpu.memory_space<vmem>>) target(%dma_start3A_53 : memref<128x128xf32, #tpu.memory_space<vmem_shared>>) target_semaphore(%run_scoped3A : memref<!tpu.dma_semaphore, #tpu.memory_space<semaphore_mem>>)
      %dma_wait3A = arith.constant 0 : i32
      %dma_wait3A_54 = tpu.memref_slice %arg9[%add3A_27, %dma_wait3A] : memref<5248x128xf32, #tpu.memory_space<vmem_shared>> -> memref<128x128xf32, #tpu.memory_space<vmem_shared>>
      %dma_wait3A_55 = arith.constant 0 : i32
      %dma_wait3A_56 = tpu.memref_slice %arg9[%add3A_27, %dma_wait3A_55] : memref<5248x128xf32, #tpu.memory_space<vmem_shared>> -> memref<128x128xf32, #tpu.memory_space<vmem_shared>>
      tpu.wait_dma2 semaphore(%run_scoped3A : memref<!tpu.dma_semaphore, #tpu.memory_space<semaphore_mem>>) src(%arg7 : memref<128x128xf32, #tpu.memory_space<vmem>>) dst(%dma_wait3A_56 : memref<128x128xf32, #tpu.memory_space<vmem_shared>>)
      tpu.yield
    }) : () -> ()
    %mul3A_28 = arith.constant 328 : i32
    %mul3A_29 = arith.muli %arg1, %mul3A_28 : i32
    %add3A_30 = arith.constant 256 : i32
    %add3A_31 = arith.addi %mul3A_29, %add3A_30 : i32
    "tpu.region"() ({
      %run_scoped3A = tpu.sem_alloc : memref<!tpu.dma_semaphore, #tpu.memory_space<semaphore_mem>>
      %dma_start3A_50 = arith.constant 0 : i32
      %dma_start3A_51 = arith.constant 0 : i32
      %dma_start3A_52 = tpu.memref_slice %arg7[%dma_start3A_50, %dma_start3A_51] : memref<128x128xf32, #tpu.memory_space<vmem>> -> memref<72x128xf32, #tpu.memory_space<vmem>>
      %dma_start3A_53 = arith.constant 0 : i32
      %dma_start3A_54 = tpu.memref_slice %arg9[%add3A_31, %dma_start3A_53] : memref<5248x128xf32, #tpu.memory_space<vmem_shared>> -> memref<72x128xf32, #tpu.memory_space<vmem_shared>>
      %dma_start3A_55 = arith.constant 0 : i32
      %dma_start3A_56 = tpu.memref_slice %arg9[%add3A_31, %dma_start3A_55] : memref<5248x128xf32, #tpu.memory_space<vmem_shared>> -> memref<72x128xf32, #tpu.memory_space<vmem_shared>>
      %dma_start3A_57 = arith.constant 0 : i32
      %dma_start3A_58 = arith.constant 0 : i32
      %dma_start3A_59 = tpu.memref_slice %arg7[%dma_start3A_57, %dma_start3A_58] : memref<128x128xf32, #tpu.memory_space<vmem>> -> memref<72x128xf32, #tpu.memory_space<vmem>>
      tpu.enqueue_dma source(%dma_start3A_59 : memref<72x128xf32, #tpu.memory_space<vmem>>) target(%dma_start3A_56 : memref<72x128xf32, #tpu.memory_space<vmem_shared>>) target_semaphore(%run_scoped3A : memref<!tpu.dma_semaphore, #tpu.memory_space<semaphore_mem>>)
      %dma_wait3A = arith.constant 0 : i32
      %dma_wait3A_60 = arith.constant 0 : i32
      %dma_wait3A_61 = tpu.memref_slice %arg7[%dma_wait3A, %dma_wait3A_60] : memref<128x128xf32, #tpu.memory_space<vmem>> -> memref<72x128xf32, #tpu.memory_space<vmem>>
      %dma_wait3A_62 = arith.constant 0 : i32
      %dma_wait3A_63 = tpu.memref_slice %arg9[%add3A_31, %dma_wait3A_62] : memref<5248x128xf32, #tpu.memory_space<vmem_shared>> -> memref<72x128xf32, #tpu.memory_space<vmem_shared>>
      %dma_wait3A_64 = arith.constant 0 : i32
      %dma_wait3A_65 = tpu.memref_slice %arg9[%add3A_31, %dma_wait3A_64] : memref<5248x128xf32, #tpu.memory_space<vmem_shared>> -> memref<72x128xf32, #tpu.memory_space<vmem_shared>>
      %dma_wait3A_66 = arith.constant 0 : i32
      %dma_wait3A_67 = arith.constant 0 : i32
      %dma_wait3A_68 = tpu.memref_slice %arg7[%dma_wait3A_66, %dma_wait3A_67] : memref<128x128xf32, #tpu.memory_space<vmem>> -> memref<72x128xf32, #tpu.memory_space<vmem>>
      tpu.wait_dma2 semaphore(%run_scoped3A : memref<!tpu.dma_semaphore, #tpu.memory_space<semaphore_mem>>) src(%dma_wait3A_68 : memref<72x128xf32, #tpu.memory_space<vmem>>) dst(%dma_wait3A_65 : memref<72x128xf32, #tpu.memory_space<vmem_shared>>)
      tpu.yield
    }) : () -> ()
    %barrier3A = arith.constant 0 : index
    tpu.barrier barrier_id(%barrier3A)
    %dma_start3A = arith.constant 0 : i32
    %dma_start3A_32 = tpu.memref_slice %arg5[%dma_start3A] : memref<40192xi32, #tpu.memory_space<vmem>> -> memref<128xi32, #tpu.memory_space<vmem>>
    %dma_start3A_33 = arith.constant 0 : i32
    %dma_start3A_34 = arith.constant 0 : i32
    %dma_start3A_35 = tpu.memref_slice %arg3[%dma_start3A_33, %dma_start3A_34] : memref<10240x128xf32, #tpu.memory_space<hbm>> -> memref<10240x128xf32, #tpu.memory_space<hbm>>
    tpu.enqueue_indirect_dma source(%dma_start3A_35 : memref<10240x128xf32, #tpu.memory_space<hbm>>) target(%arg7 : memref<128x128xf32, #tpu.memory_space<vmem>>) offsets(%dma_start3A_32 : memref<128xi32, #tpu.memory_space<vmem>>) semaphore(%arg10 : memref<!tpu.dma_semaphore, #tpu.memory_space<semaphore_mem>>)
    %scan3A_36 = arith.constant 0 : i32
    %scan3A_37 = arith.constant 0 : i32
    %scan3A_38 = arith.constant 157 : i32
    %scan3A_39 = arith.addi %scan3A_37, %scan3A_38 : i32
    %scan3A_40 = arith.constant 1 : i32
    scf.for %scan3A_50 = %scan3A_37 to %scan3A_39 step %scan3A_40  : i32 {
      %mul3A_51 = arith.constant 128 : i32
      %mul3A_52 = arith.muli %scan3A_50, %mul3A_51 : i32
      %add3A_53 = arith.constant 20096 : i32
      %add3A_54 = arith.addi %add3A_53, %mul3A_52 : i32
      %dma_start3A_55 = tpu.memref_slice %arg5[%add3A_54] : memref<40192xi32, #tpu.memory_space<vmem>> -> memref<128xi32, #tpu.memory_space<vmem>>
      %dma_start3A_56 = arith.constant 0 : i32
      %dma_start3A_57 = arith.constant 0 : i32
      %dma_start3A_58 = tpu.memref_slice %arg3[%dma_start3A_56, %dma_start3A_57] : memref<10240x128xf32, #tpu.memory_space<hbm>> -> memref<10240x128xf32, #tpu.memory_space<hbm>>
      tpu.enqueue_indirect_dma source(%dma_start3A_58 : memref<10240x128xf32, #tpu.memory_space<hbm>>) target(%arg8 : memref<128x128xf32, #tpu.memory_space<vmem>>) offsets(%dma_start3A_55 : memref<128xi32, #tpu.memory_space<vmem>>) semaphore(%arg11 : memref<!tpu.dma_semaphore, #tpu.memory_space<semaphore_mem>>)
      %mul3A_59 = arith.constant 128 : i32
      %mul3A_60 = arith.muli %scan3A_50, %mul3A_59 : i32
      %add3A_61 = arith.constant 20096 : i32
      %add3A_62 = arith.addi %add3A_61, %mul3A_60 : i32
      %add3A_63 = arith.constant 0 : i32
      %add3A_64 = arith.addi %add3A_62, %add3A_63 : i32
      %get3A = arith.index_cast %add3A_64 : i32 to index
      %get3A_65 = tpu.vector_load %arg5[%get3A] {strides = array<i32>} : memref<40192xi32, #tpu.memory_space<vmem>>, vector<16xi32>,
      %sub3A = arith.subi %get3A_65, %mul3A_6 : vector<16xi32>
      %ge3A = arith.cmpi sge, %sub3A, %broadcast_in_dim3A_12 : vector<16xi32>
      %lt3A = arith.cmpi slt, %sub3A, %broadcast_in_dim3A_8 : vector<16xi32>
      %and3A = arith.andi %ge3A, %lt3A : vector<16xi1>
      %and3A_66 = arith.andi %get3A_65, %broadcast_in_dim3A_10 : vector<16xi32>
      %add3A_67 = arith.addi %broadcast_in_dim3A_8, %and3A_66 : vector<16xi32>
      %select_n3A = arith.select %and3A, %sub3A, %add3A_67 : vector<16xi1>, vector<16xi32>
      %swap3A = arith.constant 0 : i32
      %swap3A_68 = arith.index_cast %swap3A : i32 to index
      %swap3A_69 = arith.constant 0 : index
      %swap3A_70 = tpu.vector_load %arg6[%swap3A_68, %swap3A_69] {strides = array<i32>} : memref<2x128xi32, #tpu.memory_space<vmem>>, vector<1x16xi32>,
      %swap3A_71 = vector.shape_cast %swap3A_70 : vector<1x16xi32> to vector<16xi32>
      %swap3A_72 = vector.shape_cast %select_n3A : vector<16xi32> to vector<1x16xi32>
      tpu.vector_store %arg6[%swap3A_68, %swap3A_69], %swap3A_72 {strides = array<i32>} : memref<2x128xi32, #tpu.memory_space<vmem>>, vector<1x16xi32>,
      %add3A_73 = arith.constant 16 : i32
      %add3A_74 = arith.addi %add3A_62, %add3A_73 : i32
      %get3A_75 = arith.index_cast %add3A_74 : i32 to index
      %get3A_76 = tpu.vector_load %arg5[%get3A_75] {strides = array<i32>} : memref<40192xi32, #tpu.memory_space<vmem>>, vector<16xi32>,
      %sub3A_77 = arith.subi %get3A_76, %mul3A_6 : vector<16xi32>
      %ge3A_78 = arith.cmpi sge, %sub3A_77, %broadcast_in_dim3A_12 : vector<16xi32>
      %lt3A_79 = arith.cmpi slt, %sub3A_77, %broadcast_in_dim3A_8 : vector<16xi32>
      %and3A_80 = arith.andi %ge3A_78, %lt3A_79 : vector<16xi1>
      %and3A_81 = arith.andi %get3A_76, %broadcast_in_dim3A_10 : vector<16xi32>
      %add3A_82 = arith.addi %broadcast_in_dim3A_8, %and3A_81 : vector<16xi32>
      %select_n3A_83 = arith.select %and3A_80, %sub3A_77, %add3A_82 : vector<16xi1>, vector<16xi32>
      %swap3A_84 = arith.constant 0 : i32
      %swap3A_85 = arith.index_cast %swap3A_84 : i32 to index
      %swap3A_86 = arith.constant 16 : index
      %swap3A_87 = tpu.vector_load %arg6[%swap3A_85, %swap3A_86] {strides = array<i32>} : memref<2x128xi32, #tpu.memory_space<vmem>>, vector<1x16xi32>,
      %swap3A_88 = vector.shape_cast %swap3A_87 : vector<1x16xi32> to vector<16xi32>
      %swap3A_89 = vector.shape_cast %select_n3A_83 : vector<16xi32> to vector<1x16xi32>
      tpu.vector_store %arg6[%swap3A_85, %swap3A_86], %swap3A_89 {strides = array<i32>} : memref<2x128xi32, #tpu.memory_space<vmem>>, vector<1x16xi32>,
      %add3A_90 = arith.constant 32 : i32
      %add3A_91 = arith.addi %add3A_62, %add3A_90 : i32
      %get3A_92 = arith.index_cast %add3A_91 : i32 to index
      %get3A_93 = tpu.vector_load %arg5[%get3A_92] {strides = array<i32>} : memref<40192xi32, #tpu.memory_space<vmem>>, vector<16xi32>,
      %sub3A_94 = arith.subi %get3A_93, %mul3A_6 : vector<16xi32>
      %ge3A_95 = arith.cmpi sge, %sub3A_94, %broadcast_in_dim3A_12 : vector<16xi32>
      %lt3A_96 = arith.cmpi slt, %sub3A_94, %broadcast_in_dim3A_8 : vector<16xi32>
      %and3A_97 = arith.andi %ge3A_95, %lt3A_96 : vector<16xi1>
      %and3A_98 = arith.andi %get3A_93, %broadcast_in_dim3A_10 : vector<16xi32>
      %add3A_99 = arith.addi %broadcast_in_dim3A_8, %and3A_98 : vector<16xi32>
      %select_n3A_100 = arith.select %and3A_97, %sub3A_94, %add3A_99 : vector<16xi1>, vector<16xi32>
      %swap3A_101 = arith.constant 0 : i32
      %swap3A_102 = arith.index_cast %swap3A_101 : i32 to index
      %swap3A_103 = arith.constant 32 : index
      %swap3A_104 = tpu.vector_load %arg6[%swap3A_102, %swap3A_103] {strides = array<i32>} : memref<2x128xi32, #tpu.memory_space<vmem>>, vector<1x16xi32>,
      %swap3A_105 = vector.shape_cast %swap3A_104 : vector<1x16xi32> to vector<16xi32>
      %swap3A_106 = vector.shape_cast %select_n3A_100 : vector<16xi32> to vector<1x16xi32>
      tpu.vector_store %arg6[%swap3A_102, %swap3A_103], %swap3A_106 {strides = array<i32>} : memref<2x128xi32, #tpu.memory_space<vmem>>, vector<1x16xi32>,
      %add3A_107 = arith.constant 48 : i32
      %add3A_108 = arith.addi %add3A_62, %add3A_107 : i32
      %get3A_109 = arith.index_cast %add3A_108 : i32 to index
      %get3A_110 = tpu.vector_load %arg5[%get3A_109] {strides = array<i32>} : memref<40192xi32, #tpu.memory_space<vmem>>, vector<16xi32>,
      %sub3A_111 = arith.subi %get3A_110, %mul3A_6 : vector<16xi32>
      %ge3A_112 = arith.cmpi sge, %sub3A_111, %broadcast_in_dim3A_12 : vector<16xi32>
      %lt3A_113 = arith.cmpi slt, %sub3A_111, %broadcast_in_dim3A_8 : vector<16xi32>
      %and3A_114 = arith.andi %ge3A_112, %lt3A_113 : vector<16xi1>
      %and3A_115 = arith.andi %get3A_110, %broadcast_in_dim3A_10 : vector<16xi32>
      %add3A_116 = arith.addi %broadcast_in_dim3A_8, %and3A_115 : vector<16xi32>
      %select_n3A_117 = arith.select %and3A_114, %sub3A_111, %add3A_116 : vector<16xi1>, vector<16xi32>
      %swap3A_118 = arith.constant 0 : i32
      %swap3A_119 = arith.index_cast %swap3A_118 : i32 to index
      %swap3A_120 = arith.constant 48 : index
      %swap3A_121 = tpu.vector_load %arg6[%swap3A_119, %swap3A_120] {strides = array<i32>} : memref<2x128xi32, #tpu.memory_space<vmem>>, vector<1x16xi32>,
      %swap3A_122 = vector.shape_cast %swap3A_121 : vector<1x16xi32> to vector<16xi32>
      %swap3A_123 = vector.shape_cast %select_n3A_117 : vector<16xi32> to vector<1x16xi32>
      tpu.vector_store %arg6[%swap3A_119, %swap3A_120], %swap3A_123 {strides = array<i32>} : memref<2x128xi32, #tpu.memory_space<vmem>>, vector<1x16xi32>,
      %add3A_124 = arith.constant 64 : i32
      %add3A_125 = arith.addi %add3A_62, %add3A_124 : i32
      %get3A_126 = arith.index_cast %add3A_125 : i32 to index
      %get3A_127 = tpu.vector_load %arg5[%get3A_126] {strides = array<i32>} : memref<40192xi32, #tpu.memory_space<vmem>>, vector<16xi32>,
      %sub3A_128 = arith.subi %get3A_127, %mul3A_6 : vector<16xi32>
      %ge3A_129 = arith.cmpi sge, %sub3A_128, %broadcast_in_dim3A_12 : vector<16xi32>
      %lt3A_130 = arith.cmpi slt, %sub3A_128, %broadcast_in_dim3A_8 : vector<16xi32>
      %and3A_131 = arith.andi %ge3A_129, %lt3A_130 : vector<16xi1>
      %and3A_132 = arith.andi %get3A_127, %broadcast_in_dim3A_10 : vector<16xi32>
      %add3A_133 = arith.addi %broadcast_in_dim3A_8, %and3A_132 : vector<16xi32>
      %select_n3A_134 = arith.select %and3A_131, %sub3A_128, %add3A_133 : vector<16xi1>, vector<16xi32>
      %swap3A_135 = arith.constant 0 : i32
      %swap3A_136 = arith.index_cast %swap3A_135 : i32 to index
      %swap3A_137 = arith.constant 64 : index
      %swap3A_138 = tpu.vector_load %arg6[%swap3A_136, %swap3A_137] {strides = array<i32>} : memref<2x128xi32, #tpu.memory_space<vmem>>, vector<1x16xi32>,
      %swap3A_139 = vector.shape_cast %swap3A_138 : vector<1x16xi32> to vector<16xi32>
      %swap3A_140 = vector.shape_cast %select_n3A_134 : vector<16xi32> to vector<1x16xi32>
      tpu.vector_store %arg6[%swap3A_136, %swap3A_137], %swap3A_140 {strides = array<i32>} : memref<2x128xi32, #tpu.memory_space<vmem>>, vector<1x16xi32>,
      %add3A_141 = arith.constant 80 : i32
      %add3A_142 = arith.addi %add3A_62, %add3A_141 : i32
      %get3A_143 = arith.index_cast %add3A_142 : i32 to index
      %get3A_144 = tpu.vector_load %arg5[%get3A_143] {strides = array<i32>} : memref<40192xi32, #tpu.memory_space<vmem>>, vector<16xi32>,
      %sub3A_145 = arith.subi %get3A_144, %mul3A_6 : vector<16xi32>
      %ge3A_146 = arith.cmpi sge, %sub3A_145, %broadcast_in_dim3A_12 : vector<16xi32>
      %lt3A_147 = arith.cmpi slt, %sub3A_145, %broadcast_in_dim3A_8 : vector<16xi32>
      %and3A_148 = arith.andi %ge3A_146, %lt3A_147 : vector<16xi1>
      %and3A_149 = arith.andi %get3A_144, %broadcast_in_dim3A_10 : vector<16xi32>
      %add3A_150 = arith.addi %broadcast_in_dim3A_8, %and3A_149 : vector<16xi32>
      %select_n3A_151 = arith.select %and3A_148, %sub3A_145, %add3A_150 : vector<16xi1>, vector<16xi32>
      %swap3A_152 = arith.constant 0 : i32
      %swap3A_153 = arith.index_cast %swap3A_152 : i32 to index
      %swap3A_154 = arith.constant 80 : index
      %swap3A_155 = tpu.vector_load %arg6[%swap3A_153, %swap3A_154] {strides = array<i32>} : memref<2x128xi32, #tpu.memory_space<vmem>>, vector<1x16xi32>,
      %swap3A_156 = vector.shape_cast %swap3A_155 : vector<1x16xi32> to vector<16xi32>
      %swap3A_157 = vector.shape_cast %select_n3A_151 : vector<16xi32> to vector<1x16xi32>
      tpu.vector_store %arg6[%swap3A_153, %swap3A_154], %swap3A_157 {strides = array<i32>} : memref<2x128xi32, #tpu.memory_space<vmem>>, vector<1x16xi32>,
      %add3A_158 = arith.constant 96 : i32
      %add3A_159 = arith.addi %add3A_62, %add3A_158 : i32
      %get3A_160 = arith.index_cast %add3A_159 : i32 to index
      %get3A_161 = tpu.vector_load %arg5[%get3A_160] {strides = array<i32>} : memref<40192xi32, #tpu.memory_space<vmem>>, vector<16xi32>,
      %sub3A_162 = arith.subi %get3A_161, %mul3A_6 : vector<16xi32>
      %ge3A_163 = arith.cmpi sge, %sub3A_162, %broadcast_in_dim3A_12 : vector<16xi32>
      %lt3A_164 = arith.cmpi slt, %sub3A_162, %broadcast_in_dim3A_8 : vector<16xi32>
      %and3A_165 = arith.andi %ge3A_163, %lt3A_164 : vector<16xi1>
      %and3A_166 = arith.andi %get3A_161, %broadcast_in_dim3A_10 : vector<16xi32>
      %add3A_167 = arith.addi %broadcast_in_dim3A_8, %and3A_166 : vector<16xi32>
      %select_n3A_168 = arith.select %and3A_165, %sub3A_162, %add3A_167 : vector<16xi1>, vector<16xi32>
      %swap3A_169 = arith.constant 0 : i32
      %swap3A_170 = arith.index_cast %swap3A_169 : i32 to index
      %swap3A_171 = arith.constant 96 : index
      %swap3A_172 = tpu.vector_load %arg6[%swap3A_170, %swap3A_171] {strides = array<i32>} : memref<2x128xi32, #tpu.memory_space<vmem>>, vector<1x16xi32>,
      %swap3A_173 = vector.shape_cast %swap3A_172 : vector<1x16xi32> to vector<16xi32>
      %swap3A_174 = vector.shape_cast %select_n3A_168 : vector<16xi32> to vector<1x16xi32>
      tpu.vector_store %arg6[%swap3A_170, %swap3A_171], %swap3A_174 {strides = array<i32>} : memref<2x128xi32, #tpu.memory_space<vmem>>, vector<1x16xi32>,
      %add3A_175 = arith.constant 112 : i32
      %add3A_176 = arith.addi %add3A_62, %add3A_175 : i32
      %get3A_177 = arith.index_cast %add3A_176 : i32 to index
      %get3A_178 = tpu.vector_load %arg5[%get3A_177] {strides = array<i32>} : memref<40192xi32, #tpu.memory_space<vmem>>, vector<16xi32>,
      %sub3A_179 = arith.subi %get3A_178, %mul3A_6 : vector<16xi32>
      %ge3A_180 = arith.cmpi sge, %sub3A_179, %broadcast_in_dim3A_12 : vector<16xi32>
      %lt3A_181 = arith.cmpi slt, %sub3A_179, %broadcast_in_dim3A_8 : vector<16xi32>
      %and3A_182 = arith.andi %ge3A_180, %lt3A_181 : vector<16xi1>
      %and3A_183 = arith.andi %get3A_178, %broadcast_in_dim3A_10 : vector<16xi32>
      %add3A_184 = arith.addi %broadcast_in_dim3A_8, %and3A_183 : vector<16xi32>
      %select_n3A_185 = arith.select %and3A_182, %sub3A_179, %add3A_184 : vector<16xi1>, vector<16xi32>
      %swap3A_186 = arith.constant 0 : i32
      %swap3A_187 = arith.index_cast %swap3A_186 : i32 to index
      %swap3A_188 = arith.constant 112 : index
      %swap3A_189 = tpu.vector_load %arg6[%swap3A_187, %swap3A_188] {strides = array<i32>} : memref<2x128xi32, #tpu.memory_space<vmem>>, vector<1x16xi32>,
      %swap3A_190 = vector.shape_cast %swap3A_189 : vector<1x16xi32> to vector<16xi32>
      %swap3A_191 = vector.shape_cast %select_n3A_185 : vector<16xi32> to vector<1x16xi32>
      tpu.vector_store %arg6[%swap3A_187, %swap3A_188], %swap3A_191 {strides = array<i32>} : memref<2x128xi32, #tpu.memory_space<vmem>>, vector<1x16xi32>,
      %dma_wait3A = arith.constant 0 : i32
      %dma_wait3A_192 = tpu.memref_slice %arg5[%dma_wait3A] : memref<40192xi32, #tpu.memory_space<vmem>> -> memref<128xi32, #tpu.memory_space<vmem>>
      %dma_wait3A_193 = arith.constant 0 : i32
      %dma_wait3A_194 = arith.constant 0 : i32
      %dma_wait3A_195 = tpu.memref_slice %arg3[%dma_wait3A_193, %dma_wait3A_194] : memref<10240x128xf32, #tpu.memory_space<hbm>> -> memref<10240x128xf32, #tpu.memory_space<hbm>>
      tpu.wait_indirect_dma semaphore(%arg10 : memref<!tpu.dma_semaphore, #tpu.memory_space<semaphore_mem>>) src(%dma_wait3A_195 : memref<10240x128xf32, #tpu.memory_space<hbm>>) dst(%arg7 : memref<128x128xf32, #tpu.memory_space<vmem>>)
      %run_scoped3A = arith.constant 0 : i32
      "tpu.region"() ({
        %run_scoped3A_343 = tpu.sem_alloc : memref<!tpu.dma_semaphore, #tpu.memory_space<semaphore_mem>>
        %dma_start3A_344 = arith.constant 0 : i32
        %dma_start3A_345 = tpu.memref_slice %arg6[%run_scoped3A, %dma_start3A_344] : memref<2x128xi32, #tpu.memory_space<vmem>> -> memref<1x128xi32, #tpu.memory_space<vmem>>
        %dma_start3A_346 = tpu.memref_squeeze %dma_start3A_345 : memref<1x128xi32, #tpu.memory_space<vmem>> -> memref<128xi32, #tpu.memory_space<vmem>>
        %dma_start3A_347 = arith.constant 0 : i32
        %dma_start3A_348 = arith.constant 0 : i32
        %dma_start3A_349 = tpu.memref_slice %arg9[%dma_start3A_347, %dma_start3A_348] : memref<5248x128xf32, #tpu.memory_space<vmem_shared>> -> memref<5248x128xf32, #tpu.memory_space<vmem_shared>>
        tpu.enqueue_indirect_dma source(%arg7 : memref<128x128xf32, #tpu.memory_space<vmem>>) target(%dma_start3A_349 : memref<5248x128xf32, #tpu.memory_space<vmem_shared>>) offsets(%dma_start3A_346 : memref<128xi32, #tpu.memory_space<vmem>>) semaphore(%run_scoped3A_343 : memref<!tpu.dma_semaphore, #tpu.memory_space<semaphore_mem>>) {add = true}
        %dma_wait3A_350 = arith.constant 0 : i32
        %dma_wait3A_351 = tpu.memref_slice %arg6[%run_scoped3A, %dma_wait3A_350] : memref<2x128xi32, #tpu.memory_space<vmem>> -> memref<1x128xi32, #tpu.memory_space<vmem>>
        %dma_wait3A_352 = tpu.memref_squeeze %dma_wait3A_351 : memref<1x128xi32, #tpu.memory_space<vmem>> -> memref<128xi32, #tpu.memory_space<vmem>>
        %dma_wait3A_353 = arith.constant 0 : i32
        %dma_wait3A_354 = arith.constant 0 : i32
        %dma_wait3A_355 = tpu.memref_slice %arg9[%dma_wait3A_353, %dma_wait3A_354] : memref<5248x128xf32, #tpu.memory_space<vmem_shared>> -> memref<5248x128xf32, #tpu.memory_space<vmem_shared>>
        tpu.wait_indirect_dma semaphore(%run_scoped3A_343 : memref<!tpu.dma_semaphore, #tpu.memory_space<semaphore_mem>>) src(%arg7 : memref<128x128xf32, #tpu.memory_space<vmem>>) dst(%dma_wait3A_355 : memref<5248x128xf32, #tpu.memory_space<vmem_shared>>)
        tpu.yield
      }) : () -> ()
      %lt3A_196 = arith.constant 156 : i32
      %lt3A_197 = arith.cmpi slt, %scan3A_50, %lt3A_196 : i32
      %convert_element_type3A = arith.extui %lt3A_197 : i1 to i32
      %cond3A = arith.constant 0 : i32
      %cond3A_198 = arith.cmpi ne, %convert_element_type3A, %cond3A : i32
      scf.if %cond3A_198 {
        %add3A_343 = arith.constant 1 : i32
        %add3A_344 = arith.addi %scan3A_50, %add3A_343 : i32
        %mul3A_345 = arith.constant 128 : i32
        %mul3A_346 = arith.muli %add3A_344, %mul3A_345 : i32
        %dma_start3A_347 = tpu.memref_slice %arg5[%mul3A_346] : memref<40192xi32, #tpu.memory_space<vmem>> -> memref<128xi32, #tpu.memory_space<vmem>>
        %dma_start3A_348 = arith.constant 0 : i32
        %dma_start3A_349 = arith.constant 0 : i32
        %dma_start3A_350 = tpu.memref_slice %arg3[%dma_start3A_348, %dma_start3A_349] : memref<10240x128xf32, #tpu.memory_space<hbm>> -> memref<10240x128xf32, #tpu.memory_space<hbm>>
        tpu.enqueue_indirect_dma source(%dma_start3A_350 : memref<10240x128xf32, #tpu.memory_space<hbm>>) target(%arg7 : memref<128x128xf32, #tpu.memory_space<vmem>>) offsets(%dma_start3A_347 : memref<128xi32, #tpu.memory_space<vmem>>) semaphore(%arg10 : memref<!tpu.dma_semaphore, #tpu.memory_space<semaphore_mem>>)
      } else {
      }
      %mul3A_199 = arith.constant 128 : i32
      %mul3A_200 = arith.muli %scan3A_50, %mul3A_199 : i32
      %add3A_201 = arith.constant 0 : i32
      %add3A_202 = arith.addi %mul3A_200, %add3A_201 : i32
      %get3A_203 = arith.index_cast %add3A_202 : i32 to index
      %get3A_204 = tpu.vector_load %arg5[%get3A_203] {strides = array<i32>} : memref<40192xi32, #tpu.memory_space<vmem>>, vector<16xi32>,
      %sub3A_205 = arith.subi %get3A_204, %mul3A_6 : vector<16xi32>
      %ge3A_206 = arith.cmpi sge, %sub3A_205, %broadcast_in_dim3A_12 : vector<16xi32>
      %lt3A_207 = arith.cmpi slt, %sub3A_205, %broadcast_in_dim3A_8 : vector<16xi32>
      %and3A_208 = arith.andi %ge3A_206, %lt3A_207 : vector<16xi1>
      %and3A_209 = arith.andi %get3A_204, %broadcast_in_dim3A_10 : vector<16xi32>
      %add3A_210 = arith.addi %broadcast_in_dim3A_8, %and3A_209 : vector<16xi32>
      %select_n3A_211 = arith.select %and3A_208, %sub3A_205, %add3A_210 : vector<16xi1>, vector<16xi32>
      %swap3A_212 = arith.constant 1 : i32
      %swap3A_213 = arith.index_cast %swap3A_212 : i32 to index
      %swap3A_214 = arith.constant 0 : index
      %swap3A_215 = tpu.vector_load %arg6[%swap3A_213, %swap3A_214] {strides = array<i32>} : memref<2x128xi32, #tpu.memory_space<vmem>>, vector<1x16xi32>,
      %swap3A_216 = vector.shape_cast %swap3A_215 : vector<1x16xi32> to vector<16xi32>
      %swap3A_217 = vector.shape_cast %select_n3A_211 : vector<16xi32> to vector<1x16xi32>
      tpu.vector_store %arg6[%swap3A_213, %swap3A_214], %swap3A_217 {strides = array<i32>} : memref<2x128xi32, #tpu.memory_space<vmem>>, vector<1x16xi32>,
      %add3A_218 = arith.constant 16 : i32
      %add3A_219 = arith.addi %mul3A_200, %add3A_218 : i32
      %get3A_220 = arith.index_cast %add3A_219 : i32 to index
      %get3A_221 = tpu.vector_load %arg5[%get3A_220] {strides = array<i32>} : memref<40192xi32, #tpu.memory_space<vmem>>, vector<16xi32>,
      %sub3A_222 = arith.subi %get3A_221, %mul3A_6 : vector<16xi32>
      %ge3A_223 = arith.cmpi sge, %sub3A_222, %broadcast_in_dim3A_12 : vector<16xi32>
      %lt3A_224 = arith.cmpi slt, %sub3A_222, %broadcast_in_dim3A_8 : vector<16xi32>
      %and3A_225 = arith.andi %ge3A_223, %lt3A_224 : vector<16xi1>
      %and3A_226 = arith.andi %get3A_221, %broadcast_in_dim3A_10 : vector<16xi32>
      %add3A_227 = arith.addi %broadcast_in_dim3A_8, %and3A_226 : vector<16xi32>
      %select_n3A_228 = arith.select %and3A_225, %sub3A_222, %add3A_227 : vector<16xi1>, vector<16xi32>
      %swap3A_229 = arith.constant 1 : i32
      %swap3A_230 = arith.index_cast %swap3A_229 : i32 to index
      %swap3A_231 = arith.constant 16 : index
      %swap3A_232 = tpu.vector_load %arg6[%swap3A_230, %swap3A_231] {strides = array<i32>} : memref<2x128xi32, #tpu.memory_space<vmem>>, vector<1x16xi32>,
      %swap3A_233 = vector.shape_cast %swap3A_232 : vector<1x16xi32> to vector<16xi32>
      %swap3A_234 = vector.shape_cast %select_n3A_228 : vector<16xi32> to vector<1x16xi32>
      tpu.vector_store %arg6[%swap3A_230, %swap3A_231], %swap3A_234 {strides = array<i32>} : memref<2x128xi32, #tpu.memory_space<vmem>>, vector<1x16xi32>,
      %add3A_235 = arith.constant 32 : i32
      %add3A_236 = arith.addi %mul3A_200, %add3A_235 : i32
      %get3A_237 = arith.index_cast %add3A_236 : i32 to index
      %get3A_238 = tpu.vector_load %arg5[%get3A_237] {strides = array<i32>} : memref<40192xi32, #tpu.memory_space<vmem>>, vector<16xi32>,
      %sub3A_239 = arith.subi %get3A_238, %mul3A_6 : vector<16xi32>
      %ge3A_240 = arith.cmpi sge, %sub3A_239, %broadcast_in_dim3A_12 : vector<16xi32>
      %lt3A_241 = arith.cmpi slt, %sub3A_239, %broadcast_in_dim3A_8 : vector<16xi32>
      %and3A_242 = arith.andi %ge3A_240, %lt3A_241 : vector<16xi1>
      %and3A_243 = arith.andi %get3A_238, %broadcast_in_dim3A_10 : vector<16xi32>
      %add3A_244 = arith.addi %broadcast_in_dim3A_8, %and3A_243 : vector<16xi32>
      %select_n3A_245 = arith.select %and3A_242, %sub3A_239, %add3A_244 : vector<16xi1>, vector<16xi32>
      %swap3A_246 = arith.constant 1 : i32
      %swap3A_247 = arith.index_cast %swap3A_246 : i32 to index
      %swap3A_248 = arith.constant 32 : index
      %swap3A_249 = tpu.vector_load %arg6[%swap3A_247, %swap3A_248] {strides = array<i32>} : memref<2x128xi32, #tpu.memory_space<vmem>>, vector<1x16xi32>,
      %swap3A_250 = vector.shape_cast %swap3A_249 : vector<1x16xi32> to vector<16xi32>
      %swap3A_251 = vector.shape_cast %select_n3A_245 : vector<16xi32> to vector<1x16xi32>
      tpu.vector_store %arg6[%swap3A_247, %swap3A_248], %swap3A_251 {strides = array<i32>} : memref<2x128xi32, #tpu.memory_space<vmem>>, vector<1x16xi32>,
      %add3A_252 = arith.constant 48 : i32
      %add3A_253 = arith.addi %mul3A_200, %add3A_252 : i32
      %get3A_254 = arith.index_cast %add3A_253 : i32 to index
      %get3A_255 = tpu.vector_load %arg5[%get3A_254] {strides = array<i32>} : memref<40192xi32, #tpu.memory_space<vmem>>, vector<16xi32>,
      %sub3A_256 = arith.subi %get3A_255, %mul3A_6 : vector<16xi32>
      %ge3A_257 = arith.cmpi sge, %sub3A_256, %broadcast_in_dim3A_12 : vector<16xi32>
      %lt3A_258 = arith.cmpi slt, %sub3A_256, %broadcast_in_dim3A_8 : vector<16xi32>
      %and3A_259 = arith.andi %ge3A_257, %lt3A_258 : vector<16xi1>
      %and3A_260 = arith.andi %get3A_255, %broadcast_in_dim3A_10 : vector<16xi32>
      %add3A_261 = arith.addi %broadcast_in_dim3A_8, %and3A_260 : vector<16xi32>
      %select_n3A_262 = arith.select %and3A_259, %sub3A_256, %add3A_261 : vector<16xi1>, vector<16xi32>
      %swap3A_263 = arith.constant 1 : i32
      %swap3A_264 = arith.index_cast %swap3A_263 : i32 to index
      %swap3A_265 = arith.constant 48 : index
      %swap3A_266 = tpu.vector_load %arg6[%swap3A_264, %swap3A_265] {strides = array<i32>} : memref<2x128xi32, #tpu.memory_space<vmem>>, vector<1x16xi32>,
      %swap3A_267 = vector.shape_cast %swap3A_266 : vector<1x16xi32> to vector<16xi32>
      %swap3A_268 = vector.shape_cast %select_n3A_262 : vector<16xi32> to vector<1x16xi32>
      tpu.vector_store %arg6[%swap3A_264, %swap3A_265], %swap3A_268 {strides = array<i32>} : memref<2x128xi32, #tpu.memory_space<vmem>>, vector<1x16xi32>,
      %add3A_269 = arith.constant 64 : i32
      %add3A_270 = arith.addi %mul3A_200, %add3A_269 : i32
      %get3A_271 = arith.index_cast %add3A_270 : i32 to index
      %get3A_272 = tpu.vector_load %arg5[%get3A_271] {strides = array<i32>} : memref<40192xi32, #tpu.memory_space<vmem>>, vector<16xi32>,
      %sub3A_273 = arith.subi %get3A_272, %mul3A_6 : vector<16xi32>
      %ge3A_274 = arith.cmpi sge, %sub3A_273, %broadcast_in_dim3A_12 : vector<16xi32>
      %lt3A_275 = arith.cmpi slt, %sub3A_273, %broadcast_in_dim3A_8 : vector<16xi32>
      %and3A_276 = arith.andi %ge3A_274, %lt3A_275 : vector<16xi1>
      %and3A_277 = arith.andi %get3A_272, %broadcast_in_dim3A_10 : vector<16xi32>
      %add3A_278 = arith.addi %broadcast_in_dim3A_8, %and3A_277 : vector<16xi32>
      %select_n3A_279 = arith.select %and3A_276, %sub3A_273, %add3A_278 : vector<16xi1>, vector<16xi32>
      %swap3A_280 = arith.constant 1 : i32
      %swap3A_281 = arith.index_cast %swap3A_280 : i32 to index
      %swap3A_282 = arith.constant 64 : index
      %swap3A_283 = tpu.vector_load %arg6[%swap3A_281, %swap3A_282] {strides = array<i32>} : memref<2x128xi32, #tpu.memory_space<vmem>>, vector<1x16xi32>,
      %swap3A_284 = vector.shape_cast %swap3A_283 : vector<1x16xi32> to vector<16xi32>
      %swap3A_285 = vector.shape_cast %select_n3A_279 : vector<16xi32> to vector<1x16xi32>
      tpu.vector_store %arg6[%swap3A_281, %swap3A_282], %swap3A_285 {strides = array<i32>} : memref<2x128xi32, #tpu.memory_space<vmem>>, vector<1x16xi32>,
      %add3A_286 = arith.constant 80 : i32
      %add3A_287 = arith.addi %mul3A_200, %add3A_286 : i32
      %get3A_288 = arith.index_cast %add3A_287 : i32 to index
      %get3A_289 = tpu.vector_load %arg5[%get3A_288] {strides = array<i32>} : memref<40192xi32, #tpu.memory_space<vmem>>, vector<16xi32>,
      %sub3A_290 = arith.subi %get3A_289, %mul3A_6 : vector<16xi32>
      %ge3A_291 = arith.cmpi sge, %sub3A_290, %broadcast_in_dim3A_12 : vector<16xi32>
      %lt3A_292 = arith.cmpi slt, %sub3A_290, %broadcast_in_dim3A_8 : vector<16xi32>
      %and3A_293 = arith.andi %ge3A_291, %lt3A_292 : vector<16xi1>
      %and3A_294 = arith.andi %get3A_289, %broadcast_in_dim3A_10 : vector<16xi32>
      %add3A_295 = arith.addi %broadcast_in_dim3A_8, %and3A_294 : vector<16xi32>
      %select_n3A_296 = arith.select %and3A_293, %sub3A_290, %add3A_295 : vector<16xi1>, vector<16xi32>
      %swap3A_297 = arith.constant 1 : i32
      %swap3A_298 = arith.index_cast %swap3A_297 : i32 to index
      %swap3A_299 = arith.constant 80 : index
      %swap3A_300 = tpu.vector_load %arg6[%swap3A_298, %swap3A_299] {strides = array<i32>} : memref<2x128xi32, #tpu.memory_space<vmem>>, vector<1x16xi32>,
      %swap3A_301 = vector.shape_cast %swap3A_300 : vector<1x16xi32> to vector<16xi32>
      %swap3A_302 = vector.shape_cast %select_n3A_296 : vector<16xi32> to vector<1x16xi32>
      tpu.vector_store %arg6[%swap3A_298, %swap3A_299], %swap3A_302 {strides = array<i32>} : memref<2x128xi32, #tpu.memory_space<vmem>>, vector<1x16xi32>,
      %add3A_303 = arith.constant 96 : i32
      %add3A_304 = arith.addi %mul3A_200, %add3A_303 : i32
      %get3A_305 = arith.index_cast %add3A_304 : i32 to index
      %get3A_306 = tpu.vector_load %arg5[%get3A_305] {strides = array<i32>} : memref<40192xi32, #tpu.memory_space<vmem>>, vector<16xi32>,
      %sub3A_307 = arith.subi %get3A_306, %mul3A_6 : vector<16xi32>
      %ge3A_308 = arith.cmpi sge, %sub3A_307, %broadcast_in_dim3A_12 : vector<16xi32>
      %lt3A_309 = arith.cmpi slt, %sub3A_307, %broadcast_in_dim3A_8 : vector<16xi32>
      %and3A_310 = arith.andi %ge3A_308, %lt3A_309 : vector<16xi1>
      %and3A_311 = arith.andi %get3A_306, %broadcast_in_dim3A_10 : vector<16xi32>
      %add3A_312 = arith.addi %broadcast_in_dim3A_8, %and3A_311 : vector<16xi32>
      %select_n3A_313 = arith.select %and3A_310, %sub3A_307, %add3A_312 : vector<16xi1>, vector<16xi32>
      %swap3A_314 = arith.constant 1 : i32
      %swap3A_315 = arith.index_cast %swap3A_314 : i32 to index
      %swap3A_316 = arith.constant 96 : index
      %swap3A_317 = tpu.vector_load %arg6[%swap3A_315, %swap3A_316] {strides = array<i32>} : memref<2x128xi32, #tpu.memory_space<vmem>>, vector<1x16xi32>,
      %swap3A_318 = vector.shape_cast %swap3A_317 : vector<1x16xi32> to vector<16xi32>
      %swap3A_319 = vector.shape_cast %select_n3A_313 : vector<16xi32> to vector<1x16xi32>
      tpu.vector_store %arg6[%swap3A_315, %swap3A_316], %swap3A_319 {strides = array<i32>} : memref<2x128xi32, #tpu.memory_space<vmem>>, vector<1x16xi32>,
      %add3A_320 = arith.constant 112 : i32
      %add3A_321 = arith.addi %mul3A_200, %add3A_320 : i32
      %get3A_322 = arith.index_cast %add3A_321 : i32 to index
      %get3A_323 = tpu.vector_load %arg5[%get3A_322] {strides = array<i32>} : memref<40192xi32, #tpu.memory_space<vmem>>, vector<16xi32>,
      %sub3A_324 = arith.subi %get3A_323, %mul3A_6 : vector<16xi32>
      %ge3A_325 = arith.cmpi sge, %sub3A_324, %broadcast_in_dim3A_12 : vector<16xi32>
      %lt3A_326 = arith.cmpi slt, %sub3A_324, %broadcast_in_dim3A_8 : vector<16xi32>
      %and3A_327 = arith.andi %ge3A_325, %lt3A_326 : vector<16xi1>
      %and3A_328 = arith.andi %get3A_323, %broadcast_in_dim3A_10 : vector<16xi32>
      %add3A_329 = arith.addi %broadcast_in_dim3A_8, %and3A_328 : vector<16xi32>
      %select_n3A_330 = arith.select %and3A_327, %sub3A_324, %add3A_329 : vector<16xi1>, vector<16xi32>
      %swap3A_331 = arith.constant 1 : i32
      %swap3A_332 = arith.index_cast %swap3A_331 : i32 to index
      %swap3A_333 = arith.constant 112 : index
      %swap3A_334 = tpu.vector_load %arg6[%swap3A_332, %swap3A_333] {strides = array<i32>} : memref<2x128xi32, #tpu.memory_space<vmem>>, vector<1x16xi32>,
      %swap3A_335 = vector.shape_cast %swap3A_334 : vector<1x16xi32> to vector<16xi32>
      %swap3A_336 = vector.shape_cast %select_n3A_330 : vector<16xi32> to vector<1x16xi32>
      tpu.vector_store %arg6[%swap3A_332, %swap3A_333], %swap3A_336 {strides = array<i32>} : memref<2x128xi32, #tpu.memory_space<vmem>>, vector<1x16xi32>,
      %dma_wait3A_337 = arith.constant 0 : i32
      %dma_wait3A_338 = tpu.memref_slice %arg5[%dma_wait3A_337] : memref<40192xi32, #tpu.memory_space<vmem>> -> memref<128xi32, #tpu.memory_space<vmem>>
      %dma_wait3A_339 = arith.constant 0 : i32
      %dma_wait3A_340 = arith.constant 0 : i32
      %dma_wait3A_341 = tpu.memref_slice %arg3[%dma_wait3A_339, %dma_wait3A_340] : memref<10240x128xf32, #tpu.memory_space<hbm>> -> memref<10240x128xf32, #tpu.memory_space<hbm>>
      tpu.wait_indirect_dma semaphore(%arg11 : memref<!tpu.dma_semaphore, #tpu.memory_space<semaphore_mem>>) src(%dma_wait3A_341 : memref<10240x128xf32, #tpu.memory_space<hbm>>) dst(%arg8 : memref<128x128xf32, #tpu.memory_space<vmem>>)
      %run_scoped3A_342 = arith.constant 1 : i32
      "tpu.region"() ({
        %run_scoped3A_343 = tpu.sem_alloc : memref<!tpu.dma_semaphore, #tpu.memory_space<semaphore_mem>>
        %dma_start3A_344 = arith.constant 0 : i32
        %dma_start3A_345 = tpu.memref_slice %arg6[%run_scoped3A_342, %dma_start3A_344] : memref<2x128xi32, #tpu.memory_space<vmem>> -> memref<1x128xi32, #tpu.memory_space<vmem>>
        %dma_start3A_346 = tpu.memref_squeeze %dma_start3A_345 : memref<1x128xi32, #tpu.memory_space<vmem>> -> memref<128xi32, #tpu.memory_space<vmem>>
        %dma_start3A_347 = arith.constant 0 : i32
        %dma_start3A_348 = arith.constant 0 : i32
        %dma_start3A_349 = tpu.memref_slice %arg9[%dma_start3A_347, %dma_start3A_348] : memref<5248x128xf32, #tpu.memory_space<vmem_shared>> -> memref<5248x128xf32, #tpu.memory_space<vmem_shared>>
        tpu.enqueue_indirect_dma source(%arg8 : memref<128x128xf32, #tpu.memory_space<vmem>>) target(%dma_start3A_349 : memref<5248x128xf32, #tpu.memory_space<vmem_shared>>) offsets(%dma_start3A_346 : memref<128xi32, #tpu.memory_space<vmem>>) semaphore(%run_scoped3A_343 : memref<!tpu.dma_semaphore, #tpu.memory_space<semaphore_mem>>) {add = true}
        %dma_wait3A_350 = arith.constant 0 : i32
        %dma_wait3A_351 = tpu.memref_slice %arg6[%run_scoped3A_342, %dma_wait3A_350] : memref<2x128xi32, #tpu.memory_space<vmem>> -> memref<1x128xi32, #tpu.memory_space<vmem>>
        %dma_wait3A_352 = tpu.memref_squeeze %dma_wait3A_351 : memref<1x128xi32, #tpu.memory_space<vmem>> -> memref<128xi32, #tpu.memory_space<vmem>>
        %dma_wait3A_353 = arith.constant 0 : i32
        %dma_wait3A_354 = arith.constant 0 : i32
        %dma_wait3A_355 = tpu.memref_slice %arg9[%dma_wait3A_353, %dma_wait3A_354] : memref<5248x128xf32, #tpu.memory_space<vmem_shared>> -> memref<5248x128xf32, #tpu.memory_space<vmem_shared>>
        tpu.wait_indirect_dma semaphore(%run_scoped3A_343 : memref<!tpu.dma_semaphore, #tpu.memory_space<semaphore_mem>>) src(%arg8 : memref<128x128xf32, #tpu.memory_space<vmem>>) dst(%dma_wait3A_355 : memref<5248x128xf32, #tpu.memory_space<vmem_shared>>)
        tpu.yield
      }) : () -> ()
    }
    %scan3A_41 = arith.constant 157 : i32
    %barrier3A_42 = arith.constant 0 : index
    tpu.barrier barrier_id(%barrier3A_42)
    %mul3A_43 = arith.constant 320 : i32
    %mul3A_44 = arith.muli %arg1, %mul3A_43 : i32
    %mul3A_45 = arith.constant 5120 : i32
    %mul3A_46 = arith.muli %arg0, %mul3A_45 : i32
    %mul3A_47 = arith.constant 320 : i32
    %mul3A_48 = arith.muli %arg1, %mul3A_47 : i32
    %add3A_49 = arith.addi %mul3A_46, %mul3A_48 : i32
    "tpu.region"() ({
      %run_scoped3A = tpu.sem_alloc : memref<!tpu.dma_semaphore, #tpu.memory_space<semaphore_mem>>
      %dma_start3A_50 = arith.constant 0 : i32
      %dma_start3A_51 = tpu.memref_slice %arg4[%add3A_49, %dma_start3A_50] : memref<10240x128xf32, #tpu.memory_space<hbm>> -> memref<320x128xf32, #tpu.memory_space<hbm>>
      %dma_start3A_52 = arith.constant 0 : i32
      %dma_start3A_53 = tpu.memref_slice %arg9[%mul3A_44, %dma_start3A_52] : memref<5248x128xf32, #tpu.memory_space<vmem_shared>> -> memref<320x128xf32, #tpu.memory_space<vmem_shared>>
      tpu.enqueue_dma source(%dma_start3A_53 : memref<320x128xf32, #tpu.memory_space<vmem_shared>>) target(%dma_start3A_51 : memref<320x128xf32, #tpu.memory_space<hbm>>) target_semaphore(%run_scoped3A : memref<!tpu.dma_semaphore, #tpu.memory_space<semaphore_mem>>)
      %dma_wait3A = arith.constant 0 : i32
      %dma_wait3A_54 = tpu.memref_slice %arg4[%add3A_49, %dma_wait3A] : memref<10240x128xf32, #tpu.memory_space<hbm>> -> memref<320x128xf32, #tpu.memory_space<hbm>>
      %dma_wait3A_55 = arith.constant 0 : i32
      %dma_wait3A_56 = tpu.memref_slice %arg9[%mul3A_44, %dma_wait3A_55] : memref<5248x128xf32, #tpu.memory_space<vmem_shared>> -> memref<320x128xf32, #tpu.memory_space<vmem_shared>>
      tpu.wait_dma2 semaphore(%run_scoped3A : memref<!tpu.dma_semaphore, #tpu.memory_space<semaphore_mem>>) src(%dma_wait3A_56 : memref<320x128xf32, #tpu.memory_space<vmem_shared>>) dst(%dma_wait3A_54 : memref<320x128xf32, #tpu.memory_space<hbm>>)
      tpu.yield
    }) : () -> ()
    return
  }
}

#map = affine_map<(d0, d1) -> (0)>
module attributes {stable_mosaic.version = 14 : i64} {
  func.func @_deg_body(%arg0: i32, %arg1: i32, %arg2: memref<643072xi32, #tpu.memory_space<hbm>>, %arg3: memref<327680xf32, #tpu.memory_space<hbm>>, %arg4: memref<20480xf32, #tpu.memory_space<hbm>>, %arg5: memref<40192xi32, #tpu.memory_space<vmem>>, %arg6: memref<10240xf32, #tpu.memory_space<vmem>>, %arg7: memref<640xf32, #tpu.memory_space<vmem>>, %arg8: memref<640xf32, #tpu.memory_space<vmem>>) attributes {dimension_semantics = [#tpu.dimension_semantics<core_parallel>, #tpu.dimension_semantics<subcore_parallel>], iteration_bounds = array<i64: 2, 16>, scalar_prefetch = 0 : i64, scratch_operands = 4 : i64, tpu.core_type = #tpu.core_type<sc_vector_subcore>, window_params = [{transform_indices = #map}, {transform_indices = #map}, {transform_indices = #map}]} {
    %mul3A = arith.constant 16 : i32
    %mul3A_0 = arith.muli %arg0, %mul3A : i32
    %add3A = arith.addi %mul3A_0, %arg1 : i32
    %mul3A_1 = arith.constant 20096 : i32
    %mul3A_2 = arith.muli %arg1, %mul3A_1 : i32
    "tpu.region"() ({
      %run_scoped3A = tpu.sem_alloc : memref<!tpu.dma_semaphore, #tpu.memory_space<semaphore_mem>>
      %dma_start3A = arith.constant 0 : i32
      %dma_start3A_274 = tpu.memref_slice %arg5[%dma_start3A] : memref<40192xi32, #tpu.memory_space<vmem>> -> memref<20096xi32, #tpu.memory_space<vmem>>
      %dma_start3A_275 = tpu.memref_slice %arg2[%mul3A_2] : memref<643072xi32, #tpu.memory_space<hbm>> -> memref<20096xi32, #tpu.memory_space<hbm>>
      %dma_start3A_276 = arith.constant 0 : i32
      %dma_start3A_277 = tpu.memref_slice %arg5[%dma_start3A_276] : memref<40192xi32, #tpu.memory_space<vmem>> -> memref<20096xi32, #tpu.memory_space<vmem>>
      %dma_start3A_278 = tpu.memref_slice %arg2[%mul3A_2] : memref<643072xi32, #tpu.memory_space<hbm>> -> memref<20096xi32, #tpu.memory_space<hbm>>
      tpu.enqueue_dma source(%dma_start3A_278 : memref<20096xi32, #tpu.memory_space<hbm>>) target(%dma_start3A_277 : memref<20096xi32, #tpu.memory_space<vmem>>) target_semaphore(%run_scoped3A : memref<!tpu.dma_semaphore, #tpu.memory_space<semaphore_mem>>)
      %dma_wait3A = arith.constant 0 : i32
      %dma_wait3A_279 = tpu.memref_slice %arg5[%dma_wait3A] : memref<40192xi32, #tpu.memory_space<vmem>> -> memref<20096xi32, #tpu.memory_space<vmem>>
      %dma_wait3A_280 = tpu.memref_slice %arg2[%mul3A_2] : memref<643072xi32, #tpu.memory_space<hbm>> -> memref<20096xi32, #tpu.memory_space<hbm>>
      %dma_wait3A_281 = arith.constant 0 : i32
      %dma_wait3A_282 = tpu.memref_slice %arg5[%dma_wait3A_281] : memref<40192xi32, #tpu.memory_space<vmem>> -> memref<20096xi32, #tpu.memory_space<vmem>>
      %dma_wait3A_283 = tpu.memref_slice %arg2[%mul3A_2] : memref<643072xi32, #tpu.memory_space<hbm>> -> memref<20096xi32, #tpu.memory_space<hbm>>
      tpu.wait_dma2 semaphore(%run_scoped3A : memref<!tpu.dma_semaphore, #tpu.memory_space<semaphore_mem>>) src(%dma_wait3A_283 : memref<20096xi32, #tpu.memory_space<hbm>>) dst(%dma_wait3A_282 : memref<20096xi32, #tpu.memory_space<vmem>>)
      tpu.yield
    }) : () -> ()
    %mul3A_3 = arith.constant 20096 : i32
    %mul3A_4 = arith.muli %arg1, %mul3A_3 : i32
    %add3A_5 = arith.constant 321536 : i32
    %add3A_6 = arith.addi %add3A_5, %mul3A_4 : i32
    "tpu.region"() ({
      %run_scoped3A = tpu.sem_alloc : memref<!tpu.dma_semaphore, #tpu.memory_space<semaphore_mem>>
      %dma_start3A = arith.constant 20096 : i32
      %dma_start3A_274 = tpu.memref_slice %arg5[%dma_start3A] : memref<40192xi32, #tpu.memory_space<vmem>> -> memref<20096xi32, #tpu.memory_space<vmem>>
      %dma_start3A_275 = tpu.memref_slice %arg2[%add3A_6] : memref<643072xi32, #tpu.memory_space<hbm>> -> memref<20096xi32, #tpu.memory_space<hbm>>
      %dma_start3A_276 = arith.constant 20096 : i32
      %dma_start3A_277 = tpu.memref_slice %arg5[%dma_start3A_276] : memref<40192xi32, #tpu.memory_space<vmem>> -> memref<20096xi32, #tpu.memory_space<vmem>>
      %dma_start3A_278 = tpu.memref_slice %arg2[%add3A_6] : memref<643072xi32, #tpu.memory_space<hbm>> -> memref<20096xi32, #tpu.memory_space<hbm>>
      tpu.enqueue_dma source(%dma_start3A_278 : memref<20096xi32, #tpu.memory_space<hbm>>) target(%dma_start3A_277 : memref<20096xi32, #tpu.memory_space<vmem>>) target_semaphore(%run_scoped3A : memref<!tpu.dma_semaphore, #tpu.memory_space<semaphore_mem>>)
      %dma_wait3A = arith.constant 20096 : i32
      %dma_wait3A_279 = tpu.memref_slice %arg5[%dma_wait3A] : memref<40192xi32, #tpu.memory_space<vmem>> -> memref<20096xi32, #tpu.memory_space<vmem>>
      %dma_wait3A_280 = tpu.memref_slice %arg2[%add3A_6] : memref<643072xi32, #tpu.memory_space<hbm>> -> memref<20096xi32, #tpu.memory_space<hbm>>
      %dma_wait3A_281 = arith.constant 20096 : i32
      %dma_wait3A_282 = tpu.memref_slice %arg5[%dma_wait3A_281] : memref<40192xi32, #tpu.memory_space<vmem>> -> memref<20096xi32, #tpu.memory_space<vmem>>
      %dma_wait3A_283 = tpu.memref_slice %arg2[%add3A_6] : memref<643072xi32, #tpu.memory_space<hbm>> -> memref<20096xi32, #tpu.memory_space<hbm>>
      tpu.wait_dma2 semaphore(%run_scoped3A : memref<!tpu.dma_semaphore, #tpu.memory_space<semaphore_mem>>) src(%dma_wait3A_283 : memref<20096xi32, #tpu.memory_space<hbm>>) dst(%dma_wait3A_282 : memref<20096xi32, #tpu.memory_space<vmem>>)
      tpu.yield
    }) : () -> ()
    %broadcast_in_dim3A = arith.constant 1.000000e+00 : f32
    %broadcast_in_dim3A_7 = vector.broadcast %broadcast_in_dim3A : f32 to vector<16xf32>
    %broadcast_in_dim3A_8 = arith.constant 0.000000e+00 : f32
    %broadcast_in_dim3A_9 = vector.broadcast %broadcast_in_dim3A_8 : f32 to vector<16xf32>
    %scan3A = arith.constant 0 : i32
    %scan3A_10 = arith.constant 0 : i32
    %scan3A_11 = arith.constant 640 : i32
    %scan3A_12 = arith.addi %scan3A_10, %scan3A_11 : i32
    %scan3A_13 = arith.constant 1 : i32
    scf.for %scan3A_274 = %scan3A_10 to %scan3A_12 step %scan3A_13  : i32 {
      %mul3A_275 = arith.constant 16 : i32
      %mul3A_276 = arith.muli %scan3A_274, %mul3A_275 : i32
      %swap3A = arith.index_cast %mul3A_276 : i32 to index
      %swap3A_277 = tpu.vector_load %arg6[%swap3A] {strides = array<i32>} : memref<10240xf32, #tpu.memory_space<vmem>>, vector<16xf32>,
      tpu.vector_store %arg6[%swap3A], %broadcast_in_dim3A_9 {strides = array<i32>} : memref<10240xf32, #tpu.memory_space<vmem>>, vector<16xf32>,
    }
    %scan3A_14 = arith.constant 640 : i32
    %scan3A_15 = arith.constant 0 : i32
    %scan3A_16 = arith.constant 0 : i32
    %scan3A_17 = arith.constant 2512 : i32
    %scan3A_18 = arith.addi %scan3A_16, %scan3A_17 : i32
    %scan3A_19 = arith.constant 1 : i32
    scf.for %scan3A_274 = %scan3A_16 to %scan3A_18 step %scan3A_19  : i32 {
      %mul3A_275 = arith.constant 16 : i32
      %mul3A_276 = arith.muli %scan3A_274, %mul3A_275 : i32
      %get3A = arith.index_cast %mul3A_276 : i32 to index
      %get3A_277 = tpu.vector_load %arg5[%get3A] {strides = array<i32>} : memref<40192xi32, #tpu.memory_space<vmem>>, vector<16xi32>,
      tpu.vector_store_idx %arg6[%get3A_277], %broadcast_in_dim3A_7 {add = true} : memref<10240xf32, #tpu.memory_space<vmem>>[vector<16xi32>], vector<16xf32>,
    }
    %scan3A_20 = arith.constant 2512 : i32
    %mul3A_21 = arith.constant 10240 : i32
    %mul3A_22 = arith.muli %add3A, %mul3A_21 : i32
    "tpu.region"() ({
      %run_scoped3A = tpu.sem_alloc : memref<!tpu.dma_semaphore, #tpu.memory_space<semaphore_mem>>
      %dma_start3A = tpu.memref_slice %arg3[%mul3A_22] : memref<327680xf32, #tpu.memory_space<hbm>> -> memref<10240xf32, #tpu.memory_space<hbm>>
      %dma_start3A_274 = tpu.memref_slice %arg3[%mul3A_22] : memref<327680xf32, #tpu.memory_space<hbm>> -> memref<10240xf32, #tpu.memory_space<hbm>>
      tpu.enqueue_dma source(%arg6 : memref<10240xf32, #tpu.memory_space<vmem>>) target(%dma_start3A_274 : memref<10240xf32, #tpu.memory_space<hbm>>) target_semaphore(%run_scoped3A : memref<!tpu.dma_semaphore, #tpu.memory_space<semaphore_mem>>)
      %dma_wait3A = tpu.memref_slice %arg3[%mul3A_22] : memref<327680xf32, #tpu.memory_space<hbm>> -> memref<10240xf32, #tpu.memory_space<hbm>>
      %dma_wait3A_275 = tpu.memref_slice %arg3[%mul3A_22] : memref<327680xf32, #tpu.memory_space<hbm>> -> memref<10240xf32, #tpu.memory_space<hbm>>
      tpu.wait_dma2 semaphore(%run_scoped3A : memref<!tpu.dma_semaphore, #tpu.memory_space<semaphore_mem>>) src(%arg6 : memref<10240xf32, #tpu.memory_space<vmem>>) dst(%dma_wait3A_275 : memref<10240xf32, #tpu.memory_space<hbm>>)
      tpu.yield
    }) : () -> ()
    %barrier3A = arith.constant 0 : index
    tpu.barrier barrier_id(%barrier3A)
    %scan3A_23 = arith.constant 0 : i32
    %scan3A_24 = arith.constant 0 : i32
    %scan3A_25 = arith.constant 40 : i32
    %scan3A_26 = arith.addi %scan3A_24, %scan3A_25 : i32
    %scan3A_27 = arith.constant 1 : i32
    scf.for %scan3A_274 = %scan3A_24 to %scan3A_26 step %scan3A_27  : i32 {
      %mul3A_275 = arith.constant 16 : i32
      %mul3A_276 = arith.muli %scan3A_274, %mul3A_275 : i32
      %swap3A = arith.index_cast %mul3A_276 : i32 to index
      %swap3A_277 = tpu.vector_load %arg8[%swap3A] {strides = array<i32>} : memref<640xf32, #tpu.memory_space<vmem>>, vector<16xf32>,
      tpu.vector_store %arg8[%swap3A], %broadcast_in_dim3A_9 {strides = array<i32>} : memref<640xf32, #tpu.memory_space<vmem>>, vector<16xf32>,
    }
    %scan3A_28 = arith.constant 40 : i32
    %mul3A_29 = arith.constant 16 : i32
    %mul3A_30 = arith.muli %arg0, %mul3A_29 : i32
    %add3A_31 = arith.constant 0 : i32
    %add3A_32 = arith.addi %mul3A_30, %add3A_31 : i32
    %mul3A_33 = arith.constant 10240 : i32
    %mul3A_34 = arith.muli %add3A_32, %mul3A_33 : i32
    %mul3A_35 = arith.constant 640 : i32
    %mul3A_36 = arith.muli %arg1, %mul3A_35 : i32
    %add3A_37 = arith.addi %mul3A_34, %mul3A_36 : i32
    "tpu.region"() ({
      %run_scoped3A = tpu.sem_alloc : memref<!tpu.dma_semaphore, #tpu.memory_space<semaphore_mem>>
      %dma_start3A = tpu.memref_slice %arg3[%add3A_37] : memref<327680xf32, #tpu.memory_space<hbm>> -> memref<640xf32, #tpu.memory_space<hbm>>
      %dma_start3A_274 = tpu.memref_slice %arg3[%add3A_37] : memref<327680xf32, #tpu.memory_space<hbm>> -> memref<640xf32, #tpu.memory_space<hbm>>
      tpu.enqueue_dma source(%dma_start3A_274 : memref<640xf32, #tpu.memory_space<hbm>>) target(%arg7 : memref<640xf32, #tpu.memory_space<vmem>>) target_semaphore(%run_scoped3A : memref<!tpu.dma_semaphore, #tpu.memory_space<semaphore_mem>>)
      %dma_wait3A = tpu.memref_slice %arg3[%add3A_37] : memref<327680xf32, #tpu.memory_space<hbm>> -> memref<640xf32, #tpu.memory_space<hbm>>
      %dma_wait3A_275 = tpu.memref_slice %arg3[%add3A_37] : memref<327680xf32, #tpu.memory_space<hbm>> -> memref<640xf32, #tpu.memory_space<hbm>>
      tpu.wait_dma2 semaphore(%run_scoped3A : memref<!tpu.dma_semaphore, #tpu.memory_space<semaphore_mem>>) src(%dma_wait3A_275 : memref<640xf32, #tpu.memory_space<hbm>>) dst(%arg7 : memref<640xf32, #tpu.memory_space<vmem>>)
      tpu.yield
    }) : () -> ()
    %scan3A_38 = arith.constant 0 : i32
    %scan3A_39 = arith.constant 0 : i32
    %scan3A_40 = arith.constant 40 : i32
    %scan3A_41 = arith.addi %scan3A_39, %scan3A_40 : i32
    %scan3A_42 = arith.constant 1 : i32
    scf.for %scan3A_274 = %scan3A_39 to %scan3A_41 step %scan3A_42  : i32 {
      %mul3A_275 = arith.constant 16 : i32
      %mul3A_276 = arith.muli %scan3A_274, %mul3A_275 : i32
      %get3A = arith.index_cast %mul3A_276 : i32 to index
      %get3A_277 = tpu.vector_load %arg8[%get3A] {strides = array<i32>} : memref<640xf32, #tpu.memory_space<vmem>>, vector<16xf32>,
      %mul3A_278 = arith.constant 16 : i32
      %mul3A_279 = arith.muli %scan3A_274, %mul3A_278 : i32
      %get3A_280 = arith.index_cast %mul3A_279 : i32 to index
      %get3A_281 = tpu.vector_load %arg7[%get3A_280] {strides = array<i32>} : memref<640xf32, #tpu.memory_space<vmem>>, vector<16xf32>,
      %add3A_282 = arith.addf %get3A_277, %get3A_281 : vector<16xf32>
      %mul3A_283 = arith.constant 16 : i32
      %mul3A_284 = arith.muli %scan3A_274, %mul3A_283 : i32
      %swap3A = arith.index_cast %mul3A_284 : i32 to index
      %swap3A_285 = tpu.vector_load %arg8[%swap3A] {strides = array<i32>} : memref<640xf32, #tpu.memory_space<vmem>>, vector<16xf32>,
      tpu.vector_store %arg8[%swap3A], %add3A_282 {strides = array<i32>} : memref<640xf32, #tpu.memory_space<vmem>>, vector<16xf32>,
    }
    %scan3A_43 = arith.constant 40 : i32
    %mul3A_44 = arith.constant 16 : i32
    %mul3A_45 = arith.muli %arg0, %mul3A_44 : i32
    %add3A_46 = arith.constant 1 : i32
    %add3A_47 = arith.addi %mul3A_45, %add3A_46 : i32
    %mul3A_48 = arith.constant 10240 : i32
    %mul3A_49 = arith.muli %add3A_47, %mul3A_48 : i32
    %mul3A_50 = arith.constant 640 : i32
    %mul3A_51 = arith.muli %arg1, %mul3A_50 : i32
    %add3A_52 = arith.addi %mul3A_49, %mul3A_51 : i32
    "tpu.region"() ({
      %run_scoped3A = tpu.sem_alloc : memref<!tpu.dma_semaphore, #tpu.memory_space<semaphore_mem>>
      %dma_start3A = tpu.memref_slice %arg3[%add3A_52] : memref<327680xf32, #tpu.memory_space<hbm>> -> memref<640xf32, #tpu.memory_space<hbm>>
      %dma_start3A_274 = tpu.memref_slice %arg3[%add3A_52] : memref<327680xf32, #tpu.memory_space<hbm>> -> memref<640xf32, #tpu.memory_space<hbm>>
      tpu.enqueue_dma source(%dma_start3A_274 : memref<640xf32, #tpu.memory_space<hbm>>) target(%arg7 : memref<640xf32, #tpu.memory_space<vmem>>) target_semaphore(%run_scoped3A : memref<!tpu.dma_semaphore, #tpu.memory_space<semaphore_mem>>)
      %dma_wait3A = tpu.memref_slice %arg3[%add3A_52] : memref<327680xf32, #tpu.memory_space<hbm>> -> memref<640xf32, #tpu.memory_space<hbm>>
      %dma_wait3A_275 = tpu.memref_slice %arg3[%add3A_52] : memref<327680xf32, #tpu.memory_space<hbm>> -> memref<640xf32, #tpu.memory_space<hbm>>
      tpu.wait_dma2 semaphore(%run_scoped3A : memref<!tpu.dma_semaphore, #tpu.memory_space<semaphore_mem>>) src(%dma_wait3A_275 : memref<640xf32, #tpu.memory_space<hbm>>) dst(%arg7 : memref<640xf32, #tpu.memory_space<vmem>>)
      tpu.yield
    }) : () -> ()
    %scan3A_53 = arith.constant 0 : i32
    %scan3A_54 = arith.constant 0 : i32
    %scan3A_55 = arith.constant 40 : i32
    %scan3A_56 = arith.addi %scan3A_54, %scan3A_55 : i32
    %scan3A_57 = arith.constant 1 : i32
    scf.for %scan3A_274 = %scan3A_54 to %scan3A_56 step %scan3A_57  : i32 {
      %mul3A_275 = arith.constant 16 : i32
      %mul3A_276 = arith.muli %scan3A_274, %mul3A_275 : i32
      %get3A = arith.index_cast %mul3A_276 : i32 to index
      %get3A_277 = tpu.vector_load %arg8[%get3A] {strides = array<i32>} : memref<640xf32, #tpu.memory_space<vmem>>, vector<16xf32>,
      %mul3A_278 = arith.constant 16 : i32
      %mul3A_279 = arith.muli %scan3A_274, %mul3A_278 : i32
      %get3A_280 = arith.index_cast %mul3A_279 : i32 to index
      %get3A_281 = tpu.vector_load %arg7[%get3A_280] {strides = array<i32>} : memref<640xf32, #tpu.memory_space<vmem>>, vector<16xf32>,
      %add3A_282 = arith.addf %get3A_277, %get3A_281 : vector<16xf32>
      %mul3A_283 = arith.constant 16 : i32
      %mul3A_284 = arith.muli %scan3A_274, %mul3A_283 : i32
      %swap3A = arith.index_cast %mul3A_284 : i32 to index
      %swap3A_285 = tpu.vector_load %arg8[%swap3A] {strides = array<i32>} : memref<640xf32, #tpu.memory_space<vmem>>, vector<16xf32>,
      tpu.vector_store %arg8[%swap3A], %add3A_282 {strides = array<i32>} : memref<640xf32, #tpu.memory_space<vmem>>, vector<16xf32>,
    }
    %scan3A_58 = arith.constant 40 : i32
    %mul3A_59 = arith.constant 16 : i32
    %mul3A_60 = arith.muli %arg0, %mul3A_59 : i32
    %add3A_61 = arith.constant 2 : i32
    %add3A_62 = arith.addi %mul3A_60, %add3A_61 : i32
    %mul3A_63 = arith.constant 10240 : i32
    %mul3A_64 = arith.muli %add3A_62, %mul3A_63 : i32
    %mul3A_65 = arith.constant 640 : i32
    %mul3A_66 = arith.muli %arg1, %mul3A_65 : i32
    %add3A_67 = arith.addi %mul3A_64, %mul3A_66 : i32
    "tpu.region"() ({
      %run_scoped3A = tpu.sem_alloc : memref<!tpu.dma_semaphore, #tpu.memory_space<semaphore_mem>>
      %dma_start3A = tpu.memref_slice %arg3[%add3A_67] : memref<327680xf32, #tpu.memory_space<hbm>> -> memref<640xf32, #tpu.memory_space<hbm>>
      %dma_start3A_274 = tpu.memref_slice %arg3[%add3A_67] : memref<327680xf32, #tpu.memory_space<hbm>> -> memref<640xf32, #tpu.memory_space<hbm>>
      tpu.enqueue_dma source(%dma_start3A_274 : memref<640xf32, #tpu.memory_space<hbm>>) target(%arg7 : memref<640xf32, #tpu.memory_space<vmem>>) target_semaphore(%run_scoped3A : memref<!tpu.dma_semaphore, #tpu.memory_space<semaphore_mem>>)
      %dma_wait3A = tpu.memref_slice %arg3[%add3A_67] : memref<327680xf32, #tpu.memory_space<hbm>> -> memref<640xf32, #tpu.memory_space<hbm>>
      %dma_wait3A_275 = tpu.memref_slice %arg3[%add3A_67] : memref<327680xf32, #tpu.memory_space<hbm>> -> memref<640xf32, #tpu.memory_space<hbm>>
      tpu.wait_dma2 semaphore(%run_scoped3A : memref<!tpu.dma_semaphore, #tpu.memory_space<semaphore_mem>>) src(%dma_wait3A_275 : memref<640xf32, #tpu.memory_space<hbm>>) dst(%arg7 : memref<640xf32, #tpu.memory_space<vmem>>)
      tpu.yield
    }) : () -> ()
    %scan3A_68 = arith.constant 0 : i32
    %scan3A_69 = arith.constant 0 : i32
    %scan3A_70 = arith.constant 40 : i32
    %scan3A_71 = arith.addi %scan3A_69, %scan3A_70 : i32
    %scan3A_72 = arith.constant 1 : i32
    scf.for %scan3A_274 = %scan3A_69 to %scan3A_71 step %scan3A_72  : i32 {
      %mul3A_275 = arith.constant 16 : i32
      %mul3A_276 = arith.muli %scan3A_274, %mul3A_275 : i32
      %get3A = arith.index_cast %mul3A_276 : i32 to index
      %get3A_277 = tpu.vector_load %arg8[%get3A] {strides = array<i32>} : memref<640xf32, #tpu.memory_space<vmem>>, vector<16xf32>,
      %mul3A_278 = arith.constant 16 : i32
      %mul3A_279 = arith.muli %scan3A_274, %mul3A_278 : i32
      %get3A_280 = arith.index_cast %mul3A_279 : i32 to index
      %get3A_281 = tpu.vector_load %arg7[%get3A_280] {strides = array<i32>} : memref<640xf32, #tpu.memory_space<vmem>>, vector<16xf32>,
      %add3A_282 = arith.addf %get3A_277, %get3A_281 : vector<16xf32>
      %mul3A_283 = arith.constant 16 : i32
      %mul3A_284 = arith.muli %scan3A_274, %mul3A_283 : i32
      %swap3A = arith.index_cast %mul3A_284 : i32 to index
      %swap3A_285 = tpu.vector_load %arg8[%swap3A] {strides = array<i32>} : memref<640xf32, #tpu.memory_space<vmem>>, vector<16xf32>,
      tpu.vector_store %arg8[%swap3A], %add3A_282 {strides = array<i32>} : memref<640xf32, #tpu.memory_space<vmem>>, vector<16xf32>,
    }
    %scan3A_73 = arith.constant 40 : i32
    %mul3A_74 = arith.constant 16 : i32
    %mul3A_75 = arith.muli %arg0, %mul3A_74 : i32
    %add3A_76 = arith.constant 3 : i32
    %add3A_77 = arith.addi %mul3A_75, %add3A_76 : i32
    %mul3A_78 = arith.constant 10240 : i32
    %mul3A_79 = arith.muli %add3A_77, %mul3A_78 : i32
    %mul3A_80 = arith.constant 640 : i32
    %mul3A_81 = arith.muli %arg1, %mul3A_80 : i32
    %add3A_82 = arith.addi %mul3A_79, %mul3A_81 : i32
    "tpu.region"() ({
      %run_scoped3A = tpu.sem_alloc : memref<!tpu.dma_semaphore, #tpu.memory_space<semaphore_mem>>
      %dma_start3A = tpu.memref_slice %arg3[%add3A_82] : memref<327680xf32, #tpu.memory_space<hbm>> -> memref<640xf32, #tpu.memory_space<hbm>>
      %dma_start3A_274 = tpu.memref_slice %arg3[%add3A_82] : memref<327680xf32, #tpu.memory_space<hbm>> -> memref<640xf32, #tpu.memory_space<hbm>>
      tpu.enqueue_dma source(%dma_start3A_274 : memref<640xf32, #tpu.memory_space<hbm>>) target(%arg7 : memref<640xf32, #tpu.memory_space<vmem>>) target_semaphore(%run_scoped3A : memref<!tpu.dma_semaphore, #tpu.memory_space<semaphore_mem>>)
      %dma_wait3A = tpu.memref_slice %arg3[%add3A_82] : memref<327680xf32, #tpu.memory_space<hbm>> -> memref<640xf32, #tpu.memory_space<hbm>>
      %dma_wait3A_275 = tpu.memref_slice %arg3[%add3A_82] : memref<327680xf32, #tpu.memory_space<hbm>> -> memref<640xf32, #tpu.memory_space<hbm>>
      tpu.wait_dma2 semaphore(%run_scoped3A : memref<!tpu.dma_semaphore, #tpu.memory_space<semaphore_mem>>) src(%dma_wait3A_275 : memref<640xf32, #tpu.memory_space<hbm>>) dst(%arg7 : memref<640xf32, #tpu.memory_space<vmem>>)
      tpu.yield
    }) : () -> ()
    %scan3A_83 = arith.constant 0 : i32
    %scan3A_84 = arith.constant 0 : i32
    %scan3A_85 = arith.constant 40 : i32
    %scan3A_86 = arith.addi %scan3A_84, %scan3A_85 : i32
    %scan3A_87 = arith.constant 1 : i32
    scf.for %scan3A_274 = %scan3A_84 to %scan3A_86 step %scan3A_87  : i32 {
      %mul3A_275 = arith.constant 16 : i32
      %mul3A_276 = arith.muli %scan3A_274, %mul3A_275 : i32
      %get3A = arith.index_cast %mul3A_276 : i32 to index
      %get3A_277 = tpu.vector_load %arg8[%get3A] {strides = array<i32>} : memref<640xf32, #tpu.memory_space<vmem>>, vector<16xf32>,
      %mul3A_278 = arith.constant 16 : i32
      %mul3A_279 = arith.muli %scan3A_274, %mul3A_278 : i32
      %get3A_280 = arith.index_cast %mul3A_279 : i32 to index
      %get3A_281 = tpu.vector_load %arg7[%get3A_280] {strides = array<i32>} : memref<640xf32, #tpu.memory_space<vmem>>, vector<16xf32>,
      %add3A_282 = arith.addf %get3A_277, %get3A_281 : vector<16xf32>
      %mul3A_283 = arith.constant 16 : i32
      %mul3A_284 = arith.muli %scan3A_274, %mul3A_283 : i32
      %swap3A = arith.index_cast %mul3A_284 : i32 to index
      %swap3A_285 = tpu.vector_load %arg8[%swap3A] {strides = array<i32>} : memref<640xf32, #tpu.memory_space<vmem>>, vector<16xf32>,
      tpu.vector_store %arg8[%swap3A], %add3A_282 {strides = array<i32>} : memref<640xf32, #tpu.memory_space<vmem>>, vector<16xf32>,
    }
    %scan3A_88 = arith.constant 40 : i32
    %mul3A_89 = arith.constant 16 : i32
    %mul3A_90 = arith.muli %arg0, %mul3A_89 : i32
    %add3A_91 = arith.constant 4 : i32
    %add3A_92 = arith.addi %mul3A_90, %add3A_91 : i32
    %mul3A_93 = arith.constant 10240 : i32
    %mul3A_94 = arith.muli %add3A_92, %mul3A_93 : i32
    %mul3A_95 = arith.constant 640 : i32
    %mul3A_96 = arith.muli %arg1, %mul3A_95 : i32
    %add3A_97 = arith.addi %mul3A_94, %mul3A_96 : i32
    "tpu.region"() ({
      %run_scoped3A = tpu.sem_alloc : memref<!tpu.dma_semaphore, #tpu.memory_space<semaphore_mem>>
      %dma_start3A = tpu.memref_slice %arg3[%add3A_97] : memref<327680xf32, #tpu.memory_space<hbm>> -> memref<640xf32, #tpu.memory_space<hbm>>
      %dma_start3A_274 = tpu.memref_slice %arg3[%add3A_97] : memref<327680xf32, #tpu.memory_space<hbm>> -> memref<640xf32, #tpu.memory_space<hbm>>
      tpu.enqueue_dma source(%dma_start3A_274 : memref<640xf32, #tpu.memory_space<hbm>>) target(%arg7 : memref<640xf32, #tpu.memory_space<vmem>>) target_semaphore(%run_scoped3A : memref<!tpu.dma_semaphore, #tpu.memory_space<semaphore_mem>>)
      %dma_wait3A = tpu.memref_slice %arg3[%add3A_97] : memref<327680xf32, #tpu.memory_space<hbm>> -> memref<640xf32, #tpu.memory_space<hbm>>
      %dma_wait3A_275 = tpu.memref_slice %arg3[%add3A_97] : memref<327680xf32, #tpu.memory_space<hbm>> -> memref<640xf32, #tpu.memory_space<hbm>>
      tpu.wait_dma2 semaphore(%run_scoped3A : memref<!tpu.dma_semaphore, #tpu.memory_space<semaphore_mem>>) src(%dma_wait3A_275 : memref<640xf32, #tpu.memory_space<hbm>>) dst(%arg7 : memref<640xf32, #tpu.memory_space<vmem>>)
      tpu.yield
    }) : () -> ()
    %scan3A_98 = arith.constant 0 : i32
    %scan3A_99 = arith.constant 0 : i32
    %scan3A_100 = arith.constant 40 : i32
    %scan3A_101 = arith.addi %scan3A_99, %scan3A_100 : i32
    %scan3A_102 = arith.constant 1 : i32
    scf.for %scan3A_274 = %scan3A_99 to %scan3A_101 step %scan3A_102  : i32 {
      %mul3A_275 = arith.constant 16 : i32
      %mul3A_276 = arith.muli %scan3A_274, %mul3A_275 : i32
      %get3A = arith.index_cast %mul3A_276 : i32 to index
      %get3A_277 = tpu.vector_load %arg8[%get3A] {strides = array<i32>} : memref<640xf32, #tpu.memory_space<vmem>>, vector<16xf32>,
      %mul3A_278 = arith.constant 16 : i32
      %mul3A_279 = arith.muli %scan3A_274, %mul3A_278 : i32
      %get3A_280 = arith.index_cast %mul3A_279 : i32 to index
      %get3A_281 = tpu.vector_load %arg7[%get3A_280] {strides = array<i32>} : memref<640xf32, #tpu.memory_space<vmem>>, vector<16xf32>,
      %add3A_282 = arith.addf %get3A_277, %get3A_281 : vector<16xf32>
      %mul3A_283 = arith.constant 16 : i32
      %mul3A_284 = arith.muli %scan3A_274, %mul3A_283 : i32
      %swap3A = arith.index_cast %mul3A_284 : i32 to index
      %swap3A_285 = tpu.vector_load %arg8[%swap3A] {strides = array<i32>} : memref<640xf32, #tpu.memory_space<vmem>>, vector<16xf32>,
      tpu.vector_store %arg8[%swap3A], %add3A_282 {strides = array<i32>} : memref<640xf32, #tpu.memory_space<vmem>>, vector<16xf32>,
    }
    %scan3A_103 = arith.constant 40 : i32
    %mul3A_104 = arith.constant 16 : i32
    %mul3A_105 = arith.muli %arg0, %mul3A_104 : i32
    %add3A_106 = arith.constant 5 : i32
    %add3A_107 = arith.addi %mul3A_105, %add3A_106 : i32
    %mul3A_108 = arith.constant 10240 : i32
    %mul3A_109 = arith.muli %add3A_107, %mul3A_108 : i32
    %mul3A_110 = arith.constant 640 : i32
    %mul3A_111 = arith.muli %arg1, %mul3A_110 : i32
    %add3A_112 = arith.addi %mul3A_109, %mul3A_111 : i32
    "tpu.region"() ({
      %run_scoped3A = tpu.sem_alloc : memref<!tpu.dma_semaphore, #tpu.memory_space<semaphore_mem>>
      %dma_start3A = tpu.memref_slice %arg3[%add3A_112] : memref<327680xf32, #tpu.memory_space<hbm>> -> memref<640xf32, #tpu.memory_space<hbm>>
      %dma_start3A_274 = tpu.memref_slice %arg3[%add3A_112] : memref<327680xf32, #tpu.memory_space<hbm>> -> memref<640xf32, #tpu.memory_space<hbm>>
      tpu.enqueue_dma source(%dma_start3A_274 : memref<640xf32, #tpu.memory_space<hbm>>) target(%arg7 : memref<640xf32, #tpu.memory_space<vmem>>) target_semaphore(%run_scoped3A : memref<!tpu.dma_semaphore, #tpu.memory_space<semaphore_mem>>)
      %dma_wait3A = tpu.memref_slice %arg3[%add3A_112] : memref<327680xf32, #tpu.memory_space<hbm>> -> memref<640xf32, #tpu.memory_space<hbm>>
      %dma_wait3A_275 = tpu.memref_slice %arg3[%add3A_112] : memref<327680xf32, #tpu.memory_space<hbm>> -> memref<640xf32, #tpu.memory_space<hbm>>
      tpu.wait_dma2 semaphore(%run_scoped3A : memref<!tpu.dma_semaphore, #tpu.memory_space<semaphore_mem>>) src(%dma_wait3A_275 : memref<640xf32, #tpu.memory_space<hbm>>) dst(%arg7 : memref<640xf32, #tpu.memory_space<vmem>>)
      tpu.yield
    }) : () -> ()
    %scan3A_113 = arith.constant 0 : i32
    %scan3A_114 = arith.constant 0 : i32
    %scan3A_115 = arith.constant 40 : i32
    %scan3A_116 = arith.addi %scan3A_114, %scan3A_115 : i32
    %scan3A_117 = arith.constant 1 : i32
    scf.for %scan3A_274 = %scan3A_114 to %scan3A_116 step %scan3A_117  : i32 {
      %mul3A_275 = arith.constant 16 : i32
      %mul3A_276 = arith.muli %scan3A_274, %mul3A_275 : i32
      %get3A = arith.index_cast %mul3A_276 : i32 to index
      %get3A_277 = tpu.vector_load %arg8[%get3A] {strides = array<i32>} : memref<640xf32, #tpu.memory_space<vmem>>, vector<16xf32>,
      %mul3A_278 = arith.constant 16 : i32
      %mul3A_279 = arith.muli %scan3A_274, %mul3A_278 : i32
      %get3A_280 = arith.index_cast %mul3A_279 : i32 to index
      %get3A_281 = tpu.vector_load %arg7[%get3A_280] {strides = array<i32>} : memref<640xf32, #tpu.memory_space<vmem>>, vector<16xf32>,
      %add3A_282 = arith.addf %get3A_277, %get3A_281 : vector<16xf32>
      %mul3A_283 = arith.constant 16 : i32
      %mul3A_284 = arith.muli %scan3A_274, %mul3A_283 : i32
      %swap3A = arith.index_cast %mul3A_284 : i32 to index
      %swap3A_285 = tpu.vector_load %arg8[%swap3A] {strides = array<i32>} : memref<640xf32, #tpu.memory_space<vmem>>, vector<16xf32>,
      tpu.vector_store %arg8[%swap3A], %add3A_282 {strides = array<i32>} : memref<640xf32, #tpu.memory_space<vmem>>, vector<16xf32>,
    }
    %scan3A_118 = arith.constant 40 : i32
    %mul3A_119 = arith.constant 16 : i32
    %mul3A_120 = arith.muli %arg0, %mul3A_119 : i32
    %add3A_121 = arith.constant 6 : i32
    %add3A_122 = arith.addi %mul3A_120, %add3A_121 : i32
    %mul3A_123 = arith.constant 10240 : i32
    %mul3A_124 = arith.muli %add3A_122, %mul3A_123 : i32
    %mul3A_125 = arith.constant 640 : i32
    %mul3A_126 = arith.muli %arg1, %mul3A_125 : i32
    %add3A_127 = arith.addi %mul3A_124, %mul3A_126 : i32
    "tpu.region"() ({
      %run_scoped3A = tpu.sem_alloc : memref<!tpu.dma_semaphore, #tpu.memory_space<semaphore_mem>>
      %dma_start3A = tpu.memref_slice %arg3[%add3A_127] : memref<327680xf32, #tpu.memory_space<hbm>> -> memref<640xf32, #tpu.memory_space<hbm>>
      %dma_start3A_274 = tpu.memref_slice %arg3[%add3A_127] : memref<327680xf32, #tpu.memory_space<hbm>> -> memref<640xf32, #tpu.memory_space<hbm>>
      tpu.enqueue_dma source(%dma_start3A_274 : memref<640xf32, #tpu.memory_space<hbm>>) target(%arg7 : memref<640xf32, #tpu.memory_space<vmem>>) target_semaphore(%run_scoped3A : memref<!tpu.dma_semaphore, #tpu.memory_space<semaphore_mem>>)
      %dma_wait3A = tpu.memref_slice %arg3[%add3A_127] : memref<327680xf32, #tpu.memory_space<hbm>> -> memref<640xf32, #tpu.memory_space<hbm>>
      %dma_wait3A_275 = tpu.memref_slice %arg3[%add3A_127] : memref<327680xf32, #tpu.memory_space<hbm>> -> memref<640xf32, #tpu.memory_space<hbm>>
      tpu.wait_dma2 semaphore(%run_scoped3A : memref<!tpu.dma_semaphore, #tpu.memory_space<semaphore_mem>>) src(%dma_wait3A_275 : memref<640xf32, #tpu.memory_space<hbm>>) dst(%arg7 : memref<640xf32, #tpu.memory_space<vmem>>)
      tpu.yield
    }) : () -> ()
    %scan3A_128 = arith.constant 0 : i32
    %scan3A_129 = arith.constant 0 : i32
    %scan3A_130 = arith.constant 40 : i32
    %scan3A_131 = arith.addi %scan3A_129, %scan3A_130 : i32
    %scan3A_132 = arith.constant 1 : i32
    scf.for %scan3A_274 = %scan3A_129 to %scan3A_131 step %scan3A_132  : i32 {
      %mul3A_275 = arith.constant 16 : i32
      %mul3A_276 = arith.muli %scan3A_274, %mul3A_275 : i32
      %get3A = arith.index_cast %mul3A_276 : i32 to index
      %get3A_277 = tpu.vector_load %arg8[%get3A] {strides = array<i32>} : memref<640xf32, #tpu.memory_space<vmem>>, vector<16xf32>,
      %mul3A_278 = arith.constant 16 : i32
      %mul3A_279 = arith.muli %scan3A_274, %mul3A_278 : i32
      %get3A_280 = arith.index_cast %mul3A_279 : i32 to index
      %get3A_281 = tpu.vector_load %arg7[%get3A_280] {strides = array<i32>} : memref<640xf32, #tpu.memory_space<vmem>>, vector<16xf32>,
      %add3A_282 = arith.addf %get3A_277, %get3A_281 : vector<16xf32>
      %mul3A_283 = arith.constant 16 : i32
      %mul3A_284 = arith.muli %scan3A_274, %mul3A_283 : i32
      %swap3A = arith.index_cast %mul3A_284 : i32 to index
      %swap3A_285 = tpu.vector_load %arg8[%swap3A] {strides = array<i32>} : memref<640xf32, #tpu.memory_space<vmem>>, vector<16xf32>,
      tpu.vector_store %arg8[%swap3A], %add3A_282 {strides = array<i32>} : memref<640xf32, #tpu.memory_space<vmem>>, vector<16xf32>,
    }
    %scan3A_133 = arith.constant 40 : i32
    %mul3A_134 = arith.constant 16 : i32
    %mul3A_135 = arith.muli %arg0, %mul3A_134 : i32
    %add3A_136 = arith.constant 7 : i32
    %add3A_137 = arith.addi %mul3A_135, %add3A_136 : i32
    %mul3A_138 = arith.constant 10240 : i32
    %mul3A_139 = arith.muli %add3A_137, %mul3A_138 : i32
    %mul3A_140 = arith.constant 640 : i32
    %mul3A_141 = arith.muli %arg1, %mul3A_140 : i32
    %add3A_142 = arith.addi %mul3A_139, %mul3A_141 : i32
    "tpu.region"() ({
      %run_scoped3A = tpu.sem_alloc : memref<!tpu.dma_semaphore, #tpu.memory_space<semaphore_mem>>
      %dma_start3A = tpu.memref_slice %arg3[%add3A_142] : memref<327680xf32, #tpu.memory_space<hbm>> -> memref<640xf32, #tpu.memory_space<hbm>>
      %dma_start3A_274 = tpu.memref_slice %arg3[%add3A_142] : memref<327680xf32, #tpu.memory_space<hbm>> -> memref<640xf32, #tpu.memory_space<hbm>>
      tpu.enqueue_dma source(%dma_start3A_274 : memref<640xf32, #tpu.memory_space<hbm>>) target(%arg7 : memref<640xf32, #tpu.memory_space<vmem>>) target_semaphore(%run_scoped3A : memref<!tpu.dma_semaphore, #tpu.memory_space<semaphore_mem>>)
      %dma_wait3A = tpu.memref_slice %arg3[%add3A_142] : memref<327680xf32, #tpu.memory_space<hbm>> -> memref<640xf32, #tpu.memory_space<hbm>>
      %dma_wait3A_275 = tpu.memref_slice %arg3[%add3A_142] : memref<327680xf32, #tpu.memory_space<hbm>> -> memref<640xf32, #tpu.memory_space<hbm>>
      tpu.wait_dma2 semaphore(%run_scoped3A : memref<!tpu.dma_semaphore, #tpu.memory_space<semaphore_mem>>) src(%dma_wait3A_275 : memref<640xf32, #tpu.memory_space<hbm>>) dst(%arg7 : memref<640xf32, #tpu.memory_space<vmem>>)
      tpu.yield
    }) : () -> ()
    %scan3A_143 = arith.constant 0 : i32
    %scan3A_144 = arith.constant 0 : i32
    %scan3A_145 = arith.constant 40 : i32
    %scan3A_146 = arith.addi %scan3A_144, %scan3A_145 : i32
    %scan3A_147 = arith.constant 1 : i32
    scf.for %scan3A_274 = %scan3A_144 to %scan3A_146 step %scan3A_147  : i32 {
      %mul3A_275 = arith.constant 16 : i32
      %mul3A_276 = arith.muli %scan3A_274, %mul3A_275 : i32
      %get3A = arith.index_cast %mul3A_276 : i32 to index
      %get3A_277 = tpu.vector_load %arg8[%get3A] {strides = array<i32>} : memref<640xf32, #tpu.memory_space<vmem>>, vector<16xf32>,
      %mul3A_278 = arith.constant 16 : i32
      %mul3A_279 = arith.muli %scan3A_274, %mul3A_278 : i32
      %get3A_280 = arith.index_cast %mul3A_279 : i32 to index
      %get3A_281 = tpu.vector_load %arg7[%get3A_280] {strides = array<i32>} : memref<640xf32, #tpu.memory_space<vmem>>, vector<16xf32>,
      %add3A_282 = arith.addf %get3A_277, %get3A_281 : vector<16xf32>
      %mul3A_283 = arith.constant 16 : i32
      %mul3A_284 = arith.muli %scan3A_274, %mul3A_283 : i32
      %swap3A = arith.index_cast %mul3A_284 : i32 to index
      %swap3A_285 = tpu.vector_load %arg8[%swap3A] {strides = array<i32>} : memref<640xf32, #tpu.memory_space<vmem>>, vector<16xf32>,
      tpu.vector_store %arg8[%swap3A], %add3A_282 {strides = array<i32>} : memref<640xf32, #tpu.memory_space<vmem>>, vector<16xf32>,
    }
    %scan3A_148 = arith.constant 40 : i32
    %mul3A_149 = arith.constant 16 : i32
    %mul3A_150 = arith.muli %arg0, %mul3A_149 : i32
    %add3A_151 = arith.constant 8 : i32
    %add3A_152 = arith.addi %mul3A_150, %add3A_151 : i32
    %mul3A_153 = arith.constant 10240 : i32
    %mul3A_154 = arith.muli %add3A_152, %mul3A_153 : i32
    %mul3A_155 = arith.constant 640 : i32
    %mul3A_156 = arith.muli %arg1, %mul3A_155 : i32
    %add3A_157 = arith.addi %mul3A_154, %mul3A_156 : i32
    "tpu.region"() ({
      %run_scoped3A = tpu.sem_alloc : memref<!tpu.dma_semaphore, #tpu.memory_space<semaphore_mem>>
      %dma_start3A = tpu.memref_slice %arg3[%add3A_157] : memref<327680xf32, #tpu.memory_space<hbm>> -> memref<640xf32, #tpu.memory_space<hbm>>
      %dma_start3A_274 = tpu.memref_slice %arg3[%add3A_157] : memref<327680xf32, #tpu.memory_space<hbm>> -> memref<640xf32, #tpu.memory_space<hbm>>
      tpu.enqueue_dma source(%dma_start3A_274 : memref<640xf32, #tpu.memory_space<hbm>>) target(%arg7 : memref<640xf32, #tpu.memory_space<vmem>>) target_semaphore(%run_scoped3A : memref<!tpu.dma_semaphore, #tpu.memory_space<semaphore_mem>>)
      %dma_wait3A = tpu.memref_slice %arg3[%add3A_157] : memref<327680xf32, #tpu.memory_space<hbm>> -> memref<640xf32, #tpu.memory_space<hbm>>
      %dma_wait3A_275 = tpu.memref_slice %arg3[%add3A_157] : memref<327680xf32, #tpu.memory_space<hbm>> -> memref<640xf32, #tpu.memory_space<hbm>>
      tpu.wait_dma2 semaphore(%run_scoped3A : memref<!tpu.dma_semaphore, #tpu.memory_space<semaphore_mem>>) src(%dma_wait3A_275 : memref<640xf32, #tpu.memory_space<hbm>>) dst(%arg7 : memref<640xf32, #tpu.memory_space<vmem>>)
      tpu.yield
    }) : () -> ()
    %scan3A_158 = arith.constant 0 : i32
    %scan3A_159 = arith.constant 0 : i32
    %scan3A_160 = arith.constant 40 : i32
    %scan3A_161 = arith.addi %scan3A_159, %scan3A_160 : i32
    %scan3A_162 = arith.constant 1 : i32
    scf.for %scan3A_274 = %scan3A_159 to %scan3A_161 step %scan3A_162  : i32 {
      %mul3A_275 = arith.constant 16 : i32
      %mul3A_276 = arith.muli %scan3A_274, %mul3A_275 : i32
      %get3A = arith.index_cast %mul3A_276 : i32 to index
      %get3A_277 = tpu.vector_load %arg8[%get3A] {strides = array<i32>} : memref<640xf32, #tpu.memory_space<vmem>>, vector<16xf32>,
      %mul3A_278 = arith.constant 16 : i32
      %mul3A_279 = arith.muli %scan3A_274, %mul3A_278 : i32
      %get3A_280 = arith.index_cast %mul3A_279 : i32 to index
      %get3A_281 = tpu.vector_load %arg7[%get3A_280] {strides = array<i32>} : memref<640xf32, #tpu.memory_space<vmem>>, vector<16xf32>,
      %add3A_282 = arith.addf %get3A_277, %get3A_281 : vector<16xf32>
      %mul3A_283 = arith.constant 16 : i32
      %mul3A_284 = arith.muli %scan3A_274, %mul3A_283 : i32
      %swap3A = arith.index_cast %mul3A_284 : i32 to index
      %swap3A_285 = tpu.vector_load %arg8[%swap3A] {strides = array<i32>} : memref<640xf32, #tpu.memory_space<vmem>>, vector<16xf32>,
      tpu.vector_store %arg8[%swap3A], %add3A_282 {strides = array<i32>} : memref<640xf32, #tpu.memory_space<vmem>>, vector<16xf32>,
    }
    %scan3A_163 = arith.constant 40 : i32
    %mul3A_164 = arith.constant 16 : i32
    %mul3A_165 = arith.muli %arg0, %mul3A_164 : i32
    %add3A_166 = arith.constant 9 : i32
    %add3A_167 = arith.addi %mul3A_165, %add3A_166 : i32
    %mul3A_168 = arith.constant 10240 : i32
    %mul3A_169 = arith.muli %add3A_167, %mul3A_168 : i32
    %mul3A_170 = arith.constant 640 : i32
    %mul3A_171 = arith.muli %arg1, %mul3A_170 : i32
    %add3A_172 = arith.addi %mul3A_169, %mul3A_171 : i32
    "tpu.region"() ({
      %run_scoped3A = tpu.sem_alloc : memref<!tpu.dma_semaphore, #tpu.memory_space<semaphore_mem>>
      %dma_start3A = tpu.memref_slice %arg3[%add3A_172] : memref<327680xf32, #tpu.memory_space<hbm>> -> memref<640xf32, #tpu.memory_space<hbm>>
      %dma_start3A_274 = tpu.memref_slice %arg3[%add3A_172] : memref<327680xf32, #tpu.memory_space<hbm>> -> memref<640xf32, #tpu.memory_space<hbm>>
      tpu.enqueue_dma source(%dma_start3A_274 : memref<640xf32, #tpu.memory_space<hbm>>) target(%arg7 : memref<640xf32, #tpu.memory_space<vmem>>) target_semaphore(%run_scoped3A : memref<!tpu.dma_semaphore, #tpu.memory_space<semaphore_mem>>)
      %dma_wait3A = tpu.memref_slice %arg3[%add3A_172] : memref<327680xf32, #tpu.memory_space<hbm>> -> memref<640xf32, #tpu.memory_space<hbm>>
      %dma_wait3A_275 = tpu.memref_slice %arg3[%add3A_172] : memref<327680xf32, #tpu.memory_space<hbm>> -> memref<640xf32, #tpu.memory_space<hbm>>
      tpu.wait_dma2 semaphore(%run_scoped3A : memref<!tpu.dma_semaphore, #tpu.memory_space<semaphore_mem>>) src(%dma_wait3A_275 : memref<640xf32, #tpu.memory_space<hbm>>) dst(%arg7 : memref<640xf32, #tpu.memory_space<vmem>>)
      tpu.yield
    }) : () -> ()
    %scan3A_173 = arith.constant 0 : i32
    %scan3A_174 = arith.constant 0 : i32
    %scan3A_175 = arith.constant 40 : i32
    %scan3A_176 = arith.addi %scan3A_174, %scan3A_175 : i32
    %scan3A_177 = arith.constant 1 : i32
    scf.for %scan3A_274 = %scan3A_174 to %scan3A_176 step %scan3A_177  : i32 {
      %mul3A_275 = arith.constant 16 : i32
      %mul3A_276 = arith.muli %scan3A_274, %mul3A_275 : i32
      %get3A = arith.index_cast %mul3A_276 : i32 to index
      %get3A_277 = tpu.vector_load %arg8[%get3A] {strides = array<i32>} : memref<640xf32, #tpu.memory_space<vmem>>, vector<16xf32>,
      %mul3A_278 = arith.constant 16 : i32
      %mul3A_279 = arith.muli %scan3A_274, %mul3A_278 : i32
      %get3A_280 = arith.index_cast %mul3A_279 : i32 to index
      %get3A_281 = tpu.vector_load %arg7[%get3A_280] {strides = array<i32>} : memref<640xf32, #tpu.memory_space<vmem>>, vector<16xf32>,
      %add3A_282 = arith.addf %get3A_277, %get3A_281 : vector<16xf32>
      %mul3A_283 = arith.constant 16 : i32
      %mul3A_284 = arith.muli %scan3A_274, %mul3A_283 : i32
      %swap3A = arith.index_cast %mul3A_284 : i32 to index
      %swap3A_285 = tpu.vector_load %arg8[%swap3A] {strides = array<i32>} : memref<640xf32, #tpu.memory_space<vmem>>, vector<16xf32>,
      tpu.vector_store %arg8[%swap3A], %add3A_282 {strides = array<i32>} : memref<640xf32, #tpu.memory_space<vmem>>, vector<16xf32>,
    }
    %scan3A_178 = arith.constant 40 : i32
    %mul3A_179 = arith.constant 16 : i32
    %mul3A_180 = arith.muli %arg0, %mul3A_179 : i32
    %add3A_181 = arith.constant 10 : i32
    %add3A_182 = arith.addi %mul3A_180, %add3A_181 : i32
    %mul3A_183 = arith.constant 10240 : i32
    %mul3A_184 = arith.muli %add3A_182, %mul3A_183 : i32
    %mul3A_185 = arith.constant 640 : i32
    %mul3A_186 = arith.muli %arg1, %mul3A_185 : i32
    %add3A_187 = arith.addi %mul3A_184, %mul3A_186 : i32
    "tpu.region"() ({
      %run_scoped3A = tpu.sem_alloc : memref<!tpu.dma_semaphore, #tpu.memory_space<semaphore_mem>>
      %dma_start3A = tpu.memref_slice %arg3[%add3A_187] : memref<327680xf32, #tpu.memory_space<hbm>> -> memref<640xf32, #tpu.memory_space<hbm>>
      %dma_start3A_274 = tpu.memref_slice %arg3[%add3A_187] : memref<327680xf32, #tpu.memory_space<hbm>> -> memref<640xf32, #tpu.memory_space<hbm>>
      tpu.enqueue_dma source(%dma_start3A_274 : memref<640xf32, #tpu.memory_space<hbm>>) target(%arg7 : memref<640xf32, #tpu.memory_space<vmem>>) target_semaphore(%run_scoped3A : memref<!tpu.dma_semaphore, #tpu.memory_space<semaphore_mem>>)
      %dma_wait3A = tpu.memref_slice %arg3[%add3A_187] : memref<327680xf32, #tpu.memory_space<hbm>> -> memref<640xf32, #tpu.memory_space<hbm>>
      %dma_wait3A_275 = tpu.memref_slice %arg3[%add3A_187] : memref<327680xf32, #tpu.memory_space<hbm>> -> memref<640xf32, #tpu.memory_space<hbm>>
      tpu.wait_dma2 semaphore(%run_scoped3A : memref<!tpu.dma_semaphore, #tpu.memory_space<semaphore_mem>>) src(%dma_wait3A_275 : memref<640xf32, #tpu.memory_space<hbm>>) dst(%arg7 : memref<640xf32, #tpu.memory_space<vmem>>)
      tpu.yield
    }) : () -> ()
    %scan3A_188 = arith.constant 0 : i32
    %scan3A_189 = arith.constant 0 : i32
    %scan3A_190 = arith.constant 40 : i32
    %scan3A_191 = arith.addi %scan3A_189, %scan3A_190 : i32
    %scan3A_192 = arith.constant 1 : i32
    scf.for %scan3A_274 = %scan3A_189 to %scan3A_191 step %scan3A_192  : i32 {
      %mul3A_275 = arith.constant 16 : i32
      %mul3A_276 = arith.muli %scan3A_274, %mul3A_275 : i32
      %get3A = arith.index_cast %mul3A_276 : i32 to index
      %get3A_277 = tpu.vector_load %arg8[%get3A] {strides = array<i32>} : memref<640xf32, #tpu.memory_space<vmem>>, vector<16xf32>,
      %mul3A_278 = arith.constant 16 : i32
      %mul3A_279 = arith.muli %scan3A_274, %mul3A_278 : i32
      %get3A_280 = arith.index_cast %mul3A_279 : i32 to index
      %get3A_281 = tpu.vector_load %arg7[%get3A_280] {strides = array<i32>} : memref<640xf32, #tpu.memory_space<vmem>>, vector<16xf32>,
      %add3A_282 = arith.addf %get3A_277, %get3A_281 : vector<16xf32>
      %mul3A_283 = arith.constant 16 : i32
      %mul3A_284 = arith.muli %scan3A_274, %mul3A_283 : i32
      %swap3A = arith.index_cast %mul3A_284 : i32 to index
      %swap3A_285 = tpu.vector_load %arg8[%swap3A] {strides = array<i32>} : memref<640xf32, #tpu.memory_space<vmem>>, vector<16xf32>,
      tpu.vector_store %arg8[%swap3A], %add3A_282 {strides = array<i32>} : memref<640xf32, #tpu.memory_space<vmem>>, vector<16xf32>,
    }
    %scan3A_193 = arith.constant 40 : i32
    %mul3A_194 = arith.constant 16 : i32
    %mul3A_195 = arith.muli %arg0, %mul3A_194 : i32
    %add3A_196 = arith.constant 11 : i32
    %add3A_197 = arith.addi %mul3A_195, %add3A_196 : i32
    %mul3A_198 = arith.constant 10240 : i32
    %mul3A_199 = arith.muli %add3A_197, %mul3A_198 : i32
    %mul3A_200 = arith.constant 640 : i32
    %mul3A_201 = arith.muli %arg1, %mul3A_200 : i32
    %add3A_202 = arith.addi %mul3A_199, %mul3A_201 : i32
    "tpu.region"() ({
      %run_scoped3A = tpu.sem_alloc : memref<!tpu.dma_semaphore, #tpu.memory_space<semaphore_mem>>
      %dma_start3A = tpu.memref_slice %arg3[%add3A_202] : memref<327680xf32, #tpu.memory_space<hbm>> -> memref<640xf32, #tpu.memory_space<hbm>>
      %dma_start3A_274 = tpu.memref_slice %arg3[%add3A_202] : memref<327680xf32, #tpu.memory_space<hbm>> -> memref<640xf32, #tpu.memory_space<hbm>>
      tpu.enqueue_dma source(%dma_start3A_274 : memref<640xf32, #tpu.memory_space<hbm>>) target(%arg7 : memref<640xf32, #tpu.memory_space<vmem>>) target_semaphore(%run_scoped3A : memref<!tpu.dma_semaphore, #tpu.memory_space<semaphore_mem>>)
      %dma_wait3A = tpu.memref_slice %arg3[%add3A_202] : memref<327680xf32, #tpu.memory_space<hbm>> -> memref<640xf32, #tpu.memory_space<hbm>>
      %dma_wait3A_275 = tpu.memref_slice %arg3[%add3A_202] : memref<327680xf32, #tpu.memory_space<hbm>> -> memref<640xf32, #tpu.memory_space<hbm>>
      tpu.wait_dma2 semaphore(%run_scoped3A : memref<!tpu.dma_semaphore, #tpu.memory_space<semaphore_mem>>) src(%dma_wait3A_275 : memref<640xf32, #tpu.memory_space<hbm>>) dst(%arg7 : memref<640xf32, #tpu.memory_space<vmem>>)
      tpu.yield
    }) : () -> ()
    %scan3A_203 = arith.constant 0 : i32
    %scan3A_204 = arith.constant 0 : i32
    %scan3A_205 = arith.constant 40 : i32
    %scan3A_206 = arith.addi %scan3A_204, %scan3A_205 : i32
    %scan3A_207 = arith.constant 1 : i32
    scf.for %scan3A_274 = %scan3A_204 to %scan3A_206 step %scan3A_207  : i32 {
      %mul3A_275 = arith.constant 16 : i32
      %mul3A_276 = arith.muli %scan3A_274, %mul3A_275 : i32
      %get3A = arith.index_cast %mul3A_276 : i32 to index
      %get3A_277 = tpu.vector_load %arg8[%get3A] {strides = array<i32>} : memref<640xf32, #tpu.memory_space<vmem>>, vector<16xf32>,
      %mul3A_278 = arith.constant 16 : i32
      %mul3A_279 = arith.muli %scan3A_274, %mul3A_278 : i32
      %get3A_280 = arith.index_cast %mul3A_279 : i32 to index
      %get3A_281 = tpu.vector_load %arg7[%get3A_280] {strides = array<i32>} : memref<640xf32, #tpu.memory_space<vmem>>, vector<16xf32>,
      %add3A_282 = arith.addf %get3A_277, %get3A_281 : vector<16xf32>
      %mul3A_283 = arith.constant 16 : i32
      %mul3A_284 = arith.muli %scan3A_274, %mul3A_283 : i32
      %swap3A = arith.index_cast %mul3A_284 : i32 to index
      %swap3A_285 = tpu.vector_load %arg8[%swap3A] {strides = array<i32>} : memref<640xf32, #tpu.memory_space<vmem>>, vector<16xf32>,
      tpu.vector_store %arg8[%swap3A], %add3A_282 {strides = array<i32>} : memref<640xf32, #tpu.memory_space<vmem>>, vector<16xf32>,
    }
    %scan3A_208 = arith.constant 40 : i32
    %mul3A_209 = arith.constant 16 : i32
    %mul3A_210 = arith.muli %arg0, %mul3A_209 : i32
    %add3A_211 = arith.constant 12 : i32
    %add3A_212 = arith.addi %mul3A_210, %add3A_211 : i32
    %mul3A_213 = arith.constant 10240 : i32
    %mul3A_214 = arith.muli %add3A_212, %mul3A_213 : i32
    %mul3A_215 = arith.constant 640 : i32
    %mul3A_216 = arith.muli %arg1, %mul3A_215 : i32
    %add3A_217 = arith.addi %mul3A_214, %mul3A_216 : i32
    "tpu.region"() ({
      %run_scoped3A = tpu.sem_alloc : memref<!tpu.dma_semaphore, #tpu.memory_space<semaphore_mem>>
      %dma_start3A = tpu.memref_slice %arg3[%add3A_217] : memref<327680xf32, #tpu.memory_space<hbm>> -> memref<640xf32, #tpu.memory_space<hbm>>
      %dma_start3A_274 = tpu.memref_slice %arg3[%add3A_217] : memref<327680xf32, #tpu.memory_space<hbm>> -> memref<640xf32, #tpu.memory_space<hbm>>
      tpu.enqueue_dma source(%dma_start3A_274 : memref<640xf32, #tpu.memory_space<hbm>>) target(%arg7 : memref<640xf32, #tpu.memory_space<vmem>>) target_semaphore(%run_scoped3A : memref<!tpu.dma_semaphore, #tpu.memory_space<semaphore_mem>>)
      %dma_wait3A = tpu.memref_slice %arg3[%add3A_217] : memref<327680xf32, #tpu.memory_space<hbm>> -> memref<640xf32, #tpu.memory_space<hbm>>
      %dma_wait3A_275 = tpu.memref_slice %arg3[%add3A_217] : memref<327680xf32, #tpu.memory_space<hbm>> -> memref<640xf32, #tpu.memory_space<hbm>>
      tpu.wait_dma2 semaphore(%run_scoped3A : memref<!tpu.dma_semaphore, #tpu.memory_space<semaphore_mem>>) src(%dma_wait3A_275 : memref<640xf32, #tpu.memory_space<hbm>>) dst(%arg7 : memref<640xf32, #tpu.memory_space<vmem>>)
      tpu.yield
    }) : () -> ()
    %scan3A_218 = arith.constant 0 : i32
    %scan3A_219 = arith.constant 0 : i32
    %scan3A_220 = arith.constant 40 : i32
    %scan3A_221 = arith.addi %scan3A_219, %scan3A_220 : i32
    %scan3A_222 = arith.constant 1 : i32
    scf.for %scan3A_274 = %scan3A_219 to %scan3A_221 step %scan3A_222  : i32 {
      %mul3A_275 = arith.constant 16 : i32
      %mul3A_276 = arith.muli %scan3A_274, %mul3A_275 : i32
      %get3A = arith.index_cast %mul3A_276 : i32 to index
      %get3A_277 = tpu.vector_load %arg8[%get3A] {strides = array<i32>} : memref<640xf32, #tpu.memory_space<vmem>>, vector<16xf32>,
      %mul3A_278 = arith.constant 16 : i32
      %mul3A_279 = arith.muli %scan3A_274, %mul3A_278 : i32
      %get3A_280 = arith.index_cast %mul3A_279 : i32 to index
      %get3A_281 = tpu.vector_load %arg7[%get3A_280] {strides = array<i32>} : memref<640xf32, #tpu.memory_space<vmem>>, vector<16xf32>,
      %add3A_282 = arith.addf %get3A_277, %get3A_281 : vector<16xf32>
      %mul3A_283 = arith.constant 16 : i32
      %mul3A_284 = arith.muli %scan3A_274, %mul3A_283 : i32
      %swap3A = arith.index_cast %mul3A_284 : i32 to index
      %swap3A_285 = tpu.vector_load %arg8[%swap3A] {strides = array<i32>} : memref<640xf32, #tpu.memory_space<vmem>>, vector<16xf32>,
      tpu.vector_store %arg8[%swap3A], %add3A_282 {strides = array<i32>} : memref<640xf32, #tpu.memory_space<vmem>>, vector<16xf32>,
    }
    %scan3A_223 = arith.constant 40 : i32
    %mul3A_224 = arith.constant 16 : i32
    %mul3A_225 = arith.muli %arg0, %mul3A_224 : i32
    %add3A_226 = arith.constant 13 : i32
    %add3A_227 = arith.addi %mul3A_225, %add3A_226 : i32
    %mul3A_228 = arith.constant 10240 : i32
    %mul3A_229 = arith.muli %add3A_227, %mul3A_228 : i32
    %mul3A_230 = arith.constant 640 : i32
    %mul3A_231 = arith.muli %arg1, %mul3A_230 : i32
    %add3A_232 = arith.addi %mul3A_229, %mul3A_231 : i32
    "tpu.region"() ({
      %run_scoped3A = tpu.sem_alloc : memref<!tpu.dma_semaphore, #tpu.memory_space<semaphore_mem>>
      %dma_start3A = tpu.memref_slice %arg3[%add3A_232] : memref<327680xf32, #tpu.memory_space<hbm>> -> memref<640xf32, #tpu.memory_space<hbm>>
      %dma_start3A_274 = tpu.memref_slice %arg3[%add3A_232] : memref<327680xf32, #tpu.memory_space<hbm>> -> memref<640xf32, #tpu.memory_space<hbm>>
      tpu.enqueue_dma source(%dma_start3A_274 : memref<640xf32, #tpu.memory_space<hbm>>) target(%arg7 : memref<640xf32, #tpu.memory_space<vmem>>) target_semaphore(%run_scoped3A : memref<!tpu.dma_semaphore, #tpu.memory_space<semaphore_mem>>)
      %dma_wait3A = tpu.memref_slice %arg3[%add3A_232] : memref<327680xf32, #tpu.memory_space<hbm>> -> memref<640xf32, #tpu.memory_space<hbm>>
      %dma_wait3A_275 = tpu.memref_slice %arg3[%add3A_232] : memref<327680xf32, #tpu.memory_space<hbm>> -> memref<640xf32, #tpu.memory_space<hbm>>
      tpu.wait_dma2 semaphore(%run_scoped3A : memref<!tpu.dma_semaphore, #tpu.memory_space<semaphore_mem>>) src(%dma_wait3A_275 : memref<640xf32, #tpu.memory_space<hbm>>) dst(%arg7 : memref<640xf32, #tpu.memory_space<vmem>>)
      tpu.yield
    }) : () -> ()
    %scan3A_233 = arith.constant 0 : i32
    %scan3A_234 = arith.constant 0 : i32
    %scan3A_235 = arith.constant 40 : i32
    %scan3A_236 = arith.addi %scan3A_234, %scan3A_235 : i32
    %scan3A_237 = arith.constant 1 : i32
    scf.for %scan3A_274 = %scan3A_234 to %scan3A_236 step %scan3A_237  : i32 {
      %mul3A_275 = arith.constant 16 : i32
      %mul3A_276 = arith.muli %scan3A_274, %mul3A_275 : i32
      %get3A = arith.index_cast %mul3A_276 : i32 to index
      %get3A_277 = tpu.vector_load %arg8[%get3A] {strides = array<i32>} : memref<640xf32, #tpu.memory_space<vmem>>, vector<16xf32>,
      %mul3A_278 = arith.constant 16 : i32
      %mul3A_279 = arith.muli %scan3A_274, %mul3A_278 : i32
      %get3A_280 = arith.index_cast %mul3A_279 : i32 to index
      %get3A_281 = tpu.vector_load %arg7[%get3A_280] {strides = array<i32>} : memref<640xf32, #tpu.memory_space<vmem>>, vector<16xf32>,
      %add3A_282 = arith.addf %get3A_277, %get3A_281 : vector<16xf32>
      %mul3A_283 = arith.constant 16 : i32
      %mul3A_284 = arith.muli %scan3A_274, %mul3A_283 : i32
      %swap3A = arith.index_cast %mul3A_284 : i32 to index
      %swap3A_285 = tpu.vector_load %arg8[%swap3A] {strides = array<i32>} : memref<640xf32, #tpu.memory_space<vmem>>, vector<16xf32>,
      tpu.vector_store %arg8[%swap3A], %add3A_282 {strides = array<i32>} : memref<640xf32, #tpu.memory_space<vmem>>, vector<16xf32>,
    }
    %scan3A_238 = arith.constant 40 : i32
    %mul3A_239 = arith.constant 16 : i32
    %mul3A_240 = arith.muli %arg0, %mul3A_239 : i32
    %add3A_241 = arith.constant 14 : i32
    %add3A_242 = arith.addi %mul3A_240, %add3A_241 : i32
    %mul3A_243 = arith.constant 10240 : i32
    %mul3A_244 = arith.muli %add3A_242, %mul3A_243 : i32
    %mul3A_245 = arith.constant 640 : i32
    %mul3A_246 = arith.muli %arg1, %mul3A_245 : i32
    %add3A_247 = arith.addi %mul3A_244, %mul3A_246 : i32
    "tpu.region"() ({
      %run_scoped3A = tpu.sem_alloc : memref<!tpu.dma_semaphore, #tpu.memory_space<semaphore_mem>>
      %dma_start3A = tpu.memref_slice %arg3[%add3A_247] : memref<327680xf32, #tpu.memory_space<hbm>> -> memref<640xf32, #tpu.memory_space<hbm>>
      %dma_start3A_274 = tpu.memref_slice %arg3[%add3A_247] : memref<327680xf32, #tpu.memory_space<hbm>> -> memref<640xf32, #tpu.memory_space<hbm>>
      tpu.enqueue_dma source(%dma_start3A_274 : memref<640xf32, #tpu.memory_space<hbm>>) target(%arg7 : memref<640xf32, #tpu.memory_space<vmem>>) target_semaphore(%run_scoped3A : memref<!tpu.dma_semaphore, #tpu.memory_space<semaphore_mem>>)
      %dma_wait3A = tpu.memref_slice %arg3[%add3A_247] : memref<327680xf32, #tpu.memory_space<hbm>> -> memref<640xf32, #tpu.memory_space<hbm>>
      %dma_wait3A_275 = tpu.memref_slice %arg3[%add3A_247] : memref<327680xf32, #tpu.memory_space<hbm>> -> memref<640xf32, #tpu.memory_space<hbm>>
      tpu.wait_dma2 semaphore(%run_scoped3A : memref<!tpu.dma_semaphore, #tpu.memory_space<semaphore_mem>>) src(%dma_wait3A_275 : memref<640xf32, #tpu.memory_space<hbm>>) dst(%arg7 : memref<640xf32, #tpu.memory_space<vmem>>)
      tpu.yield
    }) : () -> ()
    %scan3A_248 = arith.constant 0 : i32
    %scan3A_249 = arith.constant 0 : i32
    %scan3A_250 = arith.constant 40 : i32
    %scan3A_251 = arith.addi %scan3A_249, %scan3A_250 : i32
    %scan3A_252 = arith.constant 1 : i32
    scf.for %scan3A_274 = %scan3A_249 to %scan3A_251 step %scan3A_252  : i32 {
      %mul3A_275 = arith.constant 16 : i32
      %mul3A_276 = arith.muli %scan3A_274, %mul3A_275 : i32
      %get3A = arith.index_cast %mul3A_276 : i32 to index
      %get3A_277 = tpu.vector_load %arg8[%get3A] {strides = array<i32>} : memref<640xf32, #tpu.memory_space<vmem>>, vector<16xf32>,
      %mul3A_278 = arith.constant 16 : i32
      %mul3A_279 = arith.muli %scan3A_274, %mul3A_278 : i32
      %get3A_280 = arith.index_cast %mul3A_279 : i32 to index
      %get3A_281 = tpu.vector_load %arg7[%get3A_280] {strides = array<i32>} : memref<640xf32, #tpu.memory_space<vmem>>, vector<16xf32>,
      %add3A_282 = arith.addf %get3A_277, %get3A_281 : vector<16xf32>
      %mul3A_283 = arith.constant 16 : i32
      %mul3A_284 = arith.muli %scan3A_274, %mul3A_283 : i32
      %swap3A = arith.index_cast %mul3A_284 : i32 to index
      %swap3A_285 = tpu.vector_load %arg8[%swap3A] {strides = array<i32>} : memref<640xf32, #tpu.memory_space<vmem>>, vector<16xf32>,
      tpu.vector_store %arg8[%swap3A], %add3A_282 {strides = array<i32>} : memref<640xf32, #tpu.memory_space<vmem>>, vector<16xf32>,
    }
    %scan3A_253 = arith.constant 40 : i32
    %mul3A_254 = arith.constant 16 : i32
    %mul3A_255 = arith.muli %arg0, %mul3A_254 : i32
    %add3A_256 = arith.constant 15 : i32
    %add3A_257 = arith.addi %mul3A_255, %add3A_256 : i32
    %mul3A_258 = arith.constant 10240 : i32
    %mul3A_259 = arith.muli %add3A_257, %mul3A_258 : i32
    %mul3A_260 = arith.constant 640 : i32
    %mul3A_261 = arith.muli %arg1, %mul3A_260 : i32
    %add3A_262 = arith.addi %mul3A_259, %mul3A_261 : i32
    "tpu.region"() ({
      %run_scoped3A = tpu.sem_alloc : memref<!tpu.dma_semaphore, #tpu.memory_space<semaphore_mem>>
      %dma_start3A = tpu.memref_slice %arg3[%add3A_262] : memref<327680xf32, #tpu.memory_space<hbm>> -> memref<640xf32, #tpu.memory_space<hbm>>
      %dma_start3A_274 = tpu.memref_slice %arg3[%add3A_262] : memref<327680xf32, #tpu.memory_space<hbm>> -> memref<640xf32, #tpu.memory_space<hbm>>
      tpu.enqueue_dma source(%dma_start3A_274 : memref<640xf32, #tpu.memory_space<hbm>>) target(%arg7 : memref<640xf32, #tpu.memory_space<vmem>>) target_semaphore(%run_scoped3A : memref<!tpu.dma_semaphore, #tpu.memory_space<semaphore_mem>>)
      %dma_wait3A = tpu.memref_slice %arg3[%add3A_262] : memref<327680xf32, #tpu.memory_space<hbm>> -> memref<640xf32, #tpu.memory_space<hbm>>
      %dma_wait3A_275 = tpu.memref_slice %arg3[%add3A_262] : memref<327680xf32, #tpu.memory_space<hbm>> -> memref<640xf32, #tpu.memory_space<hbm>>
      tpu.wait_dma2 semaphore(%run_scoped3A : memref<!tpu.dma_semaphore, #tpu.memory_space<semaphore_mem>>) src(%dma_wait3A_275 : memref<640xf32, #tpu.memory_space<hbm>>) dst(%arg7 : memref<640xf32, #tpu.memory_space<vmem>>)
      tpu.yield
    }) : () -> ()
    %scan3A_263 = arith.constant 0 : i32
    %scan3A_264 = arith.constant 0 : i32
    %scan3A_265 = arith.constant 40 : i32
    %scan3A_266 = arith.addi %scan3A_264, %scan3A_265 : i32
    %scan3A_267 = arith.constant 1 : i32
    scf.for %scan3A_274 = %scan3A_264 to %scan3A_266 step %scan3A_267  : i32 {
      %mul3A_275 = arith.constant 16 : i32
      %mul3A_276 = arith.muli %scan3A_274, %mul3A_275 : i32
      %get3A = arith.index_cast %mul3A_276 : i32 to index
      %get3A_277 = tpu.vector_load %arg8[%get3A] {strides = array<i32>} : memref<640xf32, #tpu.memory_space<vmem>>, vector<16xf32>,
      %mul3A_278 = arith.constant 16 : i32
      %mul3A_279 = arith.muli %scan3A_274, %mul3A_278 : i32
      %get3A_280 = arith.index_cast %mul3A_279 : i32 to index
      %get3A_281 = tpu.vector_load %arg7[%get3A_280] {strides = array<i32>} : memref<640xf32, #tpu.memory_space<vmem>>, vector<16xf32>,
      %add3A_282 = arith.addf %get3A_277, %get3A_281 : vector<16xf32>
      %mul3A_283 = arith.constant 16 : i32
      %mul3A_284 = arith.muli %scan3A_274, %mul3A_283 : i32
      %swap3A = arith.index_cast %mul3A_284 : i32 to index
      %swap3A_285 = tpu.vector_load %arg8[%swap3A] {strides = array<i32>} : memref<640xf32, #tpu.memory_space<vmem>>, vector<16xf32>,
      tpu.vector_store %arg8[%swap3A], %add3A_282 {strides = array<i32>} : memref<640xf32, #tpu.memory_space<vmem>>, vector<16xf32>,
    }
    %scan3A_268 = arith.constant 40 : i32
    %mul3A_269 = arith.constant 10240 : i32
    %mul3A_270 = arith.muli %arg0, %mul3A_269 : i32
    %mul3A_271 = arith.constant 640 : i32
    %mul3A_272 = arith.muli %arg1, %mul3A_271 : i32
    %add3A_273 = arith.addi %mul3A_270, %mul3A_272 : i32
    "tpu.region"() ({
      %run_scoped3A = tpu.sem_alloc : memref<!tpu.dma_semaphore, #tpu.memory_space<semaphore_mem>>
      %dma_start3A = tpu.memref_slice %arg4[%add3A_273] : memref<20480xf32, #tpu.memory_space<hbm>> -> memref<640xf32, #tpu.memory_space<hbm>>
      %dma_start3A_274 = tpu.memref_slice %arg4[%add3A_273] : memref<20480xf32, #tpu.memory_space<hbm>> -> memref<640xf32, #tpu.memory_space<hbm>>
      tpu.enqueue_dma source(%arg8 : memref<640xf32, #tpu.memory_space<vmem>>) target(%dma_start3A_274 : memref<640xf32, #tpu.memory_space<hbm>>) target_semaphore(%run_scoped3A : memref<!tpu.dma_semaphore, #tpu.memory_space<semaphore_mem>>)
      %dma_wait3A = tpu.memref_slice %arg4[%add3A_273] : memref<20480xf32, #tpu.memory_space<hbm>> -> memref<640xf32, #tpu.memory_space<hbm>>
      %dma_wait3A_275 = tpu.memref_slice %arg4[%add3A_273] : memref<20480xf32, #tpu.memory_space<hbm>> -> memref<640xf32, #tpu.memory_space<hbm>>
      tpu.wait_dma2 semaphore(%run_scoped3A : memref<!tpu.dma_semaphore, #tpu.memory_space<semaphore_mem>>) src(%arg8 : memref<640xf32, #tpu.memory_space<vmem>>) dst(%dma_wait3A_275 : memref<640xf32, #tpu.memory_space<hbm>>)
      tpu.yield
    }) : () -> ()
    return
  }
}

#map = affine_map<(d0, d1) -> (0)>
#map1 = affine_map<(d0, d1) -> (0, 0)>
module attributes {stable_mosaic.version = 14 : i64} {
  func.func @_spmm_body(%arg0: i32, %arg1: i32, %arg2: memref<643072xi32, #tpu.memory_space<hbm>>, %arg3: memref<10240x128xf32, #tpu.memory_space<hbm>>, %arg4: memref<10240x128xf32, #tpu.memory_space<hbm>>, %arg5: memref<40192xi32, #tpu.memory_space<vmem>>, %arg6: memref<2x128xi32, #tpu.memory_space<vmem>>, %arg7: memref<128x128xf32, #tpu.memory_space<vmem>>, %arg8: memref<128x128xf32, #tpu.memory_space<vmem>>, %arg9: memref<5248x128xf32, #tpu.memory_space<vmem_shared>>, %arg10: memref<!tpu.dma_semaphore, #tpu.memory_space<semaphore_mem>>, %arg11: memref<!tpu.dma_semaphore, #tpu.memory_space<semaphore_mem>>) attributes {dimension_semantics = [#tpu.dimension_semantics<core_parallel>, #tpu.dimension_semantics<subcore_parallel>], iteration_bounds = array<i64: 2, 16>, scalar_prefetch = 0 : i64, scratch_operands = 7 : i64, tpu.core_type = #tpu.core_type<sc_vector_subcore>, window_params = [{transform_indices = #map}, {transform_indices = #map1}, {transform_indices = #map1}]} {
    %mul3A = arith.constant 20096 : i32
    %mul3A_0 = arith.muli %arg1, %mul3A : i32
    "tpu.region"() ({
      %run_scoped3A = tpu.sem_alloc : memref<!tpu.dma_semaphore, #tpu.memory_space<semaphore_mem>>
      %dma_start3A_50 = arith.constant 0 : i32
      %dma_start3A_51 = tpu.memref_slice %arg5[%dma_start3A_50] : memref<40192xi32, #tpu.memory_space<vmem>> -> memref<20096xi32, #tpu.memory_space<vmem>>
      %dma_start3A_52 = tpu.memref_slice %arg2[%mul3A_0] : memref<643072xi32, #tpu.memory_space<hbm>> -> memref<20096xi32, #tpu.memory_space<hbm>>
      %dma_start3A_53 = arith.constant 0 : i32
      %dma_start3A_54 = tpu.memref_slice %arg5[%dma_start3A_53] : memref<40192xi32, #tpu.memory_space<vmem>> -> memref<20096xi32, #tpu.memory_space<vmem>>
      %dma_start3A_55 = tpu.memref_slice %arg2[%mul3A_0] : memref<643072xi32, #tpu.memory_space<hbm>> -> memref<20096xi32, #tpu.memory_space<hbm>>
      tpu.enqueue_dma source(%dma_start3A_55 : memref<20096xi32, #tpu.memory_space<hbm>>) target(%dma_start3A_54 : memref<20096xi32, #tpu.memory_space<vmem>>) target_semaphore(%run_scoped3A : memref<!tpu.dma_semaphore, #tpu.memory_space<semaphore_mem>>)
      %dma_wait3A = arith.constant 0 : i32
      %dma_wait3A_56 = tpu.memref_slice %arg5[%dma_wait3A] : memref<40192xi32, #tpu.memory_space<vmem>> -> memref<20096xi32, #tpu.memory_space<vmem>>
      %dma_wait3A_57 = tpu.memref_slice %arg2[%mul3A_0] : memref<643072xi32, #tpu.memory_space<hbm>> -> memref<20096xi32, #tpu.memory_space<hbm>>
      %dma_wait3A_58 = arith.constant 0 : i32
      %dma_wait3A_59 = tpu.memref_slice %arg5[%dma_wait3A_58] : memref<40192xi32, #tpu.memory_space<vmem>> -> memref<20096xi32, #tpu.memory_space<vmem>>
      %dma_wait3A_60 = tpu.memref_slice %arg2[%mul3A_0] : memref<643072xi32, #tpu.memory_space<hbm>> -> memref<20096xi32, #tpu.memory_space<hbm>>
      tpu.wait_dma2 semaphore(%run_scoped3A : memref<!tpu.dma_semaphore, #tpu.memory_space<semaphore_mem>>) src(%dma_wait3A_60 : memref<20096xi32, #tpu.memory_space<hbm>>) dst(%dma_wait3A_59 : memref<20096xi32, #tpu.memory_space<vmem>>)
      tpu.yield
    }) : () -> ()
    %mul3A_1 = arith.constant 20096 : i32
    %mul3A_2 = arith.muli %arg1, %mul3A_1 : i32
    %add3A = arith.constant 321536 : i32
    %add3A_3 = arith.addi %add3A, %mul3A_2 : i32
    "tpu.region"() ({
      %run_scoped3A = tpu.sem_alloc : memref<!tpu.dma_semaphore, #tpu.memory_space<semaphore_mem>>
      %dma_start3A_50 = arith.constant 20096 : i32
      %dma_start3A_51 = tpu.memref_slice %arg5[%dma_start3A_50] : memref<40192xi32, #tpu.memory_space<vmem>> -> memref<20096xi32, #tpu.memory_space<vmem>>
      %dma_start3A_52 = tpu.memref_slice %arg2[%add3A_3] : memref<643072xi32, #tpu.memory_space<hbm>> -> memref<20096xi32, #tpu.memory_space<hbm>>
      %dma_start3A_53 = arith.constant 20096 : i32
      %dma_start3A_54 = tpu.memref_slice %arg5[%dma_start3A_53] : memref<40192xi32, #tpu.memory_space<vmem>> -> memref<20096xi32, #tpu.memory_space<vmem>>
      %dma_start3A_55 = tpu.memref_slice %arg2[%add3A_3] : memref<643072xi32, #tpu.memory_space<hbm>> -> memref<20096xi32, #tpu.memory_space<hbm>>
      tpu.enqueue_dma source(%dma_start3A_55 : memref<20096xi32, #tpu.memory_space<hbm>>) target(%dma_start3A_54 : memref<20096xi32, #tpu.memory_space<vmem>>) target_semaphore(%run_scoped3A : memref<!tpu.dma_semaphore, #tpu.memory_space<semaphore_mem>>)
      %dma_wait3A = arith.constant 20096 : i32
      %dma_wait3A_56 = tpu.memref_slice %arg5[%dma_wait3A] : memref<40192xi32, #tpu.memory_space<vmem>> -> memref<20096xi32, #tpu.memory_space<vmem>>
      %dma_wait3A_57 = tpu.memref_slice %arg2[%add3A_3] : memref<643072xi32, #tpu.memory_space<hbm>> -> memref<20096xi32, #tpu.memory_space<hbm>>
      %dma_wait3A_58 = arith.constant 20096 : i32
      %dma_wait3A_59 = tpu.memref_slice %arg5[%dma_wait3A_58] : memref<40192xi32, #tpu.memory_space<vmem>> -> memref<20096xi32, #tpu.memory_space<vmem>>
      %dma_wait3A_60 = tpu.memref_slice %arg2[%add3A_3] : memref<643072xi32, #tpu.memory_space<hbm>> -> memref<20096xi32, #tpu.memory_space<hbm>>
      tpu.wait_dma2 semaphore(%run_scoped3A : memref<!tpu.dma_semaphore, #tpu.memory_space<semaphore_mem>>) src(%dma_wait3A_60 : memref<20096xi32, #tpu.memory_space<hbm>>) dst(%dma_wait3A_59 : memref<20096xi32, #tpu.memory_space<vmem>>)
      tpu.yield
    }) : () -> ()
    %broadcast_in_dim3A = arith.constant 5120 : i32
    %broadcast_in_dim3A_4 = vector.broadcast %broadcast_in_dim3A : i32 to vector<16xi32>
    %mul3A_5 = vector.broadcast %arg0 : i32 to vector<16xi32>
    %mul3A_6 = arith.muli %broadcast_in_dim3A_4, %mul3A_5 : vector<16xi32>
    %broadcast_in_dim3A_7 = arith.constant 5120 : i32
    %broadcast_in_dim3A_8 = vector.broadcast %broadcast_in_dim3A_7 : i32 to vector<16xi32>
    %broadcast_in_dim3A_9 = arith.constant 127 : i32
    %broadcast_in_dim3A_10 = vector.broadcast %broadcast_in_dim3A_9 : i32 to vector<16xi32>
    %broadcast_in_dim3A_11 = arith.constant 0 : i32
    %broadcast_in_dim3A_12 = vector.broadcast %broadcast_in_dim3A_11 : i32 to vector<16xi32>
    %broadcast_in_dim3A_13 = arith.constant 0.000000e+00 : f32
    %broadcast_in_dim3A_14 = vector.broadcast %broadcast_in_dim3A_13 : f32 to vector<16xf32>
    %scan3A = arith.constant 0 : i32
    %scan3A_15 = arith.constant 0 : i32
    %scan3A_16 = arith.constant 128 : i32
    %scan3A_17 = arith.addi %scan3A_15, %scan3A_16 : i32
    %scan3A_18 = arith.constant 1 : i32
    scf.for %scan3A_50 = %scan3A_15 to %scan3A_17 step %scan3A_18  : i32 {
      %swap3A = arith.index_cast %scan3A_50 : i32 to index
      %swap3A_51 = arith.constant 0 : index
      %swap3A_52 = tpu.vector_load %arg7[%swap3A, %swap3A_51] {strides = array<i32>} : memref<128x128xf32, #tpu.memory_space<vmem>>, vector<1x16xf32>,
      %swap3A_53 = vector.shape_cast %swap3A_52 : vector<1x16xf32> to vector<16xf32>
      %swap3A_54 = vector.shape_cast %broadcast_in_dim3A_14 : vector<16xf32> to vector<1x16xf32>
      tpu.vector_store %arg7[%swap3A, %swap3A_51], %swap3A_54 {strides = array<i32>} : memref<128x128xf32, #tpu.memory_space<vmem>>, vector<1x16xf32>,
      %swap3A_55 = arith.index_cast %scan3A_50 : i32 to index
      %swap3A_56 = arith.constant 16 : index
      %swap3A_57 = tpu.vector_load %arg7[%swap3A_55, %swap3A_56] {strides = array<i32>} : memref<128x128xf32, #tpu.memory_space<vmem>>, vector<1x16xf32>,
      %swap3A_58 = vector.shape_cast %swap3A_57 : vector<1x16xf32> to vector<16xf32>
      %swap3A_59 = vector.shape_cast %broadcast_in_dim3A_14 : vector<16xf32> to vector<1x16xf32>
      tpu.vector_store %arg7[%swap3A_55, %swap3A_56], %swap3A_59 {strides = array<i32>} : memref<128x128xf32, #tpu.memory_space<vmem>>, vector<1x16xf32>,
      %swap3A_60 = arith.index_cast %scan3A_50 : i32 to index
      %swap3A_61 = arith.constant 32 : index
      %swap3A_62 = tpu.vector_load %arg7[%swap3A_60, %swap3A_61] {strides = array<i32>} : memref<128x128xf32, #tpu.memory_space<vmem>>, vector<1x16xf32>,
      %swap3A_63 = vector.shape_cast %swap3A_62 : vector<1x16xf32> to vector<16xf32>
      %swap3A_64 = vector.shape_cast %broadcast_in_dim3A_14 : vector<16xf32> to vector<1x16xf32>
      tpu.vector_store %arg7[%swap3A_60, %swap3A_61], %swap3A_64 {strides = array<i32>} : memref<128x128xf32, #tpu.memory_space<vmem>>, vector<1x16xf32>,
      %swap3A_65 = arith.index_cast %scan3A_50 : i32 to index
      %swap3A_66 = arith.constant 48 : index
      %swap3A_67 = tpu.vector_load %arg7[%swap3A_65, %swap3A_66] {strides = array<i32>} : memref<128x128xf32, #tpu.memory_space<vmem>>, vector<1x16xf32>,
      %swap3A_68 = vector.shape_cast %swap3A_67 : vector<1x16xf32> to vector<16xf32>
      %swap3A_69 = vector.shape_cast %broadcast_in_dim3A_14 : vector<16xf32> to vector<1x16xf32>
      tpu.vector_store %arg7[%swap3A_65, %swap3A_66], %swap3A_69 {strides = array<i32>} : memref<128x128xf32, #tpu.memory_space<vmem>>, vector<1x16xf32>,
      %swap3A_70 = arith.index_cast %scan3A_50 : i32 to index
      %swap3A_71 = arith.constant 64 : index
      %swap3A_72 = tpu.vector_load %arg7[%swap3A_70, %swap3A_71] {strides = array<i32>} : memref<128x128xf32, #tpu.memory_space<vmem>>, vector<1x16xf32>,
      %swap3A_73 = vector.shape_cast %swap3A_72 : vector<1x16xf32> to vector<16xf32>
      %swap3A_74 = vector.shape_cast %broadcast_in_dim3A_14 : vector<16xf32> to vector<1x16xf32>
      tpu.vector_store %arg7[%swap3A_70, %swap3A_71], %swap3A_74 {strides = array<i32>} : memref<128x128xf32, #tpu.memory_space<vmem>>, vector<1x16xf32>,
      %swap3A_75 = arith.index_cast %scan3A_50 : i32 to index
      %swap3A_76 = arith.constant 80 : index
      %swap3A_77 = tpu.vector_load %arg7[%swap3A_75, %swap3A_76] {strides = array<i32>} : memref<128x128xf32, #tpu.memory_space<vmem>>, vector<1x16xf32>,
      %swap3A_78 = vector.shape_cast %swap3A_77 : vector<1x16xf32> to vector<16xf32>
      %swap3A_79 = vector.shape_cast %broadcast_in_dim3A_14 : vector<16xf32> to vector<1x16xf32>
      tpu.vector_store %arg7[%swap3A_75, %swap3A_76], %swap3A_79 {strides = array<i32>} : memref<128x128xf32, #tpu.memory_space<vmem>>, vector<1x16xf32>,
      %swap3A_80 = arith.index_cast %scan3A_50 : i32 to index
      %swap3A_81 = arith.constant 96 : index
      %swap3A_82 = tpu.vector_load %arg7[%swap3A_80, %swap3A_81] {strides = array<i32>} : memref<128x128xf32, #tpu.memory_space<vmem>>, vector<1x16xf32>,
      %swap3A_83 = vector.shape_cast %swap3A_82 : vector<1x16xf32> to vector<16xf32>
      %swap3A_84 = vector.shape_cast %broadcast_in_dim3A_14 : vector<16xf32> to vector<1x16xf32>
      tpu.vector_store %arg7[%swap3A_80, %swap3A_81], %swap3A_84 {strides = array<i32>} : memref<128x128xf32, #tpu.memory_space<vmem>>, vector<1x16xf32>,
      %swap3A_85 = arith.index_cast %scan3A_50 : i32 to index
      %swap3A_86 = arith.constant 112 : index
      %swap3A_87 = tpu.vector_load %arg7[%swap3A_85, %swap3A_86] {strides = array<i32>} : memref<128x128xf32, #tpu.memory_space<vmem>>, vector<1x16xf32>,
      %swap3A_88 = vector.shape_cast %swap3A_87 : vector<1x16xf32> to vector<16xf32>
      %swap3A_89 = vector.shape_cast %broadcast_in_dim3A_14 : vector<16xf32> to vector<1x16xf32>
      tpu.vector_store %arg7[%swap3A_85, %swap3A_86], %swap3A_89 {strides = array<i32>} : memref<128x128xf32, #tpu.memory_space<vmem>>, vector<1x16xf32>,
    }
    %scan3A_19 = arith.constant 128 : i32
    %mul3A_20 = arith.constant 328 : i32
    %mul3A_21 = arith.muli %arg1, %mul3A_20 : i32
    %add3A_22 = arith.constant 0 : i32
    %add3A_23 = arith.addi %mul3A_21, %add3A_22 : i32
    "tpu.region"() ({
      %run_scoped3A = tpu.sem_alloc : memref<!tpu.dma_semaphore, #tpu.memory_space<semaphore_mem>>
      %dma_start3A_50 = arith.constant 0 : i32
      %dma_start3A_51 = tpu.memref_slice %arg9[%add3A_23, %dma_start3A_50] : memref<5248x128xf32, #tpu.memory_space<vmem_shared>> -> memref<128x128xf32, #tpu.memory_space<vmem_shared>>
      %dma_start3A_52 = arith.constant 0 : i32
      %dma_start3A_53 = tpu.memref_slice %arg9[%add3A_23, %dma_start3A_52] : memref<5248x128xf32, #tpu.memory_space<vmem_shared>> -> memref<128x128xf32, #tpu.memory_space<vmem_shared>>
      tpu.enqueue_dma source(%arg7 : memref<128x128xf32, #tpu.memory_space<vmem>>) target(%dma_start3A_53 : memref<128x128xf32, #tpu.memory_space<vmem_shared>>) target_semaphore(%run_scoped3A : memref<!tpu.dma_semaphore, #tpu.memory_space<semaphore_mem>>)
      %dma_wait3A = arith.constant 0 : i32
      %dma_wait3A_54 = tpu.memref_slice %arg9[%add3A_23, %dma_wait3A] : memref<5248x128xf32, #tpu.memory_space<vmem_shared>> -> memref<128x128xf32, #tpu.memory_space<vmem_shared>>
      %dma_wait3A_55 = arith.constant 0 : i32
      %dma_wait3A_56 = tpu.memref_slice %arg9[%add3A_23, %dma_wait3A_55] : memref<5248x128xf32, #tpu.memory_space<vmem_shared>> -> memref<128x128xf32, #tpu.memory_space<vmem_shared>>
      tpu.wait_dma2 semaphore(%run_scoped3A : memref<!tpu.dma_semaphore, #tpu.memory_space<semaphore_mem>>) src(%arg7 : memref<128x128xf32, #tpu.memory_space<vmem>>) dst(%dma_wait3A_56 : memref<128x128xf32, #tpu.memory_space<vmem_shared>>)
      tpu.yield
    }) : () -> ()
    %mul3A_24 = arith.constant 328 : i32
    %mul3A_25 = arith.muli %arg1, %mul3A_24 : i32
    %add3A_26 = arith.constant 128 : i32
    %add3A_27 = arith.addi %mul3A_25, %add3A_26 : i32
    "tpu.region"() ({
      %run_scoped3A = tpu.sem_alloc : memref<!tpu.dma_semaphore, #tpu.memory_space<semaphore_mem>>
      %dma_start3A_50 = arith.constant 0 : i32
      %dma_start3A_51 = tpu.memref_slice %arg9[%add3A_27, %dma_start3A_50] : memref<5248x128xf32, #tpu.memory_space<vmem_shared>> -> memref<128x128xf32, #tpu.memory_space<vmem_shared>>
      %dma_start3A_52 = arith.constant 0 : i32
      %dma_start3A_53 = tpu.memref_slice %arg9[%add3A_27, %dma_start3A_52] : memref<5248x128xf32, #tpu.memory_space<vmem_shared>> -> memref<128x128xf32, #tpu.memory_space<vmem_shared>>
      tpu.enqueue_dma source(%arg7 : memref<128x128xf32, #tpu.memory_space<vmem>>) target(%dma_start3A_53 : memref<128x128xf32, #tpu.memory_space<vmem_shared>>) target_semaphore(%run_scoped3A : memref<!tpu.dma_semaphore, #tpu.memory_space<semaphore_mem>>)
      %dma_wait3A = arith.constant 0 : i32
      %dma_wait3A_54 = tpu.memref_slice %arg9[%add3A_27, %dma_wait3A] : memref<5248x128xf32, #tpu.memory_space<vmem_shared>> -> memref<128x128xf32, #tpu.memory_space<vmem_shared>>
      %dma_wait3A_55 = arith.constant 0 : i32
      %dma_wait3A_56 = tpu.memref_slice %arg9[%add3A_27, %dma_wait3A_55] : memref<5248x128xf32, #tpu.memory_space<vmem_shared>> -> memref<128x128xf32, #tpu.memory_space<vmem_shared>>
      tpu.wait_dma2 semaphore(%run_scoped3A : memref<!tpu.dma_semaphore, #tpu.memory_space<semaphore_mem>>) src(%arg7 : memref<128x128xf32, #tpu.memory_space<vmem>>) dst(%dma_wait3A_56 : memref<128x128xf32, #tpu.memory_space<vmem_shared>>)
      tpu.yield
    }) : () -> ()
    %mul3A_28 = arith.constant 328 : i32
    %mul3A_29 = arith.muli %arg1, %mul3A_28 : i32
    %add3A_30 = arith.constant 256 : i32
    %add3A_31 = arith.addi %mul3A_29, %add3A_30 : i32
    "tpu.region"() ({
      %run_scoped3A = tpu.sem_alloc : memref<!tpu.dma_semaphore, #tpu.memory_space<semaphore_mem>>
      %dma_start3A_50 = arith.constant 0 : i32
      %dma_start3A_51 = arith.constant 0 : i32
      %dma_start3A_52 = tpu.memref_slice %arg7[%dma_start3A_50, %dma_start3A_51] : memref<128x128xf32, #tpu.memory_space<vmem>> -> memref<72x128xf32, #tpu.memory_space<vmem>>
      %dma_start3A_53 = arith.constant 0 : i32
      %dma_start3A_54 = tpu.memref_slice %arg9[%add3A_31, %dma_start3A_53] : memref<5248x128xf32, #tpu.memory_space<vmem_shared>> -> memref<72x128xf32, #tpu.memory_space<vmem_shared>>
      %dma_start3A_55 = arith.constant 0 : i32
      %dma_start3A_56 = tpu.memref_slice %arg9[%add3A_31, %dma_start3A_55] : memref<5248x128xf32, #tpu.memory_space<vmem_shared>> -> memref<72x128xf32, #tpu.memory_space<vmem_shared>>
      %dma_start3A_57 = arith.constant 0 : i32
      %dma_start3A_58 = arith.constant 0 : i32
      %dma_start3A_59 = tpu.memref_slice %arg7[%dma_start3A_57, %dma_start3A_58] : memref<128x128xf32, #tpu.memory_space<vmem>> -> memref<72x128xf32, #tpu.memory_space<vmem>>
      tpu.enqueue_dma source(%dma_start3A_59 : memref<72x128xf32, #tpu.memory_space<vmem>>) target(%dma_start3A_56 : memref<72x128xf32, #tpu.memory_space<vmem_shared>>) target_semaphore(%run_scoped3A : memref<!tpu.dma_semaphore, #tpu.memory_space<semaphore_mem>>)
      %dma_wait3A = arith.constant 0 : i32
      %dma_wait3A_60 = arith.constant 0 : i32
      %dma_wait3A_61 = tpu.memref_slice %arg7[%dma_wait3A, %dma_wait3A_60] : memref<128x128xf32, #tpu.memory_space<vmem>> -> memref<72x128xf32, #tpu.memory_space<vmem>>
      %dma_wait3A_62 = arith.constant 0 : i32
      %dma_wait3A_63 = tpu.memref_slice %arg9[%add3A_31, %dma_wait3A_62] : memref<5248x128xf32, #tpu.memory_space<vmem_shared>> -> memref<72x128xf32, #tpu.memory_space<vmem_shared>>
      %dma_wait3A_64 = arith.constant 0 : i32
      %dma_wait3A_65 = tpu.memref_slice %arg9[%add3A_31, %dma_wait3A_64] : memref<5248x128xf32, #tpu.memory_space<vmem_shared>> -> memref<72x128xf32, #tpu.memory_space<vmem_shared>>
      %dma_wait3A_66 = arith.constant 0 : i32
      %dma_wait3A_67 = arith.constant 0 : i32
      %dma_wait3A_68 = tpu.memref_slice %arg7[%dma_wait3A_66, %dma_wait3A_67] : memref<128x128xf32, #tpu.memory_space<vmem>> -> memref<72x128xf32, #tpu.memory_space<vmem>>
      tpu.wait_dma2 semaphore(%run_scoped3A : memref<!tpu.dma_semaphore, #tpu.memory_space<semaphore_mem>>) src(%dma_wait3A_68 : memref<72x128xf32, #tpu.memory_space<vmem>>) dst(%dma_wait3A_65 : memref<72x128xf32, #tpu.memory_space<vmem_shared>>)
      tpu.yield
    }) : () -> ()
    %barrier3A = arith.constant 0 : index
    tpu.barrier barrier_id(%barrier3A)
    %dma_start3A = arith.constant 0 : i32
    %dma_start3A_32 = tpu.memref_slice %arg5[%dma_start3A] : memref<40192xi32, #tpu.memory_space<vmem>> -> memref<128xi32, #tpu.memory_space<vmem>>
    %dma_start3A_33 = arith.constant 0 : i32
    %dma_start3A_34 = arith.constant 0 : i32
    %dma_start3A_35 = tpu.memref_slice %arg3[%dma_start3A_33, %dma_start3A_34] : memref<10240x128xf32, #tpu.memory_space<hbm>> -> memref<10240x128xf32, #tpu.memory_space<hbm>>
    tpu.enqueue_indirect_dma source(%dma_start3A_35 : memref<10240x128xf32, #tpu.memory_space<hbm>>) target(%arg7 : memref<128x128xf32, #tpu.memory_space<vmem>>) offsets(%dma_start3A_32 : memref<128xi32, #tpu.memory_space<vmem>>) semaphore(%arg10 : memref<!tpu.dma_semaphore, #tpu.memory_space<semaphore_mem>>)
    %scan3A_36 = arith.constant 0 : i32
    %scan3A_37 = arith.constant 0 : i32
    %scan3A_38 = arith.constant 157 : i32
    %scan3A_39 = arith.addi %scan3A_37, %scan3A_38 : i32
    %scan3A_40 = arith.constant 1 : i32
    scf.for %scan3A_50 = %scan3A_37 to %scan3A_39 step %scan3A_40  : i32 {
      %mul3A_51 = arith.constant 128 : i32
      %mul3A_52 = arith.muli %scan3A_50, %mul3A_51 : i32
      %add3A_53 = arith.constant 20096 : i32
      %add3A_54 = arith.addi %add3A_53, %mul3A_52 : i32
      %dma_start3A_55 = tpu.memref_slice %arg5[%add3A_54] : memref<40192xi32, #tpu.memory_space<vmem>> -> memref<128xi32, #tpu.memory_space<vmem>>
      %dma_start3A_56 = arith.constant 0 : i32
      %dma_start3A_57 = arith.constant 0 : i32
      %dma_start3A_58 = tpu.memref_slice %arg3[%dma_start3A_56, %dma_start3A_57] : memref<10240x128xf32, #tpu.memory_space<hbm>> -> memref<10240x128xf32, #tpu.memory_space<hbm>>
      tpu.enqueue_indirect_dma source(%dma_start3A_58 : memref<10240x128xf32, #tpu.memory_space<hbm>>) target(%arg8 : memref<128x128xf32, #tpu.memory_space<vmem>>) offsets(%dma_start3A_55 : memref<128xi32, #tpu.memory_space<vmem>>) semaphore(%arg11 : memref<!tpu.dma_semaphore, #tpu.memory_space<semaphore_mem>>)
      %mul3A_59 = arith.constant 128 : i32
      %mul3A_60 = arith.muli %scan3A_50, %mul3A_59 : i32
      %add3A_61 = arith.constant 20096 : i32
      %add3A_62 = arith.addi %add3A_61, %mul3A_60 : i32
      %add3A_63 = arith.constant 0 : i32
      %add3A_64 = arith.addi %add3A_62, %add3A_63 : i32
      %get3A = arith.index_cast %add3A_64 : i32 to index
      %get3A_65 = tpu.vector_load %arg5[%get3A] {strides = array<i32>} : memref<40192xi32, #tpu.memory_space<vmem>>, vector<16xi32>,
      %sub3A = arith.subi %get3A_65, %mul3A_6 : vector<16xi32>
      %ge3A = arith.cmpi sge, %sub3A, %broadcast_in_dim3A_12 : vector<16xi32>
      %lt3A = arith.cmpi slt, %sub3A, %broadcast_in_dim3A_8 : vector<16xi32>
      %and3A = arith.andi %ge3A, %lt3A : vector<16xi1>
      %and3A_66 = arith.andi %get3A_65, %broadcast_in_dim3A_10 : vector<16xi32>
      %add3A_67 = arith.addi %broadcast_in_dim3A_8, %and3A_66 : vector<16xi32>
      %select_n3A = arith.select %and3A, %sub3A, %add3A_67 : vector<16xi1>, vector<16xi32>
      %swap3A = arith.constant 0 : i32
      %swap3A_68 = arith.index_cast %swap3A : i32 to index
      %swap3A_69 = arith.constant 0 : index
      %swap3A_70 = tpu.vector_load %arg6[%swap3A_68, %swap3A_69] {strides = array<i32>} : memref<2x128xi32, #tpu.memory_space<vmem>>, vector<1x16xi32>,
      %swap3A_71 = vector.shape_cast %swap3A_70 : vector<1x16xi32> to vector<16xi32>
      %swap3A_72 = vector.shape_cast %select_n3A : vector<16xi32> to vector<1x16xi32>
      tpu.vector_store %arg6[%swap3A_68, %swap3A_69], %swap3A_72 {strides = array<i32>} : memref<2x128xi32, #tpu.memory_space<vmem>>, vector<1x16xi32>,
      %add3A_73 = arith.constant 16 : i32
      %add3A_74 = arith.addi %add3A_62, %add3A_73 : i32
      %get3A_75 = arith.index_cast %add3A_74 : i32 to index
      %get3A_76 = tpu.vector_load %arg5[%get3A_75] {strides = array<i32>} : memref<40192xi32, #tpu.memory_space<vmem>>, vector<16xi32>,
      %sub3A_77 = arith.subi %get3A_76, %mul3A_6 : vector<16xi32>
      %ge3A_78 = arith.cmpi sge, %sub3A_77, %broadcast_in_dim3A_12 : vector<16xi32>
      %lt3A_79 = arith.cmpi slt, %sub3A_77, %broadcast_in_dim3A_8 : vector<16xi32>
      %and3A_80 = arith.andi %ge3A_78, %lt3A_79 : vector<16xi1>
      %and3A_81 = arith.andi %get3A_76, %broadcast_in_dim3A_10 : vector<16xi32>
      %add3A_82 = arith.addi %broadcast_in_dim3A_8, %and3A_81 : vector<16xi32>
      %select_n3A_83 = arith.select %and3A_80, %sub3A_77, %add3A_82 : vector<16xi1>, vector<16xi32>
      %swap3A_84 = arith.constant 0 : i32
      %swap3A_85 = arith.index_cast %swap3A_84 : i32 to index
      %swap3A_86 = arith.constant 16 : index
      %swap3A_87 = tpu.vector_load %arg6[%swap3A_85, %swap3A_86] {strides = array<i32>} : memref<2x128xi32, #tpu.memory_space<vmem>>, vector<1x16xi32>,
      %swap3A_88 = vector.shape_cast %swap3A_87 : vector<1x16xi32> to vector<16xi32>
      %swap3A_89 = vector.shape_cast %select_n3A_83 : vector<16xi32> to vector<1x16xi32>
      tpu.vector_store %arg6[%swap3A_85, %swap3A_86], %swap3A_89 {strides = array<i32>} : memref<2x128xi32, #tpu.memory_space<vmem>>, vector<1x16xi32>,
      %add3A_90 = arith.constant 32 : i32
      %add3A_91 = arith.addi %add3A_62, %add3A_90 : i32
      %get3A_92 = arith.index_cast %add3A_91 : i32 to index
      %get3A_93 = tpu.vector_load %arg5[%get3A_92] {strides = array<i32>} : memref<40192xi32, #tpu.memory_space<vmem>>, vector<16xi32>,
      %sub3A_94 = arith.subi %get3A_93, %mul3A_6 : vector<16xi32>
      %ge3A_95 = arith.cmpi sge, %sub3A_94, %broadcast_in_dim3A_12 : vector<16xi32>
      %lt3A_96 = arith.cmpi slt, %sub3A_94, %broadcast_in_dim3A_8 : vector<16xi32>
      %and3A_97 = arith.andi %ge3A_95, %lt3A_96 : vector<16xi1>
      %and3A_98 = arith.andi %get3A_93, %broadcast_in_dim3A_10 : vector<16xi32>
      %add3A_99 = arith.addi %broadcast_in_dim3A_8, %and3A_98 : vector<16xi32>
      %select_n3A_100 = arith.select %and3A_97, %sub3A_94, %add3A_99 : vector<16xi1>, vector<16xi32>
      %swap3A_101 = arith.constant 0 : i32
      %swap3A_102 = arith.index_cast %swap3A_101 : i32 to index
      %swap3A_103 = arith.constant 32 : index
      %swap3A_104 = tpu.vector_load %arg6[%swap3A_102, %swap3A_103] {strides = array<i32>} : memref<2x128xi32, #tpu.memory_space<vmem>>, vector<1x16xi32>,
      %swap3A_105 = vector.shape_cast %swap3A_104 : vector<1x16xi32> to vector<16xi32>
      %swap3A_106 = vector.shape_cast %select_n3A_100 : vector<16xi32> to vector<1x16xi32>
      tpu.vector_store %arg6[%swap3A_102, %swap3A_103], %swap3A_106 {strides = array<i32>} : memref<2x128xi32, #tpu.memory_space<vmem>>, vector<1x16xi32>,
      %add3A_107 = arith.constant 48 : i32
      %add3A_108 = arith.addi %add3A_62, %add3A_107 : i32
      %get3A_109 = arith.index_cast %add3A_108 : i32 to index
      %get3A_110 = tpu.vector_load %arg5[%get3A_109] {strides = array<i32>} : memref<40192xi32, #tpu.memory_space<vmem>>, vector<16xi32>,
      %sub3A_111 = arith.subi %get3A_110, %mul3A_6 : vector<16xi32>
      %ge3A_112 = arith.cmpi sge, %sub3A_111, %broadcast_in_dim3A_12 : vector<16xi32>
      %lt3A_113 = arith.cmpi slt, %sub3A_111, %broadcast_in_dim3A_8 : vector<16xi32>
      %and3A_114 = arith.andi %ge3A_112, %lt3A_113 : vector<16xi1>
      %and3A_115 = arith.andi %get3A_110, %broadcast_in_dim3A_10 : vector<16xi32>
      %add3A_116 = arith.addi %broadcast_in_dim3A_8, %and3A_115 : vector<16xi32>
      %select_n3A_117 = arith.select %and3A_114, %sub3A_111, %add3A_116 : vector<16xi1>, vector<16xi32>
      %swap3A_118 = arith.constant 0 : i32
      %swap3A_119 = arith.index_cast %swap3A_118 : i32 to index
      %swap3A_120 = arith.constant 48 : index
      %swap3A_121 = tpu.vector_load %arg6[%swap3A_119, %swap3A_120] {strides = array<i32>} : memref<2x128xi32, #tpu.memory_space<vmem>>, vector<1x16xi32>,
      %swap3A_122 = vector.shape_cast %swap3A_121 : vector<1x16xi32> to vector<16xi32>
      %swap3A_123 = vector.shape_cast %select_n3A_117 : vector<16xi32> to vector<1x16xi32>
      tpu.vector_store %arg6[%swap3A_119, %swap3A_120], %swap3A_123 {strides = array<i32>} : memref<2x128xi32, #tpu.memory_space<vmem>>, vector<1x16xi32>,
      %add3A_124 = arith.constant 64 : i32
      %add3A_125 = arith.addi %add3A_62, %add3A_124 : i32
      %get3A_126 = arith.index_cast %add3A_125 : i32 to index
      %get3A_127 = tpu.vector_load %arg5[%get3A_126] {strides = array<i32>} : memref<40192xi32, #tpu.memory_space<vmem>>, vector<16xi32>,
      %sub3A_128 = arith.subi %get3A_127, %mul3A_6 : vector<16xi32>
      %ge3A_129 = arith.cmpi sge, %sub3A_128, %broadcast_in_dim3A_12 : vector<16xi32>
      %lt3A_130 = arith.cmpi slt, %sub3A_128, %broadcast_in_dim3A_8 : vector<16xi32>
      %and3A_131 = arith.andi %ge3A_129, %lt3A_130 : vector<16xi1>
      %and3A_132 = arith.andi %get3A_127, %broadcast_in_dim3A_10 : vector<16xi32>
      %add3A_133 = arith.addi %broadcast_in_dim3A_8, %and3A_132 : vector<16xi32>
      %select_n3A_134 = arith.select %and3A_131, %sub3A_128, %add3A_133 : vector<16xi1>, vector<16xi32>
      %swap3A_135 = arith.constant 0 : i32
      %swap3A_136 = arith.index_cast %swap3A_135 : i32 to index
      %swap3A_137 = arith.constant 64 : index
      %swap3A_138 = tpu.vector_load %arg6[%swap3A_136, %swap3A_137] {strides = array<i32>} : memref<2x128xi32, #tpu.memory_space<vmem>>, vector<1x16xi32>,
      %swap3A_139 = vector.shape_cast %swap3A_138 : vector<1x16xi32> to vector<16xi32>
      %swap3A_140 = vector.shape_cast %select_n3A_134 : vector<16xi32> to vector<1x16xi32>
      tpu.vector_store %arg6[%swap3A_136, %swap3A_137], %swap3A_140 {strides = array<i32>} : memref<2x128xi32, #tpu.memory_space<vmem>>, vector<1x16xi32>,
      %add3A_141 = arith.constant 80 : i32
      %add3A_142 = arith.addi %add3A_62, %add3A_141 : i32
      %get3A_143 = arith.index_cast %add3A_142 : i32 to index
      %get3A_144 = tpu.vector_load %arg5[%get3A_143] {strides = array<i32>} : memref<40192xi32, #tpu.memory_space<vmem>>, vector<16xi32>,
      %sub3A_145 = arith.subi %get3A_144, %mul3A_6 : vector<16xi32>
      %ge3A_146 = arith.cmpi sge, %sub3A_145, %broadcast_in_dim3A_12 : vector<16xi32>
      %lt3A_147 = arith.cmpi slt, %sub3A_145, %broadcast_in_dim3A_8 : vector<16xi32>
      %and3A_148 = arith.andi %ge3A_146, %lt3A_147 : vector<16xi1>
      %and3A_149 = arith.andi %get3A_144, %broadcast_in_dim3A_10 : vector<16xi32>
      %add3A_150 = arith.addi %broadcast_in_dim3A_8, %and3A_149 : vector<16xi32>
      %select_n3A_151 = arith.select %and3A_148, %sub3A_145, %add3A_150 : vector<16xi1>, vector<16xi32>
      %swap3A_152 = arith.constant 0 : i32
      %swap3A_153 = arith.index_cast %swap3A_152 : i32 to index
      %swap3A_154 = arith.constant 80 : index
      %swap3A_155 = tpu.vector_load %arg6[%swap3A_153, %swap3A_154] {strides = array<i32>} : memref<2x128xi32, #tpu.memory_space<vmem>>, vector<1x16xi32>,
      %swap3A_156 = vector.shape_cast %swap3A_155 : vector<1x16xi32> to vector<16xi32>
      %swap3A_157 = vector.shape_cast %select_n3A_151 : vector<16xi32> to vector<1x16xi32>
      tpu.vector_store %arg6[%swap3A_153, %swap3A_154], %swap3A_157 {strides = array<i32>} : memref<2x128xi32, #tpu.memory_space<vmem>>, vector<1x16xi32>,
      %add3A_158 = arith.constant 96 : i32
      %add3A_159 = arith.addi %add3A_62, %add3A_158 : i32
      %get3A_160 = arith.index_cast %add3A_159 : i32 to index
      %get3A_161 = tpu.vector_load %arg5[%get3A_160] {strides = array<i32>} : memref<40192xi32, #tpu.memory_space<vmem>>, vector<16xi32>,
      %sub3A_162 = arith.subi %get3A_161, %mul3A_6 : vector<16xi32>
      %ge3A_163 = arith.cmpi sge, %sub3A_162, %broadcast_in_dim3A_12 : vector<16xi32>
      %lt3A_164 = arith.cmpi slt, %sub3A_162, %broadcast_in_dim3A_8 : vector<16xi32>
      %and3A_165 = arith.andi %ge3A_163, %lt3A_164 : vector<16xi1>
      %and3A_166 = arith.andi %get3A_161, %broadcast_in_dim3A_10 : vector<16xi32>
      %add3A_167 = arith.addi %broadcast_in_dim3A_8, %and3A_166 : vector<16xi32>
      %select_n3A_168 = arith.select %and3A_165, %sub3A_162, %add3A_167 : vector<16xi1>, vector<16xi32>
      %swap3A_169 = arith.constant 0 : i32
      %swap3A_170 = arith.index_cast %swap3A_169 : i32 to index
      %swap3A_171 = arith.constant 96 : index
      %swap3A_172 = tpu.vector_load %arg6[%swap3A_170, %swap3A_171] {strides = array<i32>} : memref<2x128xi32, #tpu.memory_space<vmem>>, vector<1x16xi32>,
      %swap3A_173 = vector.shape_cast %swap3A_172 : vector<1x16xi32> to vector<16xi32>
      %swap3A_174 = vector.shape_cast %select_n3A_168 : vector<16xi32> to vector<1x16xi32>
      tpu.vector_store %arg6[%swap3A_170, %swap3A_171], %swap3A_174 {strides = array<i32>} : memref<2x128xi32, #tpu.memory_space<vmem>>, vector<1x16xi32>,
      %add3A_175 = arith.constant 112 : i32
      %add3A_176 = arith.addi %add3A_62, %add3A_175 : i32
      %get3A_177 = arith.index_cast %add3A_176 : i32 to index
      %get3A_178 = tpu.vector_load %arg5[%get3A_177] {strides = array<i32>} : memref<40192xi32, #tpu.memory_space<vmem>>, vector<16xi32>,
      %sub3A_179 = arith.subi %get3A_178, %mul3A_6 : vector<16xi32>
      %ge3A_180 = arith.cmpi sge, %sub3A_179, %broadcast_in_dim3A_12 : vector<16xi32>
      %lt3A_181 = arith.cmpi slt, %sub3A_179, %broadcast_in_dim3A_8 : vector<16xi32>
      %and3A_182 = arith.andi %ge3A_180, %lt3A_181 : vector<16xi1>
      %and3A_183 = arith.andi %get3A_178, %broadcast_in_dim3A_10 : vector<16xi32>
      %add3A_184 = arith.addi %broadcast_in_dim3A_8, %and3A_183 : vector<16xi32>
      %select_n3A_185 = arith.select %and3A_182, %sub3A_179, %add3A_184 : vector<16xi1>, vector<16xi32>
      %swap3A_186 = arith.constant 0 : i32
      %swap3A_187 = arith.index_cast %swap3A_186 : i32 to index
      %swap3A_188 = arith.constant 112 : index
      %swap3A_189 = tpu.vector_load %arg6[%swap3A_187, %swap3A_188] {strides = array<i32>} : memref<2x128xi32, #tpu.memory_space<vmem>>, vector<1x16xi32>,
      %swap3A_190 = vector.shape_cast %swap3A_189 : vector<1x16xi32> to vector<16xi32>
      %swap3A_191 = vector.shape_cast %select_n3A_185 : vector<16xi32> to vector<1x16xi32>
      tpu.vector_store %arg6[%swap3A_187, %swap3A_188], %swap3A_191 {strides = array<i32>} : memref<2x128xi32, #tpu.memory_space<vmem>>, vector<1x16xi32>,
      %dma_wait3A = arith.constant 0 : i32
      %dma_wait3A_192 = tpu.memref_slice %arg5[%dma_wait3A] : memref<40192xi32, #tpu.memory_space<vmem>> -> memref<128xi32, #tpu.memory_space<vmem>>
      %dma_wait3A_193 = arith.constant 0 : i32
      %dma_wait3A_194 = arith.constant 0 : i32
      %dma_wait3A_195 = tpu.memref_slice %arg3[%dma_wait3A_193, %dma_wait3A_194] : memref<10240x128xf32, #tpu.memory_space<hbm>> -> memref<10240x128xf32, #tpu.memory_space<hbm>>
      tpu.wait_indirect_dma semaphore(%arg10 : memref<!tpu.dma_semaphore, #tpu.memory_space<semaphore_mem>>) src(%dma_wait3A_195 : memref<10240x128xf32, #tpu.memory_space<hbm>>) dst(%arg7 : memref<128x128xf32, #tpu.memory_space<vmem>>)
      %run_scoped3A = arith.constant 0 : i32
      "tpu.region"() ({
        %run_scoped3A_343 = tpu.sem_alloc : memref<!tpu.dma_semaphore, #tpu.memory_space<semaphore_mem>>
        %dma_start3A_344 = arith.constant 0 : i32
        %dma_start3A_345 = tpu.memref_slice %arg6[%run_scoped3A, %dma_start3A_344] : memref<2x128xi32, #tpu.memory_space<vmem>> -> memref<1x128xi32, #tpu.memory_space<vmem>>
        %dma_start3A_346 = tpu.memref_squeeze %dma_start3A_345 : memref<1x128xi32, #tpu.memory_space<vmem>> -> memref<128xi32, #tpu.memory_space<vmem>>
        %dma_start3A_347 = arith.constant 0 : i32
        %dma_start3A_348 = arith.constant 0 : i32
        %dma_start3A_349 = tpu.memref_slice %arg9[%dma_start3A_347, %dma_start3A_348] : memref<5248x128xf32, #tpu.memory_space<vmem_shared>> -> memref<5248x128xf32, #tpu.memory_space<vmem_shared>>
        tpu.enqueue_indirect_dma source(%arg7 : memref<128x128xf32, #tpu.memory_space<vmem>>) target(%dma_start3A_349 : memref<5248x128xf32, #tpu.memory_space<vmem_shared>>) offsets(%dma_start3A_346 : memref<128xi32, #tpu.memory_space<vmem>>) semaphore(%run_scoped3A_343 : memref<!tpu.dma_semaphore, #tpu.memory_space<semaphore_mem>>) {add = true}
        %dma_wait3A_350 = arith.constant 0 : i32
        %dma_wait3A_351 = tpu.memref_slice %arg6[%run_scoped3A, %dma_wait3A_350] : memref<2x128xi32, #tpu.memory_space<vmem>> -> memref<1x128xi32, #tpu.memory_space<vmem>>
        %dma_wait3A_352 = tpu.memref_squeeze %dma_wait3A_351 : memref<1x128xi32, #tpu.memory_space<vmem>> -> memref<128xi32, #tpu.memory_space<vmem>>
        %dma_wait3A_353 = arith.constant 0 : i32
        %dma_wait3A_354 = arith.constant 0 : i32
        %dma_wait3A_355 = tpu.memref_slice %arg9[%dma_wait3A_353, %dma_wait3A_354] : memref<5248x128xf32, #tpu.memory_space<vmem_shared>> -> memref<5248x128xf32, #tpu.memory_space<vmem_shared>>
        tpu.wait_indirect_dma semaphore(%run_scoped3A_343 : memref<!tpu.dma_semaphore, #tpu.memory_space<semaphore_mem>>) src(%arg7 : memref<128x128xf32, #tpu.memory_space<vmem>>) dst(%dma_wait3A_355 : memref<5248x128xf32, #tpu.memory_space<vmem_shared>>)
        tpu.yield
      }) : () -> ()
      %lt3A_196 = arith.constant 156 : i32
      %lt3A_197 = arith.cmpi slt, %scan3A_50, %lt3A_196 : i32
      %convert_element_type3A = arith.extui %lt3A_197 : i1 to i32
      %cond3A = arith.constant 0 : i32
      %cond3A_198 = arith.cmpi ne, %convert_element_type3A, %cond3A : i32
      scf.if %cond3A_198 {
        %add3A_343 = arith.constant 1 : i32
        %add3A_344 = arith.addi %scan3A_50, %add3A_343 : i32
        %mul3A_345 = arith.constant 128 : i32
        %mul3A_346 = arith.muli %add3A_344, %mul3A_345 : i32
        %dma_start3A_347 = tpu.memref_slice %arg5[%mul3A_346] : memref<40192xi32, #tpu.memory_space<vmem>> -> memref<128xi32, #tpu.memory_space<vmem>>
        %dma_start3A_348 = arith.constant 0 : i32
        %dma_start3A_349 = arith.constant 0 : i32
        %dma_start3A_350 = tpu.memref_slice %arg3[%dma_start3A_348, %dma_start3A_349] : memref<10240x128xf32, #tpu.memory_space<hbm>> -> memref<10240x128xf32, #tpu.memory_space<hbm>>
        tpu.enqueue_indirect_dma source(%dma_start3A_350 : memref<10240x128xf32, #tpu.memory_space<hbm>>) target(%arg7 : memref<128x128xf32, #tpu.memory_space<vmem>>) offsets(%dma_start3A_347 : memref<128xi32, #tpu.memory_space<vmem>>) semaphore(%arg10 : memref<!tpu.dma_semaphore, #tpu.memory_space<semaphore_mem>>)
      } else {
      }
      %mul3A_199 = arith.constant 128 : i32
      %mul3A_200 = arith.muli %scan3A_50, %mul3A_199 : i32
      %add3A_201 = arith.constant 0 : i32
      %add3A_202 = arith.addi %mul3A_200, %add3A_201 : i32
      %get3A_203 = arith.index_cast %add3A_202 : i32 to index
      %get3A_204 = tpu.vector_load %arg5[%get3A_203] {strides = array<i32>} : memref<40192xi32, #tpu.memory_space<vmem>>, vector<16xi32>,
      %sub3A_205 = arith.subi %get3A_204, %mul3A_6 : vector<16xi32>
      %ge3A_206 = arith.cmpi sge, %sub3A_205, %broadcast_in_dim3A_12 : vector<16xi32>
      %lt3A_207 = arith.cmpi slt, %sub3A_205, %broadcast_in_dim3A_8 : vector<16xi32>
      %and3A_208 = arith.andi %ge3A_206, %lt3A_207 : vector<16xi1>
      %and3A_209 = arith.andi %get3A_204, %broadcast_in_dim3A_10 : vector<16xi32>
      %add3A_210 = arith.addi %broadcast_in_dim3A_8, %and3A_209 : vector<16xi32>
      %select_n3A_211 = arith.select %and3A_208, %sub3A_205, %add3A_210 : vector<16xi1>, vector<16xi32>
      %swap3A_212 = arith.constant 1 : i32
      %swap3A_213 = arith.index_cast %swap3A_212 : i32 to index
      %swap3A_214 = arith.constant 0 : index
      %swap3A_215 = tpu.vector_load %arg6[%swap3A_213, %swap3A_214] {strides = array<i32>} : memref<2x128xi32, #tpu.memory_space<vmem>>, vector<1x16xi32>,
      %swap3A_216 = vector.shape_cast %swap3A_215 : vector<1x16xi32> to vector<16xi32>
      %swap3A_217 = vector.shape_cast %select_n3A_211 : vector<16xi32> to vector<1x16xi32>
      tpu.vector_store %arg6[%swap3A_213, %swap3A_214], %swap3A_217 {strides = array<i32>} : memref<2x128xi32, #tpu.memory_space<vmem>>, vector<1x16xi32>,
      %add3A_218 = arith.constant 16 : i32
      %add3A_219 = arith.addi %mul3A_200, %add3A_218 : i32
      %get3A_220 = arith.index_cast %add3A_219 : i32 to index
      %get3A_221 = tpu.vector_load %arg5[%get3A_220] {strides = array<i32>} : memref<40192xi32, #tpu.memory_space<vmem>>, vector<16xi32>,
      %sub3A_222 = arith.subi %get3A_221, %mul3A_6 : vector<16xi32>
      %ge3A_223 = arith.cmpi sge, %sub3A_222, %broadcast_in_dim3A_12 : vector<16xi32>
      %lt3A_224 = arith.cmpi slt, %sub3A_222, %broadcast_in_dim3A_8 : vector<16xi32>
      %and3A_225 = arith.andi %ge3A_223, %lt3A_224 : vector<16xi1>
      %and3A_226 = arith.andi %get3A_221, %broadcast_in_dim3A_10 : vector<16xi32>
      %add3A_227 = arith.addi %broadcast_in_dim3A_8, %and3A_226 : vector<16xi32>
      %select_n3A_228 = arith.select %and3A_225, %sub3A_222, %add3A_227 : vector<16xi1>, vector<16xi32>
      %swap3A_229 = arith.constant 1 : i32
      %swap3A_230 = arith.index_cast %swap3A_229 : i32 to index
      %swap3A_231 = arith.constant 16 : index
      %swap3A_232 = tpu.vector_load %arg6[%swap3A_230, %swap3A_231] {strides = array<i32>} : memref<2x128xi32, #tpu.memory_space<vmem>>, vector<1x16xi32>,
      %swap3A_233 = vector.shape_cast %swap3A_232 : vector<1x16xi32> to vector<16xi32>
      %swap3A_234 = vector.shape_cast %select_n3A_228 : vector<16xi32> to vector<1x16xi32>
      tpu.vector_store %arg6[%swap3A_230, %swap3A_231], %swap3A_234 {strides = array<i32>} : memref<2x128xi32, #tpu.memory_space<vmem>>, vector<1x16xi32>,
      %add3A_235 = arith.constant 32 : i32
      %add3A_236 = arith.addi %mul3A_200, %add3A_235 : i32
      %get3A_237 = arith.index_cast %add3A_236 : i32 to index
      %get3A_238 = tpu.vector_load %arg5[%get3A_237] {strides = array<i32>} : memref<40192xi32, #tpu.memory_space<vmem>>, vector<16xi32>,
      %sub3A_239 = arith.subi %get3A_238, %mul3A_6 : vector<16xi32>
      %ge3A_240 = arith.cmpi sge, %sub3A_239, %broadcast_in_dim3A_12 : vector<16xi32>
      %lt3A_241 = arith.cmpi slt, %sub3A_239, %broadcast_in_dim3A_8 : vector<16xi32>
      %and3A_242 = arith.andi %ge3A_240, %lt3A_241 : vector<16xi1>
      %and3A_243 = arith.andi %get3A_238, %broadcast_in_dim3A_10 : vector<16xi32>
      %add3A_244 = arith.addi %broadcast_in_dim3A_8, %and3A_243 : vector<16xi32>
      %select_n3A_245 = arith.select %and3A_242, %sub3A_239, %add3A_244 : vector<16xi1>, vector<16xi32>
      %swap3A_246 = arith.constant 1 : i32
      %swap3A_247 = arith.index_cast %swap3A_246 : i32 to index
      %swap3A_248 = arith.constant 32 : index
      %swap3A_249 = tpu.vector_load %arg6[%swap3A_247, %swap3A_248] {strides = array<i32>} : memref<2x128xi32, #tpu.memory_space<vmem>>, vector<1x16xi32>,
      %swap3A_250 = vector.shape_cast %swap3A_249 : vector<1x16xi32> to vector<16xi32>
      %swap3A_251 = vector.shape_cast %select_n3A_245 : vector<16xi32> to vector<1x16xi32>
      tpu.vector_store %arg6[%swap3A_247, %swap3A_248], %swap3A_251 {strides = array<i32>} : memref<2x128xi32, #tpu.memory_space<vmem>>, vector<1x16xi32>,
      %add3A_252 = arith.constant 48 : i32
      %add3A_253 = arith.addi %mul3A_200, %add3A_252 : i32
      %get3A_254 = arith.index_cast %add3A_253 : i32 to index
      %get3A_255 = tpu.vector_load %arg5[%get3A_254] {strides = array<i32>} : memref<40192xi32, #tpu.memory_space<vmem>>, vector<16xi32>,
      %sub3A_256 = arith.subi %get3A_255, %mul3A_6 : vector<16xi32>
      %ge3A_257 = arith.cmpi sge, %sub3A_256, %broadcast_in_dim3A_12 : vector<16xi32>
      %lt3A_258 = arith.cmpi slt, %sub3A_256, %broadcast_in_dim3A_8 : vector<16xi32>
      %and3A_259 = arith.andi %ge3A_257, %lt3A_258 : vector<16xi1>
      %and3A_260 = arith.andi %get3A_255, %broadcast_in_dim3A_10 : vector<16xi32>
      %add3A_261 = arith.addi %broadcast_in_dim3A_8, %and3A_260 : vector<16xi32>
      %select_n3A_262 = arith.select %and3A_259, %sub3A_256, %add3A_261 : vector<16xi1>, vector<16xi32>
      %swap3A_263 = arith.constant 1 : i32
      %swap3A_264 = arith.index_cast %swap3A_263 : i32 to index
      %swap3A_265 = arith.constant 48 : index
      %swap3A_266 = tpu.vector_load %arg6[%swap3A_264, %swap3A_265] {strides = array<i32>} : memref<2x128xi32, #tpu.memory_space<vmem>>, vector<1x16xi32>,
      %swap3A_267 = vector.shape_cast %swap3A_266 : vector<1x16xi32> to vector<16xi32>
      %swap3A_268 = vector.shape_cast %select_n3A_262 : vector<16xi32> to vector<1x16xi32>
      tpu.vector_store %arg6[%swap3A_264, %swap3A_265], %swap3A_268 {strides = array<i32>} : memref<2x128xi32, #tpu.memory_space<vmem>>, vector<1x16xi32>,
      %add3A_269 = arith.constant 64 : i32
      %add3A_270 = arith.addi %mul3A_200, %add3A_269 : i32
      %get3A_271 = arith.index_cast %add3A_270 : i32 to index
      %get3A_272 = tpu.vector_load %arg5[%get3A_271] {strides = array<i32>} : memref<40192xi32, #tpu.memory_space<vmem>>, vector<16xi32>,
      %sub3A_273 = arith.subi %get3A_272, %mul3A_6 : vector<16xi32>
      %ge3A_274 = arith.cmpi sge, %sub3A_273, %broadcast_in_dim3A_12 : vector<16xi32>
      %lt3A_275 = arith.cmpi slt, %sub3A_273, %broadcast_in_dim3A_8 : vector<16xi32>
      %and3A_276 = arith.andi %ge3A_274, %lt3A_275 : vector<16xi1>
      %and3A_277 = arith.andi %get3A_272, %broadcast_in_dim3A_10 : vector<16xi32>
      %add3A_278 = arith.addi %broadcast_in_dim3A_8, %and3A_277 : vector<16xi32>
      %select_n3A_279 = arith.select %and3A_276, %sub3A_273, %add3A_278 : vector<16xi1>, vector<16xi32>
      %swap3A_280 = arith.constant 1 : i32
      %swap3A_281 = arith.index_cast %swap3A_280 : i32 to index
      %swap3A_282 = arith.constant 64 : index
      %swap3A_283 = tpu.vector_load %arg6[%swap3A_281, %swap3A_282] {strides = array<i32>} : memref<2x128xi32, #tpu.memory_space<vmem>>, vector<1x16xi32>,
      %swap3A_284 = vector.shape_cast %swap3A_283 : vector<1x16xi32> to vector<16xi32>
      %swap3A_285 = vector.shape_cast %select_n3A_279 : vector<16xi32> to vector<1x16xi32>
      tpu.vector_store %arg6[%swap3A_281, %swap3A_282], %swap3A_285 {strides = array<i32>} : memref<2x128xi32, #tpu.memory_space<vmem>>, vector<1x16xi32>,
      %add3A_286 = arith.constant 80 : i32
      %add3A_287 = arith.addi %mul3A_200, %add3A_286 : i32
      %get3A_288 = arith.index_cast %add3A_287 : i32 to index
      %get3A_289 = tpu.vector_load %arg5[%get3A_288] {strides = array<i32>} : memref<40192xi32, #tpu.memory_space<vmem>>, vector<16xi32>,
      %sub3A_290 = arith.subi %get3A_289, %mul3A_6 : vector<16xi32>
      %ge3A_291 = arith.cmpi sge, %sub3A_290, %broadcast_in_dim3A_12 : vector<16xi32>
      %lt3A_292 = arith.cmpi slt, %sub3A_290, %broadcast_in_dim3A_8 : vector<16xi32>
      %and3A_293 = arith.andi %ge3A_291, %lt3A_292 : vector<16xi1>
      %and3A_294 = arith.andi %get3A_289, %broadcast_in_dim3A_10 : vector<16xi32>
      %add3A_295 = arith.addi %broadcast_in_dim3A_8, %and3A_294 : vector<16xi32>
      %select_n3A_296 = arith.select %and3A_293, %sub3A_290, %add3A_295 : vector<16xi1>, vector<16xi32>
      %swap3A_297 = arith.constant 1 : i32
      %swap3A_298 = arith.index_cast %swap3A_297 : i32 to index
      %swap3A_299 = arith.constant 80 : index
      %swap3A_300 = tpu.vector_load %arg6[%swap3A_298, %swap3A_299] {strides = array<i32>} : memref<2x128xi32, #tpu.memory_space<vmem>>, vector<1x16xi32>,
      %swap3A_301 = vector.shape_cast %swap3A_300 : vector<1x16xi32> to vector<16xi32>
      %swap3A_302 = vector.shape_cast %select_n3A_296 : vector<16xi32> to vector<1x16xi32>
      tpu.vector_store %arg6[%swap3A_298, %swap3A_299], %swap3A_302 {strides = array<i32>} : memref<2x128xi32, #tpu.memory_space<vmem>>, vector<1x16xi32>,
      %add3A_303 = arith.constant 96 : i32
      %add3A_304 = arith.addi %mul3A_200, %add3A_303 : i32
      %get3A_305 = arith.index_cast %add3A_304 : i32 to index
      %get3A_306 = tpu.vector_load %arg5[%get3A_305] {strides = array<i32>} : memref<40192xi32, #tpu.memory_space<vmem>>, vector<16xi32>,
      %sub3A_307 = arith.subi %get3A_306, %mul3A_6 : vector<16xi32>
      %ge3A_308 = arith.cmpi sge, %sub3A_307, %broadcast_in_dim3A_12 : vector<16xi32>
      %lt3A_309 = arith.cmpi slt, %sub3A_307, %broadcast_in_dim3A_8 : vector<16xi32>
      %and3A_310 = arith.andi %ge3A_308, %lt3A_309 : vector<16xi1>
      %and3A_311 = arith.andi %get3A_306, %broadcast_in_dim3A_10 : vector<16xi32>
      %add3A_312 = arith.addi %broadcast_in_dim3A_8, %and3A_311 : vector<16xi32>
      %select_n3A_313 = arith.select %and3A_310, %sub3A_307, %add3A_312 : vector<16xi1>, vector<16xi32>
      %swap3A_314 = arith.constant 1 : i32
      %swap3A_315 = arith.index_cast %swap3A_314 : i32 to index
      %swap3A_316 = arith.constant 96 : index
      %swap3A_317 = tpu.vector_load %arg6[%swap3A_315, %swap3A_316] {strides = array<i32>} : memref<2x128xi32, #tpu.memory_space<vmem>>, vector<1x16xi32>,
      %swap3A_318 = vector.shape_cast %swap3A_317 : vector<1x16xi32> to vector<16xi32>
      %swap3A_319 = vector.shape_cast %select_n3A_313 : vector<16xi32> to vector<1x16xi32>
      tpu.vector_store %arg6[%swap3A_315, %swap3A_316], %swap3A_319 {strides = array<i32>} : memref<2x128xi32, #tpu.memory_space<vmem>>, vector<1x16xi32>,
      %add3A_320 = arith.constant 112 : i32
      %add3A_321 = arith.addi %mul3A_200, %add3A_320 : i32
      %get3A_322 = arith.index_cast %add3A_321 : i32 to index
      %get3A_323 = tpu.vector_load %arg5[%get3A_322] {strides = array<i32>} : memref<40192xi32, #tpu.memory_space<vmem>>, vector<16xi32>,
      %sub3A_324 = arith.subi %get3A_323, %mul3A_6 : vector<16xi32>
      %ge3A_325 = arith.cmpi sge, %sub3A_324, %broadcast_in_dim3A_12 : vector<16xi32>
      %lt3A_326 = arith.cmpi slt, %sub3A_324, %broadcast_in_dim3A_8 : vector<16xi32>
      %and3A_327 = arith.andi %ge3A_325, %lt3A_326 : vector<16xi1>
      %and3A_328 = arith.andi %get3A_323, %broadcast_in_dim3A_10 : vector<16xi32>
      %add3A_329 = arith.addi %broadcast_in_dim3A_8, %and3A_328 : vector<16xi32>
      %select_n3A_330 = arith.select %and3A_327, %sub3A_324, %add3A_329 : vector<16xi1>, vector<16xi32>
      %swap3A_331 = arith.constant 1 : i32
      %swap3A_332 = arith.index_cast %swap3A_331 : i32 to index
      %swap3A_333 = arith.constant 112 : index
      %swap3A_334 = tpu.vector_load %arg6[%swap3A_332, %swap3A_333] {strides = array<i32>} : memref<2x128xi32, #tpu.memory_space<vmem>>, vector<1x16xi32>,
      %swap3A_335 = vector.shape_cast %swap3A_334 : vector<1x16xi32> to vector<16xi32>
      %swap3A_336 = vector.shape_cast %select_n3A_330 : vector<16xi32> to vector<1x16xi32>
      tpu.vector_store %arg6[%swap3A_332, %swap3A_333], %swap3A_336 {strides = array<i32>} : memref<2x128xi32, #tpu.memory_space<vmem>>, vector<1x16xi32>,
      %dma_wait3A_337 = arith.constant 0 : i32
      %dma_wait3A_338 = tpu.memref_slice %arg5[%dma_wait3A_337] : memref<40192xi32, #tpu.memory_space<vmem>> -> memref<128xi32, #tpu.memory_space<vmem>>
      %dma_wait3A_339 = arith.constant 0 : i32
      %dma_wait3A_340 = arith.constant 0 : i32
      %dma_wait3A_341 = tpu.memref_slice %arg3[%dma_wait3A_339, %dma_wait3A_340] : memref<10240x128xf32, #tpu.memory_space<hbm>> -> memref<10240x128xf32, #tpu.memory_space<hbm>>
      tpu.wait_indirect_dma semaphore(%arg11 : memref<!tpu.dma_semaphore, #tpu.memory_space<semaphore_mem>>) src(%dma_wait3A_341 : memref<10240x128xf32, #tpu.memory_space<hbm>>) dst(%arg8 : memref<128x128xf32, #tpu.memory_space<vmem>>)
      %run_scoped3A_342 = arith.constant 1 : i32
      "tpu.region"() ({
        %run_scoped3A_343 = tpu.sem_alloc : memref<!tpu.dma_semaphore, #tpu.memory_space<semaphore_mem>>
        %dma_start3A_344 = arith.constant 0 : i32
        %dma_start3A_345 = tpu.memref_slice %arg6[%run_scoped3A_342, %dma_start3A_344] : memref<2x128xi32, #tpu.memory_space<vmem>> -> memref<1x128xi32, #tpu.memory_space<vmem>>
        %dma_start3A_346 = tpu.memref_squeeze %dma_start3A_345 : memref<1x128xi32, #tpu.memory_space<vmem>> -> memref<128xi32, #tpu.memory_space<vmem>>
        %dma_start3A_347 = arith.constant 0 : i32
        %dma_start3A_348 = arith.constant 0 : i32
        %dma_start3A_349 = tpu.memref_slice %arg9[%dma_start3A_347, %dma_start3A_348] : memref<5248x128xf32, #tpu.memory_space<vmem_shared>> -> memref<5248x128xf32, #tpu.memory_space<vmem_shared>>
        tpu.enqueue_indirect_dma source(%arg8 : memref<128x128xf32, #tpu.memory_space<vmem>>) target(%dma_start3A_349 : memref<5248x128xf32, #tpu.memory_space<vmem_shared>>) offsets(%dma_start3A_346 : memref<128xi32, #tpu.memory_space<vmem>>) semaphore(%run_scoped3A_343 : memref<!tpu.dma_semaphore, #tpu.memory_space<semaphore_mem>>) {add = true}
        %dma_wait3A_350 = arith.constant 0 : i32
        %dma_wait3A_351 = tpu.memref_slice %arg6[%run_scoped3A_342, %dma_wait3A_350] : memref<2x128xi32, #tpu.memory_space<vmem>> -> memref<1x128xi32, #tpu.memory_space<vmem>>
        %dma_wait3A_352 = tpu.memref_squeeze %dma_wait3A_351 : memref<1x128xi32, #tpu.memory_space<vmem>> -> memref<128xi32, #tpu.memory_space<vmem>>
        %dma_wait3A_353 = arith.constant 0 : i32
        %dma_wait3A_354 = arith.constant 0 : i32
        %dma_wait3A_355 = tpu.memref_slice %arg9[%dma_wait3A_353, %dma_wait3A_354] : memref<5248x128xf32, #tpu.memory_space<vmem_shared>> -> memref<5248x128xf32, #tpu.memory_space<vmem_shared>>
        tpu.wait_indirect_dma semaphore(%run_scoped3A_343 : memref<!tpu.dma_semaphore, #tpu.memory_space<semaphore_mem>>) src(%arg8 : memref<128x128xf32, #tpu.memory_space<vmem>>) dst(%dma_wait3A_355 : memref<5248x128xf32, #tpu.memory_space<vmem_shared>>)
        tpu.yield
      }) : () -> ()
    }
    %scan3A_41 = arith.constant 157 : i32
    %barrier3A_42 = arith.constant 0 : index
    tpu.barrier barrier_id(%barrier3A_42)
    %mul3A_43 = arith.constant 320 : i32
    %mul3A_44 = arith.muli %arg1, %mul3A_43 : i32
    %mul3A_45 = arith.constant 5120 : i32
    %mul3A_46 = arith.muli %arg0, %mul3A_45 : i32
    %mul3A_47 = arith.constant 320 : i32
    %mul3A_48 = arith.muli %arg1, %mul3A_47 : i32
    %add3A_49 = arith.addi %mul3A_46, %mul3A_48 : i32
    "tpu.region"() ({
      %run_scoped3A = tpu.sem_alloc : memref<!tpu.dma_semaphore, #tpu.memory_space<semaphore_mem>>
      %dma_start3A_50 = arith.constant 0 : i32
      %dma_start3A_51 = tpu.memref_slice %arg4[%add3A_49, %dma_start3A_50] : memref<10240x128xf32, #tpu.memory_space<hbm>> -> memref<320x128xf32, #tpu.memory_space<hbm>>
      %dma_start3A_52 = arith.constant 0 : i32
      %dma_start3A_53 = tpu.memref_slice %arg9[%mul3A_44, %dma_start3A_52] : memref<5248x128xf32, #tpu.memory_space<vmem_shared>> -> memref<320x128xf32, #tpu.memory_space<vmem_shared>>
      tpu.enqueue_dma source(%dma_start3A_53 : memref<320x128xf32, #tpu.memory_space<vmem_shared>>) target(%dma_start3A_51 : memref<320x128xf32, #tpu.memory_space<hbm>>) target_semaphore(%run_scoped3A : memref<!tpu.dma_semaphore, #tpu.memory_space<semaphore_mem>>)
      %dma_wait3A = arith.constant 0 : i32
      %dma_wait3A_54 = tpu.memref_slice %arg4[%add3A_49, %dma_wait3A] : memref<10240x128xf32, #tpu.memory_space<hbm>> -> memref<320x128xf32, #tpu.memory_space<hbm>>
      %dma_wait3A_55 = arith.constant 0 : i32
      %dma_wait3A_56 = tpu.memref_slice %arg9[%mul3A_44, %dma_wait3A_55] : memref<5248x128xf32, #tpu.memory_space<vmem_shared>> -> memref<320x128xf32, #tpu.memory_space<vmem_shared>>
      tpu.wait_dma2 semaphore(%run_scoped3A : memref<!tpu.dma_semaphore, #tpu.memory_space<semaphore_mem>>) src(%dma_wait3A_56 : memref<320x128xf32, #tpu.memory_space<vmem_shared>>) dst(%dma_wait3A_54 : memref<320x128xf32, #tpu.memory_space<hbm>>)
      tpu.yield
    }) : () -> ()
    return
  }
}

module attributes {stable_mosaic.version = 14 : i64} {
  func.func @_prep_body(%arg0: i32, %arg1: memref<128x128xf32, #tpu.memory_space<vmem>>, %arg2: memref<128x1xf32, #tpu.memory_space<vmem>>, %arg3: memref<128x128xf32, #tpu.memory_space<vmem>>, %arg4: memref<128x128xf32, #tpu.memory_space<vmem>>, %arg5: memref<128x1xf32, #tpu.memory_space<vmem>>) attributes {dimension_semantics = [#tpu.dimension_semantics<arbitrary>], iteration_bounds = array<i64: 80>, scalar_prefetch = 0 : i64, scratch_operands = 0 : i64, tpu.core_type = #tpu.core_type<tc>, window_params = [{transform_indices = @transform_0, window_bounds = array<i64: 128, 128>}, {transform_indices = @transform_1, window_bounds = array<i64: 128, 1>}, {transform_indices = @transform_2, window_bounds = array<i64: 128, 128>}, {transform_indices = @transform_3, window_bounds = array<i64: 128, 128>}, {transform_indices = @transform_4, window_bounds = array<i64: 128, 1>}]} {
    %get3A = arith.constant 0 : index
    %get3A_0 = arith.constant 0 : index
    %get3A_1 = vector.load %arg1[%get3A, %get3A_0] : memref<128x128xf32, #tpu.memory_space<vmem>>, vector<128x128xf32>
    %mul3A = arith.mulf %get3A_1, %get3A_1 : vector<128x128xf32>
    %reduce_sum3A = arith.constant dense<0.000000e+00> : vector<128xf32>
    %reduce_sum3A_2 = vector.multi_reduction <add>, %mul3A, %reduce_sum3A [1] : vector<128x128xf32> to vector<128xf32>
    %broadcast_in_dim3A = vector.shape_cast %reduce_sum3A_2 : vector<128xf32> to vector<128x1xf32>
    %sqrt3A = math.sqrt %broadcast_in_dim3A : vector<128x1xf32>
    %max3A = arith.constant 9.99999996E-13 : f32
    %max3A_3 = vector.broadcast %max3A : f32 to vector<128x1xf32>
    %max3A_4 = arith.maximumf %sqrt3A, %max3A_3 : vector<128x1xf32>
    %div3A = vector.broadcast %max3A_4 : vector<128x1xf32> to vector<128x128xf32>
    %div3A_5 = arith.divf %get3A_1, %div3A : vector<128x128xf32>
    %get3A_6 = arith.constant 0 : index
    %get3A_7 = arith.constant 0 : index
    %get3A_8 = vector.load %arg2[%get3A_6, %get3A_7] : memref<128x1xf32, #tpu.memory_space<vmem>>, vector<128x1xf32>
    %add3A = arith.constant 1.000000e+00 : f32
    %add3A_9 = vector.broadcast %add3A : f32 to vector<128x1xf32>
    %add3A_10 = arith.addf %get3A_8, %add3A_9 : vector<128x1xf32>
    %rsqrt3A = math.rsqrt %add3A_10 : vector<128x1xf32>
    %swap3A = arith.constant 0 : index
    %swap3A_11 = arith.constant 0 : index
    %swap3A_12 = vector.load %arg3[%swap3A, %swap3A_11] : memref<128x128xf32, #tpu.memory_space<vmem>>, vector<128x128xf32>
    tpu.vector_store %arg3[%swap3A, %swap3A_11], %div3A_5 {strides = array<i32>} : memref<128x128xf32, #tpu.memory_space<vmem>>, vector<128x128xf32>,
    %mul3A_13 = vector.broadcast %rsqrt3A : vector<128x1xf32> to vector<128x128xf32>
    %mul3A_14 = arith.mulf %div3A_5, %mul3A_13 : vector<128x128xf32>
    %swap3A_15 = arith.constant 0 : index
    %swap3A_16 = arith.constant 0 : index
    %swap3A_17 = vector.load %arg4[%swap3A_15, %swap3A_16] : memref<128x128xf32, #tpu.memory_space<vmem>>, vector<128x128xf32>
    tpu.vector_store %arg4[%swap3A_15, %swap3A_16], %mul3A_14 {strides = array<i32>} : memref<128x128xf32, #tpu.memory_space<vmem>>, vector<128x128xf32>,
    %swap3A_18 = arith.constant 0 : index
    %swap3A_19 = arith.constant 0 : index
    %swap3A_20 = vector.load %arg5[%swap3A_18, %swap3A_19] : memref<128x1xf32, #tpu.memory_space<vmem>>, vector<128x1xf32>
    tpu.vector_store %arg5[%swap3A_18, %swap3A_19], %rsqrt3A {strides = array<i32>} : memref<128x1xf32, #tpu.memory_space<vmem>>, vector<128x1xf32>,
    return
  }
  func.func @transform_0(%arg0: i32) -> (i32, i32) {
    %c0_i32 = arith.constant 0 : i32
    %c0_i32_0 = arith.constant 0 : i32
    return %arg0, %c0_i32 : i32, i32
  }
  func.func @transform_1(%arg0: i32) -> (i32, i32) {
    %c0_i32 = arith.constant 0 : i32
    %c0_i32_0 = arith.constant 0 : i32
    return %arg0, %c0_i32 : i32, i32
  }
  func.func @transform_2(%arg0: i32) -> (i32, i32) {
    %c0_i32 = arith.constant 0 : i32
    %c0_i32_0 = arith.constant 0 : i32
    return %arg0, %c0_i32 : i32, i32
  }
  func.func @transform_3(%arg0: i32) -> (i32, i32) {
    %c0_i32 = arith.constant 0 : i32
    %c0_i32_0 = arith.constant 0 : i32
    return %arg0, %c0_i32 : i32, i32
  }
  func.func @transform_4(%arg0: i32) -> (i32, i32) {
    %c0_i32 = arith.constant 0 : i32
    %c0_i32_0 = arith.constant 0 : i32
    return %arg0, %c0_i32 : i32, i32
  }
}

module attributes {stable_mosaic.version = 14 : i64} {
  func.func @_layer_body(%arg0: i32, %arg1: memref<128x128xf32, #tpu.memory_space<vmem>>, %arg2: memref<128x128xf32, #tpu.memory_space<vmem>>, %arg3: memref<128x1xf32, #tpu.memory_space<vmem>>, %arg4: memref<128x128xf32, #tpu.memory_space<vmem>>, %arg5: memref<128x128xf32, #tpu.memory_space<vmem>>, %arg6: memref<1x128xf32, #tpu.memory_space<vmem>>, %arg7: memref<128x128xf32, #tpu.memory_space<vmem>>, %arg8: memref<1x128xf32, #tpu.memory_space<vmem>>, %arg9: memref<128x128xf32, #tpu.memory_space<vmem>>, %arg10: memref<128x128xf32, #tpu.memory_space<vmem>>) attributes {dimension_semantics = [#tpu.dimension_semantics<arbitrary>], iteration_bounds = array<i64: 80>, scalar_prefetch = 0 : i64, scratch_operands = 0 : i64, tpu.core_type = #tpu.core_type<tc>, window_params = [{transform_indices = @transform_0, window_bounds = array<i64: 128, 128>}, {transform_indices = @transform_1, window_bounds = array<i64: 128, 128>}, {transform_indices = @transform_2, window_bounds = array<i64: 128, 1>}, {transform_indices = @transform_3, window_bounds = array<i64: 128, 128>}, {pipeline_mode = #tpu.pipeline_mode<synchronous>, transform_indices = @transform_4, window_bounds = array<i64: 128, 128>}, {pipeline_mode = #tpu.pipeline_mode<synchronous>, transform_indices = @transform_5, window_bounds = array<i64: 1, 128>}, {pipeline_mode = #tpu.pipeline_mode<synchronous>, transform_indices = @transform_6, window_bounds = array<i64: 128, 128>}, {pipeline_mode = #tpu.pipeline_mode<synchronous>, transform_indices = @transform_7, window_bounds = array<i64: 1, 128>}, {transform_indices = @transform_8, window_bounds = array<i64: 128, 128>}, {transform_indices = @transform_9, window_bounds = array<i64: 128, 128>}]} {
    %get3A = arith.constant 0 : index
    %get3A_0 = arith.constant 0 : index
    %get3A_1 = vector.load %arg3[%get3A, %get3A_0] : memref<128x1xf32, #tpu.memory_space<vmem>>, vector<128x1xf32>
    %get3A_2 = arith.constant 0 : index
    %get3A_3 = arith.constant 0 : index
    %get3A_4 = vector.load %arg1[%get3A_2, %get3A_3] : memref<128x128xf32, #tpu.memory_space<vmem>>, vector<128x128xf32>
    %get3A_5 = arith.constant 0 : index
    %get3A_6 = arith.constant 0 : index
    %get3A_7 = vector.load %arg2[%get3A_5, %get3A_6] : memref<128x128xf32, #tpu.memory_space<vmem>>, vector<128x128xf32>
    %add3A = arith.addf %get3A_4, %get3A_7 : vector<128x128xf32>
    %mul3A = vector.broadcast %get3A_1 : vector<128x1xf32> to vector<128x128xf32>
    %mul3A_8 = arith.mulf %add3A, %mul3A : vector<128x128xf32>
    %get3A_9 = arith.constant 0 : index
    %get3A_10 = arith.constant 0 : index
    %get3A_11 = vector.load %arg5[%get3A_9, %get3A_10] : memref<128x128xf32, #tpu.memory_space<vmem>>, vector<128x128xf32>
    %dot_general3A = arith.constant dense<0.000000e+00> : vector<128x128xf32>
    %dot_general3A_12 = tpu.matmul %mul3A_8, %get3A_11, %dot_general3A {dimension_numbers = #tpu.dot_dimension_numbers<[1], [0], [0], [1], [0, 0, 1, 1], [], []>, transpose_lhs_hint = false} : vector<128x128xf32>, vector<128x128xf32>, vector<128x128xf32> -> vector<128x128xf32>
    %get3A_13 = arith.constant 0 : index
    %get3A_14 = arith.constant 0 : index
    %get3A_15 = vector.load %arg6[%get3A_13, %get3A_14] : memref<1x128xf32, #tpu.memory_space<vmem>>, vector<1x128xf32>
    %add3A_16 = vector.broadcast %get3A_15 : vector<1x128xf32> to vector<128x128xf32>
    %add3A_17 = arith.addf %dot_general3A_12, %add3A_16 : vector<128x128xf32>
    %ge3A = arith.constant 0.000000e+00 : f32
    %ge3A_18 = vector.broadcast %ge3A : f32 to vector<128x128xf32>
    %ge3A_19 = arith.cmpf oge, %add3A_17, %ge3A_18 : vector<128x128xf32>
    %mul3A_20 = arith.constant 0.00999999977 : f32
    %mul3A_21 = vector.broadcast %mul3A_20 : f32 to vector<128x128xf32>
    %mul3A_22 = arith.mulf %mul3A_21, %add3A_17 : vector<128x128xf32>
    %select_n3A = arith.select %ge3A_19, %add3A_17, %mul3A_22 : vector<128x128xi1>, vector<128x128xf32>
    %get3A_23 = arith.constant 0 : index
    %get3A_24 = arith.constant 0 : index
    %get3A_25 = vector.load %arg7[%get3A_23, %get3A_24] : memref<128x128xf32, #tpu.memory_space<vmem>>, vector<128x128xf32>
    %dot_general3A_26 = arith.constant dense<0.000000e+00> : vector<128x128xf32>
    %dot_general3A_27 = tpu.matmul %mul3A_8, %get3A_25, %dot_general3A_26 {dimension_numbers = #tpu.dot_dimension_numbers<[1], [0], [0], [1], [0, 0, 1, 1], [], []>, transpose_lhs_hint = false} : vector<128x128xf32>, vector<128x128xf32>, vector<128x128xf32> -> vector<128x128xf32>
    %get3A_28 = arith.constant 0 : index
    %get3A_29 = arith.constant 0 : index
    %get3A_30 = vector.load %arg8[%get3A_28, %get3A_29] : memref<1x128xf32, #tpu.memory_space<vmem>>, vector<1x128xf32>
    %add3A_31 = vector.broadcast %get3A_30 : vector<1x128xf32> to vector<128x128xf32>
    %add3A_32 = arith.addf %dot_general3A_27, %add3A_31 : vector<128x128xf32>
    %mul3A_33 = vector.broadcast %get3A_1 : vector<128x1xf32> to vector<128x128xf32>
    %mul3A_34 = arith.mulf %select_n3A, %mul3A_33 : vector<128x128xf32>
    %swap3A = arith.constant 0 : index
    %swap3A_35 = arith.constant 0 : index
    %swap3A_36 = vector.load %arg9[%swap3A, %swap3A_35] : memref<128x128xf32, #tpu.memory_space<vmem>>, vector<128x128xf32>
    tpu.vector_store %arg9[%swap3A, %swap3A_35], %mul3A_34 {strides = array<i32>} : memref<128x128xf32, #tpu.memory_space<vmem>>, vector<128x128xf32>,
    %get3A_37 = arith.constant 0 : index
    %get3A_38 = arith.constant 0 : index
    %get3A_39 = vector.load %arg4[%get3A_37, %get3A_38] : memref<128x128xf32, #tpu.memory_space<vmem>>, vector<128x128xf32>
    %add3A_40 = arith.addf %get3A_39, %select_n3A : vector<128x128xf32>
    %add3A_41 = arith.addf %add3A_40, %add3A_32 : vector<128x128xf32>
    %swap3A_42 = arith.constant 0 : index
    %swap3A_43 = arith.constant 0 : index
    %swap3A_44 = vector.load %arg10[%swap3A_42, %swap3A_43] : memref<128x128xf32, #tpu.memory_space<vmem>>, vector<128x128xf32>
    tpu.vector_store %arg10[%swap3A_42, %swap3A_43], %add3A_41 {strides = array<i32>} : memref<128x128xf32, #tpu.memory_space<vmem>>, vector<128x128xf32>,
    return
  }
  func.func @transform_0(%arg0: i32) -> (i32, i32) {
    %c0_i32 = arith.constant 0 : i32
    %c0_i32_0 = arith.constant 0 : i32
    return %arg0, %c0_i32 : i32, i32
  }
  func.func @transform_1(%arg0: i32) -> (i32, i32) {
    %c0_i32 = arith.constant 0 : i32
    %c0_i32_0 = arith.constant 0 : i32
    return %arg0, %c0_i32 : i32, i32
  }
  func.func @transform_2(%arg0: i32) -> (i32, i32) {
    %c0_i32 = arith.constant 0 : i32
    %c0_i32_0 = arith.constant 0 : i32
    return %arg0, %c0_i32 : i32, i32
  }
  func.func @transform_3(%arg0: i32) -> (i32, i32) {
    %c0_i32 = arith.constant 0 : i32
    %c0_i32_0 = arith.constant 0 : i32
    return %arg0, %c0_i32 : i32, i32
  }
  func.func @transform_4(%arg0: i32) -> (i32, i32) {
    %c0_i32 = arith.constant 0 : i32
    %c0_i32_0 = arith.constant 0 : i32
    %c0_i32_1 = arith.constant 0 : i32
    return %c0_i32, %c0_i32_0 : i32, i32
  }
  func.func @transform_5(%arg0: i32) -> (i32, i32) {
    %c0_i32 = arith.constant 0 : i32
    %c0_i32_0 = arith.constant 0 : i32
    %c0_i32_1 = arith.constant 0 : i32
    return %c0_i32, %c0_i32_0 : i32, i32
  }
  func.func @transform_6(%arg0: i32) -> (i32, i32) {
    %c0_i32 = arith.constant 0 : i32
    %c0_i32_0 = arith.constant 0 : i32
    %c0_i32_1 = arith.constant 0 : i32
    return %c0_i32, %c0_i32_0 : i32, i32
  }
  func.func @transform_7(%arg0: i32) -> (i32, i32) {
    %c0_i32 = arith.constant 0 : i32
    %c0_i32_0 = arith.constant 0 : i32
    %c0_i32_1 = arith.constant 0 : i32
    return %c0_i32, %c0_i32_0 : i32, i32
  }
  func.func @transform_8(%arg0: i32) -> (i32, i32) {
    %c0_i32 = arith.constant 0 : i32
    %c0_i32_0 = arith.constant 0 : i32
    return %arg0, %c0_i32 : i32, i32
  }
  func.func @transform_9(%arg0: i32) -> (i32, i32) {
    %c0_i32 = arith.constant 0 : i32
    %c0_i32_0 = arith.constant 0 : i32
    return %arg0, %c0_i32 : i32, i32
  }
}

module attributes {stable_mosaic.version = 14 : i64} {
  func.func @_layer_body(%arg0: i32, %arg1: memref<128x128xf32, #tpu.memory_space<vmem>>, %arg2: memref<128x128xf32, #tpu.memory_space<vmem>>, %arg3: memref<128x1xf32, #tpu.memory_space<vmem>>, %arg4: memref<128x128xf32, #tpu.memory_space<vmem>>, %arg5: memref<128x128xf32, #tpu.memory_space<vmem>>, %arg6: memref<1x128xf32, #tpu.memory_space<vmem>>, %arg7: memref<128x128xf32, #tpu.memory_space<vmem>>, %arg8: memref<1x128xf32, #tpu.memory_space<vmem>>, %arg9: memref<128x128xf32, #tpu.memory_space<vmem>>, %arg10: memref<128x128xf32, #tpu.memory_space<vmem>>) attributes {dimension_semantics = [#tpu.dimension_semantics<arbitrary>], iteration_bounds = array<i64: 80>, scalar_prefetch = 0 : i64, scratch_operands = 0 : i64, tpu.core_type = #tpu.core_type<tc>, window_params = [{transform_indices = @transform_0, window_bounds = array<i64: 128, 128>}, {transform_indices = @transform_1, window_bounds = array<i64: 128, 128>}, {transform_indices = @transform_2, window_bounds = array<i64: 128, 1>}, {transform_indices = @transform_3, window_bounds = array<i64: 128, 128>}, {pipeline_mode = #tpu.pipeline_mode<synchronous>, transform_indices = @transform_4, window_bounds = array<i64: 128, 128>}, {pipeline_mode = #tpu.pipeline_mode<synchronous>, transform_indices = @transform_5, window_bounds = array<i64: 1, 128>}, {pipeline_mode = #tpu.pipeline_mode<synchronous>, transform_indices = @transform_6, window_bounds = array<i64: 128, 128>}, {pipeline_mode = #tpu.pipeline_mode<synchronous>, transform_indices = @transform_7, window_bounds = array<i64: 1, 128>}, {transform_indices = @transform_8, window_bounds = array<i64: 128, 128>}, {transform_indices = @transform_9, window_bounds = array<i64: 128, 128>}]} {
    %get3A = arith.constant 0 : index
    %get3A_0 = arith.constant 0 : index
    %get3A_1 = vector.load %arg3[%get3A, %get3A_0] : memref<128x1xf32, #tpu.memory_space<vmem>>, vector<128x1xf32>
    %get3A_2 = arith.constant 0 : index
    %get3A_3 = arith.constant 0 : index
    %get3A_4 = vector.load %arg1[%get3A_2, %get3A_3] : memref<128x128xf32, #tpu.memory_space<vmem>>, vector<128x128xf32>
    %get3A_5 = arith.constant 0 : index
    %get3A_6 = arith.constant 0 : index
    %get3A_7 = vector.load %arg2[%get3A_5, %get3A_6] : memref<128x128xf32, #tpu.memory_space<vmem>>, vector<128x128xf32>
    %add3A = arith.addf %get3A_4, %get3A_7 : vector<128x128xf32>
    %mul3A = vector.broadcast %get3A_1 : vector<128x1xf32> to vector<128x128xf32>
    %mul3A_8 = arith.mulf %add3A, %mul3A : vector<128x128xf32>
    %get3A_9 = arith.constant 0 : index
    %get3A_10 = arith.constant 0 : index
    %get3A_11 = vector.load %arg5[%get3A_9, %get3A_10] : memref<128x128xf32, #tpu.memory_space<vmem>>, vector<128x128xf32>
    %dot_general3A = arith.constant dense<0.000000e+00> : vector<128x128xf32>
    %dot_general3A_12 = tpu.matmul %mul3A_8, %get3A_11, %dot_general3A {dimension_numbers = #tpu.dot_dimension_numbers<[1], [0], [0], [1], [0, 0, 1, 1], [], []>, transpose_lhs_hint = false} : vector<128x128xf32>, vector<128x128xf32>, vector<128x128xf32> -> vector<128x128xf32>
    %get3A_13 = arith.constant 0 : index
    %get3A_14 = arith.constant 0 : index
    %get3A_15 = vector.load %arg6[%get3A_13, %get3A_14] : memref<1x128xf32, #tpu.memory_space<vmem>>, vector<1x128xf32>
    %add3A_16 = vector.broadcast %get3A_15 : vector<1x128xf32> to vector<128x128xf32>
    %add3A_17 = arith.addf %dot_general3A_12, %add3A_16 : vector<128x128xf32>
    %ge3A = arith.constant 0.000000e+00 : f32
    %ge3A_18 = vector.broadcast %ge3A : f32 to vector<128x128xf32>
    %ge3A_19 = arith.cmpf oge, %add3A_17, %ge3A_18 : vector<128x128xf32>
    %mul3A_20 = arith.constant 0.00999999977 : f32
    %mul3A_21 = vector.broadcast %mul3A_20 : f32 to vector<128x128xf32>
    %mul3A_22 = arith.mulf %mul3A_21, %add3A_17 : vector<128x128xf32>
    %select_n3A = arith.select %ge3A_19, %add3A_17, %mul3A_22 : vector<128x128xi1>, vector<128x128xf32>
    %get3A_23 = arith.constant 0 : index
    %get3A_24 = arith.constant 0 : index
    %get3A_25 = vector.load %arg7[%get3A_23, %get3A_24] : memref<128x128xf32, #tpu.memory_space<vmem>>, vector<128x128xf32>
    %dot_general3A_26 = arith.constant dense<0.000000e+00> : vector<128x128xf32>
    %dot_general3A_27 = tpu.matmul %mul3A_8, %get3A_25, %dot_general3A_26 {dimension_numbers = #tpu.dot_dimension_numbers<[1], [0], [0], [1], [0, 0, 1, 1], [], []>, transpose_lhs_hint = false} : vector<128x128xf32>, vector<128x128xf32>, vector<128x128xf32> -> vector<128x128xf32>
    %get3A_28 = arith.constant 0 : index
    %get3A_29 = arith.constant 0 : index
    %get3A_30 = vector.load %arg8[%get3A_28, %get3A_29] : memref<1x128xf32, #tpu.memory_space<vmem>>, vector<1x128xf32>
    %add3A_31 = vector.broadcast %get3A_30 : vector<1x128xf32> to vector<128x128xf32>
    %add3A_32 = arith.addf %dot_general3A_27, %add3A_31 : vector<128x128xf32>
    %mul3A_33 = vector.broadcast %get3A_1 : vector<128x1xf32> to vector<128x128xf32>
    %mul3A_34 = arith.mulf %select_n3A, %mul3A_33 : vector<128x128xf32>
    %swap3A = arith.constant 0 : index
    %swap3A_35 = arith.constant 0 : index
    %swap3A_36 = vector.load %arg9[%swap3A, %swap3A_35] : memref<128x128xf32, #tpu.memory_space<vmem>>, vector<128x128xf32>
    tpu.vector_store %arg9[%swap3A, %swap3A_35], %mul3A_34 {strides = array<i32>} : memref<128x128xf32, #tpu.memory_space<vmem>>, vector<128x128xf32>,
    %get3A_37 = arith.constant 0 : index
    %get3A_38 = arith.constant 0 : index
    %get3A_39 = vector.load %arg4[%get3A_37, %get3A_38] : memref<128x128xf32, #tpu.memory_space<vmem>>, vector<128x128xf32>
    %add3A_40 = arith.addf %get3A_39, %select_n3A : vector<128x128xf32>
    %add3A_41 = arith.addf %add3A_40, %add3A_32 : vector<128x128xf32>
    %swap3A_42 = arith.constant 0 : index
    %swap3A_43 = arith.constant 0 : index
    %swap3A_44 = vector.load %arg10[%swap3A_42, %swap3A_43] : memref<128x128xf32, #tpu.memory_space<vmem>>, vector<128x128xf32>
    tpu.vector_store %arg10[%swap3A_42, %swap3A_43], %add3A_41 {strides = array<i32>} : memref<128x128xf32, #tpu.memory_space<vmem>>, vector<128x128xf32>,
    return
  }
  func.func @transform_0(%arg0: i32) -> (i32, i32) {
    %c0_i32 = arith.constant 0 : i32
    %c0_i32_0 = arith.constant 0 : i32
    return %arg0, %c0_i32 : i32, i32
  }
  func.func @transform_1(%arg0: i32) -> (i32, i32) {
    %c0_i32 = arith.constant 0 : i32
    %c0_i32_0 = arith.constant 0 : i32
    return %arg0, %c0_i32 : i32, i32
  }
  func.func @transform_2(%arg0: i32) -> (i32, i32) {
    %c0_i32 = arith.constant 0 : i32
    %c0_i32_0 = arith.constant 0 : i32
    return %arg0, %c0_i32 : i32, i32
  }
  func.func @transform_3(%arg0: i32) -> (i32, i32) {
    %c0_i32 = arith.constant 0 : i32
    %c0_i32_0 = arith.constant 0 : i32
    return %arg0, %c0_i32 : i32, i32
  }
  func.func @transform_4(%arg0: i32) -> (i32, i32) {
    %c0_i32 = arith.constant 0 : i32
    %c0_i32_0 = arith.constant 0 : i32
    %c0_i32_1 = arith.constant 0 : i32
    return %c0_i32, %c0_i32_0 : i32, i32
  }
  func.func @transform_5(%arg0: i32) -> (i32, i32) {
    %c0_i32 = arith.constant 0 : i32
    %c0_i32_0 = arith.constant 0 : i32
    %c0_i32_1 = arith.constant 0 : i32
    return %c0_i32, %c0_i32_0 : i32, i32
  }
  func.func @transform_6(%arg0: i32) -> (i32, i32) {
    %c0_i32 = arith.constant 0 : i32
    %c0_i32_0 = arith.constant 0 : i32
    %c0_i32_1 = arith.constant 0 : i32
    return %c0_i32, %c0_i32_0 : i32, i32
  }
  func.func @transform_7(%arg0: i32) -> (i32, i32) {
    %c0_i32 = arith.constant 0 : i32
    %c0_i32_0 = arith.constant 0 : i32
    %c0_i32_1 = arith.constant 0 : i32
    return %c0_i32, %c0_i32_0 : i32, i32
  }
  func.func @transform_8(%arg0: i32) -> (i32, i32) {
    %c0_i32 = arith.constant 0 : i32
    %c0_i32_0 = arith.constant 0 : i32
    return %arg0, %c0_i32 : i32, i32
  }
  func.func @transform_9(%arg0: i32) -> (i32, i32) {
    %c0_i32 = arith.constant 0 : i32
    %c0_i32_0 = arith.constant 0 : i32
    return %arg0, %c0_i32 : i32, i32
  }
}

</mosaic_0001>

<sc_bundles>
// kernel: kernel.11.cloned.1.call-start
scs
__scs_entry_jumppad:
0x0: {  	(pc) =	sbr.rel $0x88, $3  }
0x1: {  	(tag) =	ssettag $0x0;
	lr =	simm.s32 $0x1  }
0x2: {  	[smem:$0x3F99] =	sst lr;
	_ =	strace $0xD0000000  }
0x3: {  	_ = 	snop  }
0x4: {  	_ = 	snop  }
0x5: {  	_ = 	snop  }
0x6: {  	_ = 	snop  }
0x7: {  	_ = 	snop  }
__scs_overlays_trampoline_lowered:
0x8: {  	[smem:$0x3FA8] =	sst s0  }
0x9: {  	[smem:$0x3FA9] =	sst s1  }
0xa: {  	[smem:$0x3FAA] =	sst s2  }
0xb: {  	[smem:$0x3FAB] =	sst s3  }
0xc: {  	[smem:$0x3FAC] =	sst s4  }
0xd: {  	[smem:$0x3FAD] =	sst s5  }
0xe: {  	[smem:$0x3FAE] =	sst s6  }
0xf: {  	[smem:$0x3FAF] =	sst s7  }
0x10: {  	[smem:$0x3FB0] =	sst s8  }
0x11: {  	[smem:$0x3FB1] =	sst s9;
	s0 =	simm.s32 @!p0 $0x0  }
0x12: {  	s1 =	sld [smem:$0x3F97];
	s0 =	simm.s32 @p0 $0x1  }
0x13: {  	[smem:$0x3FB2] =	sst s0;
	s0 =	simm.s32 @!p1 $0x0  }
0x14: {  	s2 =	sld [smem:$0x3F96];
	s0 =	simm.s32 @p1 $0x1  }
0x15: {  	[smem:$0x3FB3] =	sst s0;
	s0 =	simm.s32 @!p2 $0x0  }
0x16: {  	s3 =	sld [smem:$0x3FDB];
	s0 =	simm.s32 @p2 $0x1  }
0x17: {  	s4 =	simm.s32 $0x1BF5;
	[smem:$0x3FB5] =	sst s0  }
0x18: {  	s0 =	sld [smem:$0x3F98];
	_ =	swait.ge [sflag:s4], $0x0  }
0x19: {  	s7 =	sld [smem:$0x3F99]  }
0x1a: {  	s8 =	sadd.s32 $0xFFFFE003, lr  }
0x1b: {  	s9 =	sadd.s32 $0xFFFFFEF7, lr;
	s5 =	simm.s32 $0xFFFFFFFF;
	p2 =	slt.u32 s8, $0xFFFFF086  }
0x1c: {  	p1 =	slt.u32 s9, $0xF7A;
	s5 =	simm.s32 @!p2 $0x0  }
0x1d: {  	s5 =	simm.s32 @p1 $0x1;
	p0 =	seq.s32 s7, s2  }
0x1e: {  	s7 =	smul.u32 @!p0 $0xF7A, s2;
	p2 =	seq.s32 @!p0 s5, $0x0  }
0x1f: {  	s9 =	smul.u32 $0xF7A, s1;
	s8 =	simm.s32 @!p0 $0x1BF5;
	p2 =	por !p2, p0  }
0x20: {  	[sflag:s8] =	ssyncset.s32 @!p0 $0xFFFFF086;
	s6 =	sadd.s32 @!p0 s3, s7;
	s7 =	simm.s32 @!p0 $0x108  }
0x21: {  	s3 =	sadd.s32 s3, s9;
	s6 =	sadd.s32 @!p0 $0x88, s6;
	s7 =	simm.s32 @p2 $0x1082  }
0x22: {  	[simem:s7], [sflag:s8] =	dma.local @!p0 [hbm:s6], $0xF7A  }
0x23: {  	s9 =	sor.u32 $0xD0000000, s2;
	s6 =	simm.s32 $0x108;
	_ =	swait.ge @!p0 [sflag:s8], $0x0  }
0x24: {  	s3 =	sadd.s32 $0x88, s3;
	s6 =	simm.s32 @!p1 $0x1082;
	[sflag:s4] =	ssyncset.s32 $0xFFFFF086  }
0x25: {  	[simem:s6], [sflag:s4] =	dma.local [hbm:s3], $0xF7A  }
0x26: {  	[smem:$0x3F99] =	sst s1;
	(tag) =	ssettag s2;
	_ =	strace s9  }
0x27: {  	s1 =	sld [smem:$0x3FA9]  }
0x28: {  	s2 =	sld [smem:$0x3FAA]  }
0x29: {  	s4 =	sld [smem:$0x3FAC]  }
0x2a: {  	p0 =	seq.s32 s5, $0x0;
	s5 =	sld [smem:$0x3FAD]  }
0x2b: {  	s6 =	sld [smem:$0x3FAE]  }
0x2c: {  	s7 =	sld [smem:$0x3FAF]  }
0x2d: {  	s3 =	simm.s32 $0x108;
	s8 =	sld [smem:$0x3FB0]  }
0x2e: {  	s3 =	simm.s32 @!p0 $0x1082;
	s9 =	sld [smem:$0x3FB1]  }
0x2f: {  	lr =	sadd.s32 s0, s3;
	s0 =	sld [smem:$0x3FA8]  }
0x30: {  	s3 =	sld [smem:$0x3FAB]  }
0x31: {  	[smem:$0x3FB4] =	sst s10  }
0x32: {  	s10 =	sld [smem:$0x3FB2];
	_ =	sdelay $0x3  }
0x33: {  	p0 =	seq.s32 s10, $0x1;
	s10 =	sld [smem:$0x3FB4];
	_ =	sdelay $0x3  }
0x34: {  	[smem:$0x3FB4] =	sst s10  }
0x35: {  	s10 =	sld [smem:$0x3FB3];
	_ =	sdelay $0x3  }
0x36: {  	p1 =	seq.s32 s10, $0x1;
	s10 =	sld [smem:$0x3FB4];
	_ =	sdelay $0x3  }
0x37: {  	[smem:$0x3FB4] =	sst s10  }
0x38: {  	s10 =	sld [smem:$0x3FB5]  }
0x39: {  	_ = 	snop;
	(pc) =	sbr.ind lr, $3  }
0x3a: {  	_ = 	snop  }
0x3b: {  	_ = 	snop  }
0x3c: {  	p2 =	seq.s32 s10, $0x1;
	s10 =	sld [smem:$0x3FB4]  }
0x3d: {  	_ =	shalt  }
0x3e: {  	_ =	shalt  }
0x3f: {  	_ =	shalt  }
0x40: {  	_ =	shalt  }
0x41: {  	_ =	shalt  }
0x42: {  	_ =	shalt  }
0x43: {  	_ =	shalt  }
0x44: {  	_ =	shalt  }
0x45: {  	_ =	shalt  }
0x46: {  	_ =	shalt  }
0x47: {  	_ =	shalt  }
0x48: {  	_ =	shalt  }
0x49: {  	_ =	shalt  }
0x4a: {  	_ =	shalt  }
0x4b: {  	_ =	shalt  }
0x4c: {  	_ =	shalt  }
0x4d: {  	_ =	shalt  }
0x4e: {  	_ =	shalt  }
0x4f: {  	_ =	shalt  }
0x50: {  	_ =	shalt  }
0x51: {  	_ =	shalt  }
0x52: {  	_ =	shalt  }
0x53: {  	_ =	shalt  }
0x54: {  	_ =	shalt  }
0x55: {  	_ =	shalt  }
0x56: {  	_ =	shalt  }
0x57: {  	_ =	shalt  }
0x58: {  	_ =	shalt  }
0x59: {  	_ =	shalt  }
0x5a: {  	_ =	shalt  }
0x5b: {  	_ =	shalt  }
0x5c: {  	_ =	shalt  }
0x5d: {  	_ =	shalt  }
0x5e: {  	_ =	shalt  }
0x5f: {  	_ =	shalt  }
0x60: {  	_ =	shalt  }
0x61: {  	_ =	shalt  }
0x62: {  	_ =	shalt  }
0x63: {  	_ =	shalt  }
0x64: {  	_ =	shalt  }
0x65: {  	_ =	shalt  }
0x66: {  	_ =	shalt  }
0x67: {  	_ =	shalt  }
0x68: {  	_ =	shalt  }
0x69: {  	_ =	shalt  }
0x6a: {  	_ =	shalt  }
0x6b: {  	_ =	shalt  }
0x6c: {  	_ =	shalt  }
0x6d: {  	_ =	shalt  }
0x6e: {  	_ =	shalt  }
0x6f: {  	_ =	shalt  }
0x70: {  	_ =	shalt  }
0x71: {  	_ =	shalt  }
0x72: {  	_ =	shalt  }
0x73: {  	_ =	shalt  }
0x74: {  	_ =	shalt  }
0x75: {  	_ =	shalt  }
0x76: {  	_ =	shalt  }
0x77: {  	_ =	shalt  }
0x78: {  	_ =	shalt  }
0x79: {  	_ =	shalt  }
0x7a: {  	_ =	shalt  }
0x7b: {  	_ =	shalt  }
0x7c: {  	_ =	shalt  }
0x7d: {  	_ =	shalt  }
0x7e: {  	_ =	shalt  }
0x7f: {  	_ =	shalt  }
0x80: {  	_ =	shalt  }
0x81: {  	_ =	shalt  }
0x82: {  	_ =	shalt  }
0x83: {  	_ =	shalt  }
0x84: {  	_ =	shalt  }
0x85: {  	_ =	shalt  }
0x86: {  	_ =	shalt  }
0x87: {  	_ =	shalt  }
.Lfunc_end0:
.L_simem_size_0:
called_computation.1_lowered:
.L_overlay_start_0:
0x88: {  	s2 =	sld [smem:$0x3FD9]  }
0x89: {  	s3 =	sld [smem:$0x3FFE];
	_ =	sdelay $0x1  }
0x8a: {  	s1 =	srdreg.scid  }
0x8b: {  	s0 =	sand.u32 $0x1, s1  }
0x8c: {  	s17 =	sshll.u32 s0, $0xA;
	s2 =	sadd.s32 s3, s2  }
0x8d: {  	s2 =	sadd.s32 s2, s17  }
0x8e: {  	[smem:$0x3FC0] =	sst s2  }
0x8f: {  	_ = 	snop  }
0x90: {  	s2 =	sld [smem:$0x3FD0];
	(tm) =	ssettm $0x1  }
0x91: {  	s18 =	sld [smem:$0x3FFB];
	_ =	sdelay $0x3  }
0x92: {  	_ =	strace s18  }
0x93: {  	s3 =	sld [smem:$0x3FFC];
	_ =	sdelay $0x3  }
0x94: {  	_ =	strace s3  }
0x95: {  	s3 =	sld [smem:$0x3FFD];
	_ =	sdelay $0x3  }
0x96: {  	_ =	strace s3  }
0x97: {  	_ =	strace $0x8FFFFFFF  }
0x98: {  	s19 =	sld [smem:$0x3FDB];
	_ =	sdelay $0x1  }
0x99: {  	s4 =	simm.s32 $_scs_section_size  }
0x9a: {  	s5 =	simm.s32 $_size__tile_overlayer_lowered;
	s6 =	simm.s32 $_tile_overlayer_lowered  }
0x9b: {  	s22 =	simm.s32 $0x1BFF;
	s21 =	sshll.u32 s6, $0x1;
	s3 =	sadd.s32 s4, s19  }
0x9c: {  	s7 =	simm.s32 $0x0;
	s20 =	sshll.u32 s5, $0x1;
	s5 =	sadd.s32 s21, s3  }
0x9d: {  	[timem:s7], [sflag:s22] =	dma.local [hbm:s5], s20  }
0x9e: {  	_ =	swait.ge [sflag:s22], s20  }
0x9f: {  	s4 =	ssub.s32 $0x0, s20;
	[sflag:s22] =	ssyncset.done $0x0  }
0xa0: {  	[sflag:s22] =	ssyncadd.s32 s4;
	_ =	sdelay $0x1  }
0xa1: {  	s23 =	simm.s32 $0x1B8B  }
0xa2: {  	_ =	swait.ge [sflag:s23], $0x1  }
0xa3: {  	[sflag:s23] =	ssyncset.done $0x0  }
0xa4: {  	s25 =	simm.s32 $0x1B8E;
	s24 =	sld [smem:$0x3FFE];
	[sflag:s23] =	ssyncadd.s32 $0xFFFFFFFF  }
0xa5: {  	s26 =	simm.s32 $execute0_lowered;
	[smem:$0x3FD2] =	sst s25  }
0xa6: {  	s5 =	sshll.u32 s26, $0x1;
	_ =	strace $0x80000049;
	[dreg:$0x1] =	wrdreg $0xFFFFFFFF  }
0xa7: {  	s28 =	simm.s32 $_size_execute0_lowered;
	s3 =	sadd.s32 s3, s5;
	[dreg:$0x0] =	wrdreg $0x0  }
0xa8: {  	s5 =	sshll.u32 s28, $0x1;
	[dreg:$0x2] =	wrdreg s3  }
0xa9: {  	[dreg:$0x3] =	wrdreg s5  }
0xaa: {  	[dreg:$0x4] =	wrdreg $0xC0  }
0xab: {  	_ =	task [dreg:s7], $0x5FFFF  }
0xac: {  	[dreg:$0x1] =	wrdreg $0xFFFFFFFF  }
0xad: {  	[dreg:$0x0] =	wrdreg $0x60  }
0xae: {  	[dreg:$0x2] =	wrdreg s2  }
0xaf: {  	[dreg:$0x3] =	wrdreg s24  }
0xb0: {  	[dreg:$0x4] =	wrdreg $0x11E000  }
0xb1: {  	[dreg:$0x5] =	wrdreg $0x9  }
0xb2: {  	_ =	task.clear_ibuf [dreg:s7], $0x6FFFF;
	_ =	strace $0x90000049  }
0xb3: {  	s29 =	simm.s32 $0x9;
	_ =	strace $0x8000004B  }
0xb4: {  	_ =	swait.ge [sflag:s29], $0x1  }
0xb5: {  	[sflag:s29] =	ssyncadd.s32 $0xFFFFFFFF  }
0xb6: {  	_ =	strace $0x9000004B  }
0xb7: {  	_ =	sfence  }
0xb8: {  	s30 =	sld [smem:$0x0];
	_ =	sdelay $0x2  }
0xb9: {  	s31 =	sshll.u32 s1, $0xD;
	s1 =	sshrl.u32 s1, $0x2  }
0xba: {  	s3 =	sand.u32 $0x4000, s31;
	s1 =	sadd.s32 s1, s30  }
0xbb: {  	s0 =	sor.u32 s3, s0;
	s1 =	sshll.u32 s1, $0x11  }
0xbc: {  	s0 =	sor.u32 s1, s0  }
0xbd: {  	s0 =	sadd.s32 $0x8F2B, s0  }
0xbe: {  	[sflag:s0] =	ssyncadd.remote.s32 $0x1  }
0xbf: {  	_ =	sfence.sel $0xFFFF  }
0xc0: {  	[dreg:$0x0] =	wrdreg $0xFFFFFFFF;
	(pc) =	sbr.abs _section_cstart, $3  }
0xc1: {  	[dreg:$0x1] =	wrdreg $0xFFFFFFFF  }
0xc2: {  	_ =	task.clear_ibuf [dreg:s7], $0x2FFFF;
	_ =	strace $0x9FFFFFFF  }
0xc3: {  	(tm) =	ssettm $0x7FFFFFFF  }
tec
execute0_lowered:
.L_overlay_start_1:
0x0: {  	(tag) =	ssettag $0x1  }
0x1: {  	s5 =	rddreg [dreg:$0x0]  }
0x2: {  	s6 =	rddreg [dreg:$0x1]  }
0x3: {  	s1 =	rddreg [dreg:$0x2]  }
0x4: {  	s2 =	srdreg.scid;
	s0 =	rddreg [dreg:$0x3];
	s3 =	simm.s32 $0x0  }
0x5: {  	s14 =	simm.s32 $0x9E00;
	s15 =	simm.s32 $0x80;
	s16 =	simm.s32 $0xDE00  }
0x6: {  	s17 =	simm.s32 $0x1;
	s18 =	simm.s32 $0x9D00;
	s13 =	sand.u32 $0x1, s2  }
0x7: {  	s19 =	simm.s32 $0x2;
	s2 =	stileid.u32;
	s7 =	smul.u32 $0x14000, s13  }
0x8: {  	s20 =	simm.s32 $0x9D80;
	s23 =	simm.s32 $0x0;
	s8 =	smul.u32 $0x1400, s2  }
0x9: {  	[smem:$0x7FF] =	sst s3;
	s4 =	sadd.s32 $0x3C00, s6;
	s29 =	smul.u32 $0x4E80, s2  }
0xa: {  	_ =	strace $0x8000004A;
	s30 =	ssub.s32 $0x2, s13;
	s31 =	smul.u32 $0x29000, s2  }
0xb: {  	s11 =	smul.u32 $0x28000, s2;
	v0 =	vmov s13;
	s13 =	simm.s32 $0x4E80;
	s21 =	sshll.u32 s2, $0x6  }
0xc: {  	s9 =	sshrl.u32 s30, $0x1;
	s21 =	sor.u32 $0x1C03, s21;
	s7 =	sadd.s32 s8, s7  }
0xd: {  	s8 =	sshrl.u32 s29, $0x3;
	s12 =	ssub.s32 s30, s9;
	s11 =	sshrl.u32 s11, $0x2  }
0xe: {  	s10 =	sadd.s32 s7, s6;
	s5 =	sadd.s32 s5, s8;
	s7 =	sshrl.u32 s31, $0x2  }
0xf: {  	v0 =	vmul.u32 $0x1400, v0;
	s22 =	sadd.s32 s11, s1;
	s11 =	smax.u32 s12, $0x1;
	s12 =	simm.s32 $0x3  }
0x10: {  	s6 =	sadd.s32 $0x9D00, s5;
	s7 =	sadd.s32 s7, s1;
	s10 =	sadd.s32 $0x7BC00, s10  }
0x11: {  	v1 =	vimm.f32 $0.0e+00;
	v0 =	vbroadcast v0, $0x0;
	s22 =	sshrl.u32 s22, $0x3;
	s8 =	sadd.s32 $0x4000, s7;
	s9 =	sadd.s32 $0x8000, s7  }
.LBB2_1:
0x12: {  	[tilespmem:s3], [sflag:$0x3] =	stream.linear.gather [hbm4b:s5+s3], $0x4E80, $0x38;
	[tilespmem:$0x1C200] =	vst v63  }
0x13: {  	_ =	swait.ge [sflag:s12], $0x4E80  }
0x14: {  	[sflag:s12] =	ssyncset.done $0x0  }
0x15: {  	[sflag:s12] =	ssyncadd.s32 $0xFFFFB180  }
0x16: {  	[tilespmem:s13], [sflag:$0x3] =	stream.linear.gather [hbm4b:s6+s3], $0x4E80, $0x38;
	[tilespmem:$0x1C200] =	vst v63  }
0x17: {  	_ =	swait.ge [sflag:s12], $0x4E80  }
0x18: {  	[sflag:s12] =	ssyncset.done $0x0  }
0x19: {  	s24 =	simm.s32 $0x0;
	s25 =	simm.s32 $0x200;
	[sflag:s12] =	ssyncadd.s32 $0xFFFFB180  }
.LBB2_2:
0x1a: {  	p0 =	sne.s32 s25, $0xFE00;
	[tilespmem:s24+$0x9E70] =	vst v1  }
0x1b: {  	[tilespmem:s24+$0x9E00] =	vst v1  }
0x1c: {  	[tilespmem:s24+$0x9E10] =	vst v1  }
.Ltmp0:
0x1d: {  	[tilespmem:s24+$0x9E20] =	vst v1;
	(pc) =	sbr.rel @p0 .LBB2_2-.Ltmp0, $4  }
0x1e: {  	[tilespmem:s24+$0x9E30] =	vst v1  }
0x1f: {  	[tilespmem:s24+$0x9E40] =	vst v1  }
0x20: {  	[tilespmem:s24+$0x9E50] =	vst v1  }
0x21: {  	[tilespmem:s24+$0x9E60] =	vst v1;
	s24 =	sshra.s32 s25, $0x2;
	s25 =	sadd.s32 $0x200, s25  }
0x22: {  	[tilespmem:s24+$0x9E70] =	vst v1  }
0x23: {  	[tilespmem:s24+$0x9E00] =	vst v1  }
0x24: {  	[tilespmem:s24+$0x9E10] =	vst v1  }
0x25: {  	[tilespmem:s24+$0x9E20] =	vst v1  }
0x26: {  	[tilespmem:s24+$0x9E30] =	vst v1  }
0x27: {  	[tilespmem:s24+$0x9E40] =	vst v1  }
0x28: {  	[tilespmem:s24+$0x9E50] =	vst v1  }
0x29: {  	[tilespmem:s24+$0x9E60] =	vst v1  }
0x2a: {  	[spmem:s7] =	stream.linear.scatter [tilespmem:s14], [sflag:$0x3], $0x4000, $0x38;
	[tilespmem:$0x1C200] =	vst v63  }
0x2b: {  	_ =	swait.ge [sflag:s12], $0x4000  }
0x2c: {  	[sflag:s12] =	ssyncset.done $0x0  }
0x2d: {  	[sflag:s12] =	ssyncadd.s32 $0xFFFFC000  }
0x2e: {  	[spmem:s8] =	stream.linear.scatter [tilespmem:s14], [sflag:$0x3], $0x4000, $0x38;
	[tilespmem:$0x1C200] =	vst v63  }
0x2f: {  	_ =	swait.ge [sflag:s12], $0x4000  }
0x30: {  	[sflag:s12] =	ssyncset.done $0x0  }
0x31: {  	[sflag:s12] =	ssyncadd.s32 $0xFFFFC000  }
0x32: {  	[spmem:s9] =	stream.linear.scatter [tilespmem:s14], [sflag:$0x3], $0x2400, $0x38;
	[tilespmem:$0x1C200] =	vst v63  }
0x33: {  	_ =	swait.ge [sflag:s12], $0x2400  }
0x34: {  	[sflag:s12] =	ssyncset.done $0x0  }
0x35: {  	[sflag:s12] =	ssyncadd.s32 $0xFFFFDC00  }
0x36: {  	s30 =	simm.s32 $0x0;
	[bflag:$0x0] =	sbarrier.arrive $0xFFFF  }
0x37: {  	[tilespmem:s14], [sflag:$0x1] =	stream.indirect.gather [hbm4b:s4+s15], $0x80, s30, s15, $0xb8;
	[tilespmem:$0x1C200] =	vst v63  }
0x38: {  	s31 =	simm.s32 $0x0;
	s25 =	simm.s32 $0x4E80  }
0x39: {  	[tilespmem:s16], [sflag:$0x2] =	stream.indirect.gather [hbm4b:s4+s15], $0x80, s25, s15, $0xb8;
	[tilespmem:$0x1C200] =	vst v63  }
0x3a: {  	v2 =	vld [tilespmem:s31+$0x4E80];
	_ =	sdelay $0x4  }
0x3b: {  	v3 =	vsub.s32 v2, v0;
	v2 =	vand.u32 $0x7F, v2  }
0x3c: {  	vm0 =	vlt.u32 v3, $0x1400;
	v2 =	vor.u32 $0x1400, v2  }
0x3d: {  	v2 =	vsel vm0, v3, v2  }
0x3e: {  	[tilespmem:$0x9D00] =	vst v2  }
0x3f: {  	v2 =	vld [tilespmem:s31+$0x4E90];
	_ =	sdelay $0x4  }
0x40: {  	v3 =	vsub.s32 v2, v0;
	v2 =	vand.u32 $0x7F, v2  }
0x41: {  	vm13 =	vlt.u32 v3, $0x1400;
	v2 =	vor.u32 $0x1400, v2  }
0x42: {  	v2 =	vsel vm13, v3, v2  }
0x43: {  	[tilespmem:$0x9D10] =	vst v2  }
0x44: {  	v2 =	vld [tilespmem:s31+$0x4EA0];
	_ =	sdelay $0x4  }
0x45: {  	v3 =	vsub.s32 v2, v0;
	v2 =	vand.u32 $0x7F, v2  }
0x46: {  	vm14 =	vlt.u32 v3, $0x1400;
	v2 =	vor.u32 $0x1400, v2  }
0x47: {  	v2 =	vsel vm14, v3, v2  }
0x48: {  	[tilespmem:$0x9D20] =	vst v2  }
0x49: {  	v2 =	vld [tilespmem:s31+$0x4EB0];
	_ =	sdelay $0x4  }
0x4a: {  	v3 =	vsub.s32 v2, v0;
	v2 =	vand.u32 $0x7F, v2  }
0x4b: {  	vm15 =	vlt.u32 v3, $0x1400;
	v2 =	vor.u32 $0x1400, v2  }
0x4c: {  	v2 =	vsel vm15, v3, v2  }
0x4d: {  	[tilespmem:$0x9D30] =	vst v2  }
0x4e: {  	v2 =	vld [tilespmem:s31+$0x4EC0];
	_ =	sdelay $0x4  }
0x4f: {  	v3 =	vsub.s32 v2, v0;
	v2 =	vand.u32 $0x7F, v2  }
0x50: {  	vm4 =	vlt.u32 v3, $0x1400;
	v2 =	vor.u32 $0x1400, v2  }
0x51: {  	v2 =	vsel vm4, v3, v2  }
0x52: {  	[tilespmem:$0x9D40] =	vst v2  }
0x53: {  	v2 =	vld [tilespmem:s31+$0x4ED0];
	_ =	sdelay $0x4  }
0x54: {  	v3 =	vsub.s32 v2, v0;
	v2 =	vand.u32 $0x7F, v2  }
0x55: {  	vm5 =	vlt.u32 v3, $0x1400;
	v2 =	vor.u32 $0x1400, v2  }
0x56: {  	v2 =	vsel vm5, v3, v2  }
0x57: {  	[tilespmem:$0x9D50] =	vst v2  }
0x58: {  	v2 =	vld [tilespmem:s31+$0x4EE0];
	_ =	sdelay $0x4  }
0x59: {  	v3 =	vsub.s32 v2, v0;
	v2 =	vand.u32 $0x7F, v2  }
0x5a: {  	vm6 =	vlt.u32 v3, $0x1400;
	v2 =	vor.u32 $0x1400, v2  }
0x5b: {  	v2 =	vsel vm6, v3, v2  }
0x5c: {  	[tilespmem:$0x9D60] =	vst v2  }
0x5d: {  	v2 =	vld [tilespmem:s31+$0x4EF0];
	_ =	sdelay $0x4  }
0x5e: {  	v3 =	vsub.s32 v2, v0;
	v2 =	vand.u32 $0x7F, v2  }
0x5f: {  	vm7 =	vlt.u32 v3, $0x1400;
	v2 =	vor.u32 $0x1400, v2  }
0x60: {  	v2 =	vsel vm7, v3, v2  }
0x61: {  	[tilespmem:$0x9D70] =	vst v2  }
0x62: {  	_ =	swait.ge [sflag:s17], $0x4000  }
0x63: {  	[sflag:s17] =	ssyncset.done $0x0  }
0x64: {  	[sflag:s17] =	ssyncadd.s32 $0xFFFFC000  }
0x65: {  	[spmem:s1] =	stream.indirect.scatter.add.f32 [tilespmem:s14], [sflag:$0x3], $0x80, s18, s15, $0xb8;
	[tilespmem:$0x1C200] =	vst v63  }
0x66: {  	p0 =	por $0x0, $0x0;
	_ =	swait.ge [sflag:s12], $0x4000  }
0x67: {  	s26 =	simm.s32 @!p0 $0x80;
	[sflag:s12] =	ssyncset.done $0x0  }
0x68: {  	s28 =	simm.s32 @!p0 $0x80;
	s25 =	simm.s32 @!p0 $0x9E00;
	[sflag:s12] =	ssyncadd.s32 $0xFFFFC000  }
0x69: {  	[tilespmem:s25], [sflag:$0x1] =	stream.indirect.gather @!p0 [hbm4b:s4+s28], $0x80, s26, s28, $0xb8;
	[tilespmem:$0x1C200] =	vst v63  }
0x6a: {  	v2 =	vld [tilespmem:s31+$0x0];
	_ =	sdelay $0x4  }
0x6b: {  	v3 =	vsub.s32 v2, v0;
	v2 =	vand.u32 $0x7F, v2  }
0x6c: {  	vm8 =	vlt.u32 v3, $0x1400;
	v2 =	vor.u32 $0x1400, v2  }
0x6d: {  	v2 =	vsel vm8, v3, v2  }
0x6e: {  	[tilespmem:$0x9D80] =	vst v2  }
0x6f: {  	v2 =	vld [tilespmem:s31+$0x10];
	_ =	sdelay $0x4  }
0x70: {  	v3 =	vsub.s32 v2, v0;
	v2 =	vand.u32 $0x7F, v2  }
0x71: {  	vm9 =	vlt.u32 v3, $0x1400;
	v2 =	vor.u32 $0x1400, v2  }
0x72: {  	v2 =	vsel vm9, v3, v2  }
0x73: {  	[tilespmem:$0x9D90] =	vst v2  }
0x74: {  	v2 =	vld [tilespmem:s31+$0x20];
	_ =	sdelay $0x4  }
0x75: {  	v3 =	vsub.s32 v2, v0;
	v2 =	vand.u32 $0x7F, v2  }
0x76: {  	vm10 =	vlt.u32 v3, $0x1400;
	v2 =	vor.u32 $0x1400, v2  }
0x77: {  	v2 =	vsel vm10, v3, v2  }
0x78: {  	[tilespmem:$0x9DA0] =	vst v2  }
0x79: {  	v2 =	vld [tilespmem:s31+$0x30];
	_ =	sdelay $0x4  }
0x7a: {  	v3 =	vsub.s32 v2, v0;
	v2 =	vand.u32 $0x7F, v2  }
0x7b: {  	vm11 =	vlt.u32 v3, $0x1400;
	v2 =	vor.u32 $0x1400, v2  }
0x7c: {  	v2 =	vsel vm11, v3, v2  }
0x7d: {  	[tilespmem:$0x9DB0] =	vst v2  }
0x7e: {  	v2 =	vld [tilespmem:s31+$0x40];
	_ =	sdelay $0x4  }
0x7f: {  	v3 =	vsub.s32 v2, v0;
	v2 =	vand.u32 $0x7F, v2  }
0x80: {  	vm12 =	vlt.u32 v3, $0x1400;
	v2 =	vor.u32 $0x1400, v2  }
0x81: {  	v2 =	vsel vm12, v3, v2  }
0x82: {  	[tilespmem:$0x9DC0] =	vst v2  }
0x83: {  	v2 =	vld [tilespmem:s31+$0x50];
	_ =	sdelay $0x4  }
0x84: {  	v3 =	vsub.s32 v2, v0;
	v2 =	vand.u32 $0x7F, v2  }
0x85: {  	vm13 =	vlt.u32 v3, $0x1400;
	v2 =	vor.u32 $0x1400, v2  }
0x86: {  	v2 =	vsel vm13, v3, v2  }
0x87: {  	[tilespmem:$0x9DD0] =	vst v2  }
0x88: {  	v2 =	vld [tilespmem:s31+$0x60];
	_ =	sdelay $0x4  }
0x89: {  	v3 =	vsub.s32 v2, v0;
	v2 =	vand.u32 $0x7F, v2  }
0x8a: {  	vm14 =	vlt.u32 v3, $0x1400;
	v2 =	vor.u32 $0x1400, v2  }
0x8b: {  	v2 =	vsel vm14, v3, v2  }
0x8c: {  	[tilespmem:$0x9DE0] =	vst v2  }
0x8d: {  	v2 =	vld [tilespmem:s31+$0x70];
	_ =	sdelay $0x4  }
0x8e: {  	v3 =	vsub.s32 v2, v0;
	v2 =	vand.u32 $0x7F, v2  }
0x8f: {  	vm15 =	vlt.u32 v3, $0x1400;
	v2 =	vor.u32 $0x1400, v2  }
0x90: {  	v2 =	vsel vm15, v3, v2  }
0x91: {  	[tilespmem:$0x9DF0] =	vst v2  }
0x92: {  	_ =	swait.ge [sflag:s19], $0x4000  }
0x93: {  	[sflag:s19] =	ssyncset.done $0x0  }
0x94: {  	[sflag:s19] =	ssyncadd.s32 $0xFFFFC000  }
0x95: {  	[spmem:s1] =	stream.indirect.scatter.add.f32 [tilespmem:s16], [sflag:$0x3], $0x80, s20, s15, $0xb8;
	[tilespmem:$0x1C200] =	vst v63  }
0x96: {  	s24 =	simm.s32 $0x80;
	_ =	swait.ge [sflag:s12], $0x4000  }
0x97: {  	s25 =	simm.s32 $0x200;
	s26 =	simm.s32 $0x400;
	[sflag:s12] =	ssyncset.done $0x0  }
.LBB2_4:
0x98: {  	s29 =	sadd.s32 $0x4E80, s24  }
0x99: {  	[sflag:s12] =	ssyncadd.s32 $0xFFFFC000;
	s28 =	smov.u32 s26;
	s26 =	sadd.s32 $0x200, s26  }
0x9a: {  	[tilespmem:s16], [sflag:$0x2] =	stream.indirect.gather [hbm4b:s4+s15], $0x80, s29, s15, $0xb8;
	[tilespmem:$0x1C200] =	vst v63  }
0x9b: {  	p0 =	sne.s32 s26, $0x13A00;
	v2 =	vld [tilespmem:s24+$0x4E80];
	_ =	sdelay $0x4  }
0x9c: {  	v3 =	vsub.s32 v2, v0;
	v2 =	vand.u32 $0x7F, v2  }
0x9d: {  	vm0 =	vlt.u32 v3, $0x1400;
	v2 =	vor.u32 $0x1400, v2  }
0x9e: {  	v2 =	vsel vm0, v3, v2  }
0x9f: {  	[tilespmem:$0x9D00] =	vst v2  }
0xa0: {  	v2 =	vld [tilespmem:s24+$0x4E90];
	_ =	sdelay $0x4  }
0xa1: {  	v3 =	vsub.s32 v2, v0;
	v2 =	vand.u32 $0x7F, v2  }
0xa2: {  	vm0 =	vlt.u32 v3, $0x1400;
	v2 =	vor.u32 $0x1400, v2  }
0xa3: {  	v2 =	vsel vm0, v3, v2  }
0xa4: {  	[tilespmem:$0x9D10] =	vst v2  }
0xa5: {  	v2 =	vld [tilespmem:s24+$0x4EA0];
	_ =	sdelay $0x4  }
0xa6: {  	v3 =	vsub.s32 v2, v0;
	v2 =	vand.u32 $0x7F, v2  }
0xa7: {  	vm0 =	vlt.u32 v3, $0x1400;
	v2 =	vor.u32 $0x1400, v2  }
0xa8: {  	v2 =	vsel vm0, v3, v2  }
0xa9: {  	[tilespmem:$0x9D20] =	vst v2  }
0xaa: {  	v2 =	vld [tilespmem:s24+$0x4EB0];
	_ =	sdelay $0x4  }
0xab: {  	v3 =	vsub.s32 v2, v0;
	v2 =	vand.u32 $0x7F, v2  }
0xac: {  	vm0 =	vlt.u32 v3, $0x1400;
	v2 =	vor.u32 $0x1400, v2  }
0xad: {  	v2 =	vsel vm0, v3, v2  }
0xae: {  	[tilespmem:$0x9D30] =	vst v2  }
0xaf: {  	v2 =	vld [tilespmem:s24+$0x4EC0];
	_ =	sdelay $0x4  }
0xb0: {  	v3 =	vsub.s32 v2, v0;
	v2 =	vand.u32 $0x7F, v2  }
0xb1: {  	vm0 =	vlt.u32 v3, $0x1400;
	v2 =	vor.u32 $0x1400, v2  }
0xb2: {  	v2 =	vsel vm0, v3, v2  }
0xb3: {  	[tilespmem:$0x9D40] =	vst v2  }
0xb4: {  	v2 =	vld [tilespmem:s24+$0x4ED0];
	_ =	sdelay $0x4  }
0xb5: {  	v3 =	vsub.s32 v2, v0;
	v2 =	vand.u32 $0x7F, v2  }
0xb6: {  	vm0 =	vlt.u32 v3, $0x1400;
	v2 =	vor.u32 $0x1400, v2  }
0xb7: {  	v2 =	vsel vm0, v3, v2  }
0xb8: {  	[tilespmem:$0x9D50] =	vst v2  }
0xb9: {  	v2 =	vld [tilespmem:s24+$0x4EE0];
	_ =	sdelay $0x4  }
0xba: {  	v3 =	vsub.s32 v2, v0;
	v2 =	vand.u32 $0x7F, v2  }
0xbb: {  	vm0 =	vlt.u32 v3, $0x1400;
	v2 =	vor.u32 $0x1400, v2  }
0xbc: {  	v2 =	vsel vm0, v3, v2  }
0xbd: {  	[tilespmem:$0x9D60] =	vst v2  }
0xbe: {  	v2 =	vld [tilespmem:s24+$0x4EF0];
	_ =	sdelay $0x4  }
0xbf: {  	v3 =	vsub.s32 v2, v0;
	v2 =	vand.u32 $0x7F, v2  }
0xc0: {  	vm0 =	vlt.u32 v3, $0x1400;
	v2 =	vor.u32 $0x1400, v2  }
0xc1: {  	v2 =	vsel vm0, v3, v2  }
0xc2: {  	[tilespmem:$0x9D70] =	vst v2  }
0xc3: {  	_ =	swait.ge [sflag:s17], $0x4000  }
0xc4: {  	[sflag:s17] =	ssyncset.done $0x0  }
0xc5: {  	[sflag:s17] =	ssyncadd.s32 $0xFFFFC000  }
0xc6: {  	[spmem:s1] =	stream.indirect.scatter.add.f32 [tilespmem:s14], [sflag:$0x3], $0x80, s18, s15, $0xb8;
	[tilespmem:$0x1C200] =	vst v63  }
0xc7: {  	p1 =	seq.s32 s25, $0x13800;
	_ =	swait.ge [sflag:s12], $0x4000  }
0xc8: {  	s25 =	sshra.s32 @!p1 s25, $0x2;
	s29 =	simm.s32 @!p1 $0x9E00;
	[sflag:s12] =	ssyncset.done $0x0  }
0xc9: {  	s30 =	simm.s32 @!p1 $0x80;
	s25 =	sadd.s32 @!p1 $0x80, s25;
	[sflag:s12] =	ssyncadd.s32 $0xFFFFC000  }
0xca: {  	[tilespmem:s29], [sflag:$0x1] =	stream.indirect.gather @!p1 [hbm4b:s4+s30], $0x80, s25, s30, $0xb8;
	[tilespmem:$0x1C200] =	vst v63  }
0xcb: {  	s25 =	smov.u32 s28;
	v2 =	vld [tilespmem:s24+$0x0];
	_ =	sdelay $0x4  }
0xcc: {  	v3 =	vsub.s32 v2, v0;
	v2 =	vand.u32 $0x7F, v2  }
0xcd: {  	vm0 =	vlt.u32 v3, $0x1400;
	v2 =	vor.u32 $0x1400, v2  }
0xce: {  	v2 =	vsel vm0, v3, v2  }
0xcf: {  	[tilespmem:$0x9D80] =	vst v2  }
0xd0: {  	v2 =	vld [tilespmem:s24+$0x10];
	_ =	sdelay $0x4  }
0xd1: {  	v3 =	vsub.s32 v2, v0;
	v2 =	vand.u32 $0x7F, v2  }
0xd2: {  	vm0 =	vlt.u32 v3, $0x1400;
	v2 =	vor.u32 $0x1400, v2  }
0xd3: {  	v2 =	vsel vm0, v3, v2  }
0xd4: {  	[tilespmem:$0x9D90] =	vst v2  }
0xd5: {  	v2 =	vld [tilespmem:s24+$0x20];
	_ =	sdelay $0x4  }
0xd6: {  	v3 =	vsub.s32 v2, v0;
	v2 =	vand.u32 $0x7F, v2  }
0xd7: {  	vm0 =	vlt.u32 v3, $0x1400;
	v2 =	vor.u32 $0x1400, v2  }
0xd8: {  	v2 =	vsel vm0, v3, v2  }
0xd9: {  	[tilespmem:$0x9DA0] =	vst v2  }
0xda: {  	v2 =	vld [tilespmem:s24+$0x30];
	_ =	sdelay $0x4  }
0xdb: {  	v3 =	vsub.s32 v2, v0;
	v2 =	vand.u32 $0x7F, v2  }
0xdc: {  	vm0 =	vlt.u32 v3, $0x1400;
	v2 =	vor.u32 $0x1400, v2  }
0xdd: {  	v2 =	vsel vm0, v3, v2  }
0xde: {  	[tilespmem:$0x9DB0] =	vst v2  }
0xdf: {  	v2 =	vld [tilespmem:s24+$0x40];
	_ =	sdelay $0x4  }
0xe0: {  	v3 =	vsub.s32 v2, v0;
	v2 =	vand.u32 $0x7F, v2  }
0xe1: {  	vm0 =	vlt.u32 v3, $0x1400;
	v2 =	vor.u32 $0x1400, v2  }
0xe2: {  	v2 =	vsel vm0, v3, v2  }
0xe3: {  	[tilespmem:$0x9DC0] =	vst v2  }
0xe4: {  	v2 =	vld [tilespmem:s24+$0x50];
	_ =	sdelay $0x4  }
0xe5: {  	v3 =	vsub.s32 v2, v0;
	v2 =	vand.u32 $0x7F, v2  }
0xe6: {  	vm0 =	vlt.u32 v3, $0x1400;
	v2 =	vor.u32 $0x1400, v2  }
0xe7: {  	v2 =	vsel vm0, v3, v2  }
0xe8: {  	[tilespmem:$0x9DD0] =	vst v2  }
0xe9: {  	v2 =	vld [tilespmem:s24+$0x60];
	_ =	sdelay $0x4  }
0xea: {  	v3 =	vsub.s32 v2, v0;
	v2 =	vand.u32 $0x7F, v2  }
0xeb: {  	vm0 =	vlt.u32 v3, $0x1400;
	v2 =	vor.u32 $0x1400, v2  }
0xec: {  	v2 =	vsel vm0, v3, v2  }
0xed: {  	[tilespmem:$0x9DE0] =	vst v2  }
0xee: {  	v2 =	vld [tilespmem:s24+$0x70];
	_ =	sdelay $0x4  }
0xef: {  	v3 =	vsub.s32 v2, v0;
	v2 =	vand.u32 $0x7F, v2  }
0xf0: {  	vm0 =	vlt.u32 v3, $0x1400;
	v2 =	vor.u32 $0x1400, v2  }
0xf1: {  	v2 =	vsel vm0, v3, v2  }
0xf2: {  	[tilespmem:$0x9DF0] =	vst v2  }
0xf3: {  	_ =	swait.ge [sflag:s19], $0x4000  }
.Ltmp1:
0xf4: {  	[sflag:s19] =	ssyncset.done $0x0;
	(pc) =	sbr.rel @p0 .LBB2_4-.Ltmp1, $4  }
0xf5: {  	[sflag:s19] =	ssyncadd.s32 $0xFFFFC000  }
0xf6: {  	[spmem:s1] =	stream.indirect.scatter.add.f32 [tilespmem:s16], [sflag:$0x3], $0x80, s20, s15, $0xb8;
	[tilespmem:$0x1C200] =	vst v63  }
0xf7: {  	_ =	swait.ge [sflag:s12], $0x4000  }
0xf8: {  	s24 =	sshra.s32 s25, $0x2;
	[sflag:s12] =	ssyncset.done $0x0  }
0xf9: {  	s26 =	sadd.s32 $0x4E80, s24;
	[sflag:s12] =	ssyncadd.s32 $0xFFFFC000  }
0xfa: {  	[tilespmem:s16], [sflag:$0x2] =	stream.indirect.gather [hbm4b:s4+s15], $0x80, s26, s15, $0xb8;
	[tilespmem:$0x1C200] =	vst v63  }
0xfb: {  	v2 =	vld [tilespmem:s24+$0x4E80];
	_ =	sdelay $0x4  }
0xfc: {  	v3 =	vsub.s32 v2, v0;
	v2 =	vand.u32 $0x7F, v2  }
0xfd: {  	vm0 =	vlt.u32 v3, $0x1400;
	v2 =	vor.u32 $0x1400, v2  }
0xfe: {  	v2 =	vsel vm0, v3, v2  }
0xff: {  	[tilespmem:$0x9D00] =	vst v2  }
0x100: {  	v2 =	vld [tilespmem:s24+$0x4E90];
	_ =	sdelay $0x4  }
0x101: {  	v3 =	vsub.s32 v2, v0;
	v2 =	vand.u32 $0x7F, v2  }
0x102: {  	vm13 =	vlt.u32 v3, $0x1400;
	v2 =	vor.u32 $0x1400, v2  }
0x103: {  	v2 =	vsel vm13, v3, v2  }
0x104: {  	[tilespmem:$0x9D10] =	vst v2  }
0x105: {  	v2 =	vld [tilespmem:s24+$0x4EA0];
	_ =	sdelay $0x4  }
0x106: {  	v3 =	vsub.s32 v2, v0;
	v2 =	vand.u32 $0x7F, v2  }
0x107: {  	vm14 =	vlt.u32 v3, $0x1400;
	v2 =	vor.u32 $0x1400, v2  }
0x108: {  	v2 =	vsel vm14, v3, v2  }
0x109: {  	[tilespmem:$0x9D20] =	vst v2  }
0x10a: {  	v2 =	vld [tilespmem:s24+$0x4EB0];
	_ =	sdelay $0x4  }
0x10b: {  	v3 =	vsub.s32 v2, v0;
	v2 =	vand.u32 $0x7F, v2  }
0x10c: {  	vm15 =	vlt.u32 v3, $0x1400;
	v2 =	vor.u32 $0x1400, v2  }
0x10d: {  	v2 =	vsel vm15, v3, v2  }
0x10e: {  	[tilespmem:$0x9D30] =	vst v2  }
0x10f: {  	v2 =	vld [tilespmem:s24+$0x4EC0];
	_ =	sdelay $0x4  }
0x110: {  	v3 =	vsub.s32 v2, v0;
	v2 =	vand.u32 $0x7F, v2  }
0x111: {  	vm4 =	vlt.u32 v3, $0x1400;
	v2 =	vor.u32 $0x1400, v2  }
0x112: {  	v2 =	vsel vm4, v3, v2  }
0x113: {  	[tilespmem:$0x9D40] =	vst v2  }
0x114: {  	v2 =	vld [tilespmem:s24+$0x4ED0];
	_ =	sdelay $0x4  }
0x115: {  	v3 =	vsub.s32 v2, v0;
	v2 =	vand.u32 $0x7F, v2  }
0x116: {  	vm5 =	vlt.u32 v3, $0x1400;
	v2 =	vor.u32 $0x1400, v2  }
0x117: {  	v2 =	vsel vm5, v3, v2  }
0x118: {  	[tilespmem:$0x9D50] =	vst v2  }
0x119: {  	v2 =	vld [tilespmem:s24+$0x4EE0];
	_ =	sdelay $0x4  }
0x11a: {  	v3 =	vsub.s32 v2, v0;
	v2 =	vand.u32 $0x7F, v2  }
0x11b: {  	vm6 =	vlt.u32 v3, $0x1400;
	v2 =	vor.u32 $0x1400, v2  }
0x11c: {  	v2 =	vsel vm6, v3, v2  }
0x11d: {  	[tilespmem:$0x9D60] =	vst v2  }
0x11e: {  	v2 =	vld [tilespmem:s24+$0x4EF0];
	_ =	sdelay $0x4  }
0x11f: {  	v3 =	vsub.s32 v2, v0;
	v2 =	vand.u32 $0x7F, v2  }
0x120: {  	vm7 =	vlt.u32 v3, $0x1400;
	v2 =	vor.u32 $0x1400, v2  }
0x121: {  	v2 =	vsel vm7, v3, v2  }
0x122: {  	[tilespmem:$0x9D70] =	vst v2  }
0x123: {  	_ =	swait.ge [sflag:s17], $0x4000  }
0x124: {  	[sflag:s17] =	ssyncset.done $0x0  }
0x125: {  	[sflag:s17] =	ssyncadd.s32 $0xFFFFC000  }
0x126: {  	[spmem:s1] =	stream.indirect.scatter.add.f32 [tilespmem:s14], [sflag:$0x3], $0x80, s18, s15, $0xb8;
	[tilespmem:$0x1C200] =	vst v63  }
0x127: {  	p0 =	seq.s32 s25, $0x13800;
	_ =	swait.ge [sflag:s12], $0x4000  }
0x128: {  	s25 =	sshra.s32 @!p0 s25, $0x2;
	s26 =	simm.s32 @!p0 $0x9E00;
	[sflag:s12] =	ssyncset.done $0x0  }
0x129: {  	s28 =	simm.s32 @!p0 $0x80;
	s25 =	sadd.s32 @!p0 $0x80, s25;
	[sflag:s12] =	ssyncadd.s32 $0xFFFFC000  }
0x12a: {  	[tilespmem:s26], [sflag:$0x1] =	stream.indirect.gather @!p0 [hbm4b:s4+s28], $0x80, s25, s28, $0xb8;
	[tilespmem:$0x1C200] =	vst v63  }
0x12b: {  	v2 =	vld [tilespmem:s24+$0x0];
	_ =	sdelay $0x4  }
0x12c: {  	v3 =	vsub.s32 v2, v0;
	v2 =	vand.u32 $0x7F, v2  }
0x12d: {  	vm8 =	vlt.u32 v3, $0x1400;
	v2 =	vor.u32 $0x1400, v2  }
0x12e: {  	v2 =	vsel vm8, v3, v2  }
0x12f: {  	[tilespmem:$0x9D80] =	vst v2  }
0x130: {  	v2 =	vld [tilespmem:s24+$0x10];
	_ =	sdelay $0x4  }
0x131: {  	v3 =	vsub.s32 v2, v0;
	v2 =	vand.u32 $0x7F, v2  }
0x132: {  	vm9 =	vlt.u32 v3, $0x1400;
	v2 =	vor.u32 $0x1400, v2  }
0x133: {  	v2 =	vsel vm9, v3, v2  }
0x134: {  	[tilespmem:$0x9D90] =	vst v2  }
0x135: {  	v2 =	vld [tilespmem:s24+$0x20];
	_ =	sdelay $0x4  }
0x136: {  	v3 =	vsub.s32 v2, v0;
	v2 =	vand.u32 $0x7F, v2  }
0x137: {  	vm10 =	vlt.u32 v3, $0x1400;
	v2 =	vor.u32 $0x1400, v2  }
0x138: {  	v2 =	vsel vm10, v3, v2  }
0x139: {  	[tilespmem:$0x9DA0] =	vst v2  }
0x13a: {  	v2 =	vld [tilespmem:s24+$0x30];
	_ =	sdelay $0x4  }
0x13b: {  	v3 =	vsub.s32 v2, v0;
	v2 =	vand.u32 $0x7F, v2  }
0x13c: {  	vm11 =	vlt.u32 v3, $0x1400;
	v2 =	vor.u32 $0x1400, v2  }
0x13d: {  	v2 =	vsel vm11, v3, v2  }
0x13e: {  	[tilespmem:$0x9DB0] =	vst v2  }
0x13f: {  	v2 =	vld [tilespmem:s24+$0x40];
	_ =	sdelay $0x4  }
0x140: {  	v3 =	vsub.s32 v2, v0;
	v2 =	vand.u32 $0x7F, v2  }
0x141: {  	vm12 =	vlt.u32 v3, $0x1400;
	v2 =	vor.u32 $0x1400, v2  }
0x142: {  	v2 =	vsel vm12, v3, v2  }
0x143: {  	[tilespmem:$0x9DC0] =	vst v2  }
0x144: {  	v2 =	vld [tilespmem:s24+$0x50];
	_ =	sdelay $0x4  }
0x145: {  	v3 =	vsub.s32 v2, v0;
	v2 =	vand.u32 $0x7F, v2  }
0x146: {  	vm13 =	vlt.u32 v3, $0x1400;
	v2 =	vor.u32 $0x1400, v2  }
0x147: {  	v2 =	vsel vm13, v3, v2  }
0x148: {  	[tilespmem:$0x9DD0] =	vst v2  }
0x149: {  	v2 =	vld [tilespmem:s24+$0x60];
	_ =	sdelay $0x4  }
0x14a: {  	v3 =	vsub.s32 v2, v0;
	v2 =	vand.u32 $0x7F, v2  }
0x14b: {  	vm14 =	vlt.u32 v3, $0x1400;
	v2 =	vor.u32 $0x1400, v2  }
0x14c: {  	v2 =	vsel vm14, v3, v2  }
0x14d: {  	[tilespmem:$0x9DE0] =	vst v2  }
0x14e: {  	v2 =	vld [tilespmem:s24+$0x70];
	_ =	sdelay $0x4  }
0x14f: {  	v3 =	vsub.s32 v2, v0;
	v2 =	vand.u32 $0x7F, v2  }
0x150: {  	vm15 =	vlt.u32 v3, $0x1400;
	v2 =	vor.u32 $0x1400, v2  }
0x151: {  	v2 =	vsel vm15, v3, v2  }
0x152: {  	[tilespmem:$0x9DF0] =	vst v2  }
0x153: {  	_ =	swait.ge [sflag:s19], $0x4000  }
0x154: {  	[sflag:s19] =	ssyncset.done $0x0  }
0x155: {  	[sflag:s19] =	ssyncadd.s32 $0xFFFFC000  }
0x156: {  	[spmem:s1] =	stream.indirect.scatter.add.f32 [tilespmem:s16], [sflag:$0x3], $0x80, s20, s15, $0xb8;
	[tilespmem:$0x1C200] =	vst v63  }
0x157: {  	_ =	swait.ge [sflag:s12], $0x4000  }
0x158: {  	s23 =	sadd.s32 $0x1, s23;
	[sflag:s12] =	ssyncset.done $0x0  }
0x159: {  	p0 =	sne.s32 s23, s11;
	[sflag:s12] =	ssyncadd.s32 $0xFFFFC000  }
.Ltmp2:
0x15a: {  	[bflag:$0x0] =	sbarrier.arrive $0xFFFF;
	(pc) =	sbr.rel @p0 .LBB2_1-.Ltmp2, $4  }
0x15b: {  	[hbm:s10], [sflag:s21] =	dma.local [spmem:s22], $0x1400  }
0x15c: {  	_ =	swait.ge [sflag:s12], $0x1400  }
0x15d: {  	[sflag:s12] =	ssyncset.done $0x0  }
0x15e: {  	[sflag:s12] =	ssyncadd.s32 $0xFFFFEC00  }
0x15f: {  	_ =	sfence.sel $0x180000  }
0x160: {  	[bflag:$0x0] =	sbarrier.arrive $0xFFFF  }
0x161: {  	p0 =	sne.s32 s2, $0x0;
	_ =	strace $0x9000004A  }
0x162: {  	s0 =	sadd.s32 @!p0 $0x100000, s0;
	[bflag:$0x2] =	sbarrier.arrive $0xFFFF  }
0x163: {  	[sflag:s0] =	ssyncadd.tile.s32 @!p0 $0x1;
	_ =	shalt  }
.Lfunc_end2:
_tile_overlayer_lowered:
.L_overlay_start_2:
0x164: {  	(tag) =	ssettag $0x2  }
0x165: {  	s0 =	rddreg [dreg:$0x0];
	s2 =	stileid.u32  }
0x166: {  	s1 =	rddreg [dreg:$0x1];
	p0 =	sne.s32 s2, $0x0  }
0x167: {  	s3 =	rddreg [dreg:$0x2];
	[bflag:$0x3] =	sbarrier.arrive $0xFFFF;
	s2 =	simm.s32 @!p0 $0x1C03  }
0x168: {  	[timem:s3], [sflag:s2] =	dma.local @!p0 [hbm:s0], s1  }
0x169: {  	s0 =	simm.s32 @!p0 $0x3  }
0x16a: {  	_ =	swait.ge @!p0 [sflag:s0], s1  }
0x16b: {  	s1 =	ssub.s32 @!p0 $0x0, s1;
	[sflag:s0] =	ssyncset.done @!p0 $0x0  }
0x16c: {  	[sflag:s0] =	ssyncadd.s32 @!p0 s1  }
0x16d: {  	[bflag:$0x3] =	sbarrier.arrive $0xFFFF  }
0x16e: {  	_ =	shalt  }

// kernel: kernel.14.cloned.1.call-start
scs
__scs_entry_jumppad:
0x0: {  	(pc) =	sbr.rel $0x88, $3  }
0x1: {  	(tag) =	ssettag $0x0;
	lr =	simm.s32 $0x1  }
0x2: {  	[smem:$0x3F99] =	sst lr;
	_ =	strace $0xD0000000  }
0x3: {  	_ = 	snop  }
0x4: {  	_ = 	snop  }
0x5: {  	_ = 	snop  }
0x6: {  	_ = 	snop  }
0x7: {  	_ = 	snop  }
__scs_overlays_trampoline_lowered:
0x8: {  	[smem:$0x3FA8] =	sst s0  }
0x9: {  	[smem:$0x3FA9] =	sst s1  }
0xa: {  	[smem:$0x3FAA] =	sst s2  }
0xb: {  	[smem:$0x3FAB] =	sst s3  }
0xc: {  	[smem:$0x3FAC] =	sst s4  }
0xd: {  	[smem:$0x3FAD] =	sst s5  }
0xe: {  	[smem:$0x3FAE] =	sst s6  }
0xf: {  	[smem:$0x3FAF] =	sst s7  }
0x10: {  	[smem:$0x3FB0] =	sst s8  }
0x11: {  	[smem:$0x3FB1] =	sst s9;
	s0 =	simm.s32 @!p0 $0x0  }
0x12: {  	s1 =	sld [smem:$0x3F97];
	s0 =	simm.s32 @p0 $0x1  }
0x13: {  	[smem:$0x3FB2] =	sst s0;
	s0 =	simm.s32 @!p1 $0x0  }
0x14: {  	s2 =	sld [smem:$0x3F96];
	s0 =	simm.s32 @p1 $0x1  }
0x15: {  	[smem:$0x3FB3] =	sst s0;
	s0 =	simm.s32 @!p2 $0x0  }
0x16: {  	s3 =	sld [smem:$0x3FDB];
	s0 =	simm.s32 @p2 $0x1  }
0x17: {  	s4 =	simm.s32 $0x1BF5;
	[smem:$0x3FB5] =	sst s0  }
0x18: {  	s0 =	sld [smem:$0x3F98];
	_ =	swait.ge [sflag:s4], $0x0  }
0x19: {  	s7 =	sld [smem:$0x3F99]  }
0x1a: {  	s8 =	sadd.s32 $0xFFFFE003, lr  }
0x1b: {  	s9 =	sadd.s32 $0xFFFFFEF7, lr;
	s5 =	simm.s32 $0xFFFFFFFF;
	p2 =	slt.u32 s8, $0xFFFFF086  }
0x1c: {  	p1 =	slt.u32 s9, $0xF7A;
	s5 =	simm.s32 @!p2 $0x0  }
0x1d: {  	s5 =	simm.s32 @p1 $0x1;
	p0 =	seq.s32 s7, s2  }
0x1e: {  	s7 =	smul.u32 @!p0 $0xF7A, s2;
	p2 =	seq.s32 @!p0 s5, $0x0  }
0x1f: {  	s9 =	smul.u32 $0xF7A, s1;
	s8 =	simm.s32 @!p0 $0x1BF5;
	p2 =	por !p2, p0  }
0x20: {  	[sflag:s8] =	ssyncset.s32 @!p0 $0xFFFFF086;
	s6 =	sadd.s32 @!p0 s3, s7;
	s7 =	simm.s32 @!p0 $0x108  }
0x21: {  	s3 =	sadd.s32 s3, s9;
	s6 =	sadd.s32 @!p0 $0x88, s6;
	s7 =	simm.s32 @p2 $0x1082  }
0x22: {  	[simem:s7], [sflag:s8] =	dma.local @!p0 [hbm:s6], $0xF7A  }
0x23: {  	s9 =	sor.u32 $0xD0000000, s2;
	s6 =	simm.s32 $0x108;
	_ =	swait.ge @!p0 [sflag:s8], $0x0  }
0x24: {  	s3 =	sadd.s32 $0x88, s3;
	s6 =	simm.s32 @!p1 $0x1082;
	[sflag:s4] =	ssyncset.s32 $0xFFFFF086  }
0x25: {  	[simem:s6], [sflag:s4] =	dma.local [hbm:s3], $0xF7A  }
0x26: {  	[smem:$0x3F99] =	sst s1;
	(tag) =	ssettag s2;
	_ =	strace s9  }
0x27: {  	s1 =	sld [smem:$0x3FA9]  }
0x28: {  	s2 =	sld [smem:$0x3FAA]  }
0x29: {  	s4 =	sld [smem:$0x3FAC]  }
0x2a: {  	p0 =	seq.s32 s5, $0x0;
	s5 =	sld [smem:$0x3FAD]  }
0x2b: {  	s6 =	sld [smem:$0x3FAE]  }
0x2c: {  	s7 =	sld [smem:$0x3FAF]  }
0x2d: {  	s3 =	simm.s32 $0x108;
	s8 =	sld [smem:$0x3FB0]  }
0x2e: {  	s3 =	simm.s32 @!p0 $0x1082;
	s9 =	sld [smem:$0x3FB1]  }
0x2f: {  	lr =	sadd.s32 s0, s3;
	s0 =	sld [smem:$0x3FA8]  }
0x30: {  	s3 =	sld [smem:$0x3FAB]  }
0x31: {  	[smem:$0x3FB4] =	sst s10  }
0x32: {  	s10 =	sld [smem:$0x3FB2];
	_ =	sdelay $0x3  }
0x33: {  	p0 =	seq.s32 s10, $0x1;
	s10 =	sld [smem:$0x3FB4];
	_ =	sdelay $0x3  }
0x34: {  	[smem:$0x3FB4] =	sst s10  }
0x35: {  	s10 =	sld [smem:$0x3FB3];
	_ =	sdelay $0x3  }
0x36: {  	p1 =	seq.s32 s10, $0x1;
	s10 =	sld [smem:$0x3FB4];
	_ =	sdelay $0x3  }
0x37: {  	[smem:$0x3FB4] =	sst s10  }
0x38: {  	s10 =	sld [smem:$0x3FB5]  }
0x39: {  	_ = 	snop;
	(pc) =	sbr.ind lr, $3  }
0x3a: {  	_ = 	snop  }
0x3b: {  	_ = 	snop  }
0x3c: {  	p2 =	seq.s32 s10, $0x1;
	s10 =	sld [smem:$0x3FB4]  }
0x3d: {  	_ =	shalt  }
0x3e: {  	_ =	shalt  }
0x3f: {  	_ =	shalt  }
0x40: {  	_ =	shalt  }
0x41: {  	_ =	shalt  }
0x42: {  	_ =	shalt  }
0x43: {  	_ =	shalt  }
0x44: {  	_ =	shalt  }
0x45: {  	_ =	shalt  }
0x46: {  	_ =	shalt  }
0x47: {  	_ =	shalt  }
0x48: {  	_ =	shalt  }
0x49: {  	_ =	shalt  }
0x4a: {  	_ =	shalt  }
0x4b: {  	_ =	shalt  }
0x4c: {  	_ =	shalt  }
0x4d: {  	_ =	shalt  }
0x4e: {  	_ =	shalt  }
0x4f: {  	_ =	shalt  }
0x50: {  	_ =	shalt  }
0x51: {  	_ =	shalt  }
0x52: {  	_ =	shalt  }
0x53: {  	_ =	shalt  }
0x54: {  	_ =	shalt  }
0x55: {  	_ =	shalt  }
0x56: {  	_ =	shalt  }
0x57: {  	_ =	shalt  }
0x58: {  	_ =	shalt  }
0x59: {  	_ =	shalt  }
0x5a: {  	_ =	shalt  }
0x5b: {  	_ =	shalt  }
0x5c: {  	_ =	shalt  }
0x5d: {  	_ =	shalt  }
0x5e: {  	_ =	shalt  }
0x5f: {  	_ =	shalt  }
0x60: {  	_ =	shalt  }
0x61: {  	_ =	shalt  }
0x62: {  	_ =	shalt  }
0x63: {  	_ =	shalt  }
0x64: {  	_ =	shalt  }
0x65: {  	_ =	shalt  }
0x66: {  	_ =	shalt  }
0x67: {  	_ =	shalt  }
0x68: {  	_ =	shalt  }
0x69: {  	_ =	shalt  }
0x6a: {  	_ =	shalt  }
0x6b: {  	_ =	shalt  }
0x6c: {  	_ =	shalt  }
0x6d: {  	_ =	shalt  }
0x6e: {  	_ =	shalt  }
0x6f: {  	_ =	shalt  }
0x70: {  	_ =	shalt  }
0x71: {  	_ =	shalt  }
0x72: {  	_ =	shalt  }
0x73: {  	_ =	shalt  }
0x74: {  	_ =	shalt  }
0x75: {  	_ =	shalt  }
0x76: {  	_ =	shalt  }
0x77: {  	_ =	shalt  }
0x78: {  	_ =	shalt  }
0x79: {  	_ =	shalt  }
0x7a: {  	_ =	shalt  }
0x7b: {  	_ =	shalt  }
0x7c: {  	_ =	shalt  }
0x7d: {  	_ =	shalt  }
0x7e: {  	_ =	shalt  }
0x7f: {  	_ =	shalt  }
0x80: {  	_ =	shalt  }
0x81: {  	_ =	shalt  }
0x82: {  	_ =	shalt  }
0x83: {  	_ =	shalt  }
0x84: {  	_ =	shalt  }
0x85: {  	_ =	shalt  }
0x86: {  	_ =	shalt  }
0x87: {  	_ =	shalt  }
.Lfunc_end0:
.L_simem_size_0:
called_computation.2_lowered:
.L_overlay_start_0:
0x88: {  	s2 =	sld [smem:$0x3FD9]  }
0x89: {  	s3 =	sld [smem:$0x3FFE];
	_ =	sdelay $0x1  }
0x8a: {  	s1 =	srdreg.scid  }
0x8b: {  	s0 =	sand.u32 $0x1, s1  }
0x8c: {  	s17 =	sshll.u32 s0, $0xA;
	s2 =	sadd.s32 s3, s2  }
0x8d: {  	s2 =	sadd.s32 s2, s17  }
0x8e: {  	[smem:$0x3FC0] =	sst s2  }
0x8f: {  	_ = 	snop  }
0x90: {  	s2 =	sld [smem:$0x3FD0];
	(tm) =	ssettm $0x1  }
0x91: {  	s18 =	sld [smem:$0x3FFB];
	_ =	sdelay $0x3  }
0x92: {  	_ =	strace s18  }
0x93: {  	s3 =	sld [smem:$0x3FFC];
	_ =	sdelay $0x3  }
0x94: {  	_ =	strace s3  }
0x95: {  	s3 =	sld [smem:$0x3FFD];
	_ =	sdelay $0x3  }
0x96: {  	_ =	strace s3  }
0x97: {  	_ =	strace $0x8FFFFFFF  }
0x98: {  	s19 =	sld [smem:$0x3FDB];
	_ =	sdelay $0x1  }
0x99: {  	s4 =	simm.s32 $_scs_section_size  }
0x9a: {  	s5 =	simm.s32 $_size__tile_overlayer_lowered;
	s6 =	simm.s32 $_tile_overlayer_lowered  }
0x9b: {  	s22 =	simm.s32 $0x1BFF;
	s21 =	sshll.u32 s6, $0x1;
	s3 =	sadd.s32 s4, s19  }
0x9c: {  	s7 =	simm.s32 $0x0;
	s20 =	sshll.u32 s5, $0x1;
	s5 =	sadd.s32 s21, s3  }
0x9d: {  	[timem:s7], [sflag:s22] =	dma.local [hbm:s5], s20  }
0x9e: {  	_ =	swait.ge [sflag:s22], s20  }
0x9f: {  	s4 =	ssub.s32 $0x0, s20;
	[sflag:s22] =	ssyncset.done $0x0  }
0xa0: {  	[sflag:s22] =	ssyncadd.s32 s4;
	_ =	sdelay $0x1  }
0xa1: {  	s23 =	simm.s32 $0x1B8B  }
0xa2: {  	_ =	swait.ge [sflag:s23], $0x1  }
0xa3: {  	[sflag:s23] =	ssyncset.done $0x0  }
0xa4: {  	s25 =	simm.s32 $0x1B8E;
	s24 =	sld [smem:$0x3FFE];
	[sflag:s23] =	ssyncadd.s32 $0xFFFFFFFF  }
0xa5: {  	s26 =	simm.s32 $execute0_lowered;
	[smem:$0x3FD2] =	sst s25  }
0xa6: {  	s5 =	sshll.u32 s26, $0x1;
	_ =	strace $0x8000004C;
	[dreg:$0x1] =	wrdreg $0xFFFFFFFF  }
0xa7: {  	s28 =	simm.s32 $_size_execute0_lowered;
	s3 =	sadd.s32 s3, s5;
	[dreg:$0x0] =	wrdreg $0x0  }
0xa8: {  	s5 =	sshll.u32 s28, $0x1;
	[dreg:$0x2] =	wrdreg s3  }
0xa9: {  	[dreg:$0x3] =	wrdreg s5  }
0xaa: {  	[dreg:$0x4] =	wrdreg $0xC0  }
0xab: {  	_ =	task [dreg:s7], $0x5FFFF  }
0xac: {  	[dreg:$0x1] =	wrdreg $0xFFFFFFFF  }
0xad: {  	[dreg:$0x0] =	wrdreg $0x60  }
0xae: {  	[dreg:$0x2] =	wrdreg s2  }
0xaf: {  	[dreg:$0x3] =	wrdreg s24  }
0xb0: {  	[dreg:$0x4] =	wrdreg $0x11E000  }
0xb1: {  	[dreg:$0x5] =	wrdreg $0x9  }
0xb2: {  	_ =	task.clear_ibuf [dreg:s7], $0x6FFFF;
	_ =	strace $0x9000004C  }
0xb3: {  	s29 =	simm.s32 $0x9;
	_ =	strace $0x8000004E  }
0xb4: {  	_ =	swait.ge [sflag:s29], $0x1  }
0xb5: {  	[sflag:s29] =	ssyncadd.s32 $0xFFFFFFFF  }
0xb6: {  	_ =	strace $0x9000004E  }
0xb7: {  	_ =	sfence  }
0xb8: {  	s30 =	sld [smem:$0x0];
	_ =	sdelay $0x2  }
0xb9: {  	s31 =	sshll.u32 s1, $0xD;
	s1 =	sshrl.u32 s1, $0x2  }
0xba: {  	s3 =	sand.u32 $0x4000, s31;
	s1 =	sadd.s32 s1, s30  }
0xbb: {  	s0 =	sor.u32 s3, s0;
	s1 =	sshll.u32 s1, $0x11  }
0xbc: {  	s0 =	sor.u32 s1, s0  }
0xbd: {  	s0 =	sadd.s32 $0x8F2B, s0  }
0xbe: {  	[sflag:s0] =	ssyncadd.remote.s32 $0x1  }
0xbf: {  	_ =	sfence.sel $0xFFFF  }
0xc0: {  	[dreg:$0x0] =	wrdreg $0xFFFFFFFF;
	(pc) =	sbr.abs _section_cstart, $3  }
0xc1: {  	[dreg:$0x1] =	wrdreg $0xFFFFFFFF  }
0xc2: {  	_ =	task.clear_ibuf [dreg:s7], $0x2FFFF;
	_ =	strace $0x9FFFFFFF  }
0xc3: {  	(tm) =	ssettm $0x7FFFFFFF  }
tec
execute0_lowered:
.L_overlay_start_1:
0x0: {  	(tag) =	ssettag $0x1  }
0x1: {  	s5 =	rddreg [dreg:$0x0]  }
0x2: {  	s6 =	rddreg [dreg:$0x1]  }
0x3: {  	s1 =	rddreg [dreg:$0x2]  }
0x4: {  	s2 =	srdreg.scid;
	s0 =	rddreg [dreg:$0x3];
	s3 =	simm.s32 $0x0  }
0x5: {  	s14 =	simm.s32 $0x9E00;
	s15 =	simm.s32 $0x80;
	s16 =	simm.s32 $0xDE00  }
0x6: {  	s17 =	simm.s32 $0x1;
	s18 =	simm.s32 $0x9D00;
	s13 =	sand.u32 $0x1, s2  }
0x7: {  	s19 =	simm.s32 $0x2;
	s2 =	stileid.u32;
	s7 =	smul.u32 $0x14000, s13  }
0x8: {  	s20 =	simm.s32 $0x9D80;
	s23 =	simm.s32 $0x0;
	s8 =	smul.u32 $0x1400, s2  }
0x9: {  	[smem:$0x7FF] =	sst s3;
	s4 =	sadd.s32 $0x3C00, s6;
	s29 =	smul.u32 $0x4E80, s2  }
0xa: {  	_ =	strace $0x8000004D;
	s30 =	ssub.s32 $0x2, s13;
	s31 =	smul.u32 $0x29000, s2  }
0xb: {  	s11 =	smul.u32 $0x28000, s2;
	v0 =	vmov s13;
	s13 =	simm.s32 $0x4E80;
	s21 =	sshll.u32 s2, $0x6  }
0xc: {  	s9 =	sshrl.u32 s30, $0x1;
	s21 =	sor.u32 $0x1C03, s21;
	s7 =	sadd.s32 s8, s7  }
0xd: {  	s8 =	sshrl.u32 s29, $0x3;
	s12 =	ssub.s32 s30, s9;
	s11 =	sshrl.u32 s11, $0x2  }
0xe: {  	s10 =	sadd.s32 s7, s6;
	s5 =	sadd.s32 s5, s8;
	s7 =	sshrl.u32 s31, $0x2  }
0xf: {  	v0 =	vmul.u32 $0x1400, v0;
	s22 =	sadd.s32 s11, s1;
	s11 =	smax.u32 s12, $0x1;
	s12 =	simm.s32 $0x3  }
0x10: {  	s6 =	sadd.s32 $0x9D00, s5;
	s7 =	sadd.s32 s7, s1;
	s10 =	sadd.s32 $0x7BC00, s10  }
0x11: {  	v1 =	vimm.f32 $0.0e+00;
	v0 =	vbroadcast v0, $0x0;
	s22 =	sshrl.u32 s22, $0x3;
	s8 =	sadd.s32 $0x4000, s7;
	s9 =	sadd.s32 $0x8000, s7  }
.LBB2_1:
0x12: {  	[tilespmem:s3], [sflag:$0x3] =	stream.linear.gather [hbm4b:s5+s3], $0x4E80, $0x38;
	[tilespmem:$0x1C200] =	vst v63  }
0x13: {  	_ =	swait.ge [sflag:s12], $0x4E80  }
0x14: {  	[sflag:s12] =	ssyncset.done $0x0  }
0x15: {  	[sflag:s12] =	ssyncadd.s32 $0xFFFFB180  }
0x16: {  	[tilespmem:s13], [sflag:$0x3] =	stream.linear.gather [hbm4b:s6+s3], $0x4E80, $0x38;
	[tilespmem:$0x1C200] =	vst v63  }
0x17: {  	_ =	swait.ge [sflag:s12], $0x4E80  }
0x18: {  	[sflag:s12] =	ssyncset.done $0x0  }
0x19: {  	s24 =	simm.s32 $0x0;
	s25 =	simm.s32 $0x200;
	[sflag:s12] =	ssyncadd.s32 $0xFFFFB180  }
.LBB2_2:
0x1a: {  	p0 =	sne.s32 s25, $0xFE00;
	[tilespmem:s24+$0x9E70] =	vst v1  }
0x1b: {  	[tilespmem:s24+$0x9E00] =	vst v1  }
0x1c: {  	[tilespmem:s24+$0x9E10] =	vst v1  }
.Ltmp0:
0x1d: {  	[tilespmem:s24+$0x9E20] =	vst v1;
	(pc) =	sbr.rel @p0 .LBB2_2-.Ltmp0, $4  }
0x1e: {  	[tilespmem:s24+$0x9E30] =	vst v1  }
0x1f: {  	[tilespmem:s24+$0x9E40] =	vst v1  }
0x20: {  	[tilespmem:s24+$0x9E50] =	vst v1  }
0x21: {  	[tilespmem:s24+$0x9E60] =	vst v1;
	s24 =	sshra.s32 s25, $0x2;
	s25 =	sadd.s32 $0x200, s25  }
0x22: {  	[tilespmem:s24+$0x9E70] =	vst v1  }
0x23: {  	[tilespmem:s24+$0x9E00] =	vst v1  }
0x24: {  	[tilespmem:s24+$0x9E10] =	vst v1  }
0x25: {  	[tilespmem:s24+$0x9E20] =	vst v1  }
0x26: {  	[tilespmem:s24+$0x9E30] =	vst v1  }
0x27: {  	[tilespmem:s24+$0x9E40] =	vst v1  }
0x28: {  	[tilespmem:s24+$0x9E50] =	vst v1  }
0x29: {  	[tilespmem:s24+$0x9E60] =	vst v1  }
0x2a: {  	[spmem:s7] =	stream.linear.scatter [tilespmem:s14], [sflag:$0x3], $0x4000, $0x38;
	[tilespmem:$0x1C200] =	vst v63  }
0x2b: {  	_ =	swait.ge [sflag:s12], $0x4000  }
0x2c: {  	[sflag:s12] =	ssyncset.done $0x0  }
0x2d: {  	[sflag:s12] =	ssyncadd.s32 $0xFFFFC000  }
0x2e: {  	[spmem:s8] =	stream.linear.scatter [tilespmem:s14], [sflag:$0x3], $0x4000, $0x38;
	[tilespmem:$0x1C200] =	vst v63  }
0x2f: {  	_ =	swait.ge [sflag:s12], $0x4000  }
0x30: {  	[sflag:s12] =	ssyncset.done $0x0  }
0x31: {  	[sflag:s12] =	ssyncadd.s32 $0xFFFFC000  }
0x32: {  	[spmem:s9] =	stream.linear.scatter [tilespmem:s14], [sflag:$0x3], $0x2400, $0x38;
	[tilespmem:$0x1C200] =	vst v63  }
0x33: {  	_ =	swait.ge [sflag:s12], $0x2400  }
0x34: {  	[sflag:s12] =	ssyncset.done $0x0  }
0x35: {  	[sflag:s12] =	ssyncadd.s32 $0xFFFFDC00  }
0x36: {  	s30 =	simm.s32 $0x0;
	[bflag:$0x0] =	sbarrier.arrive $0xFFFF  }
0x37: {  	[tilespmem:s14], [sflag:$0x1] =	stream.indirect.gather [hbm4b:s4+s15], $0x80, s30, s15, $0xb8;
	[tilespmem:$0x1C200] =	vst v63  }
0x38: {  	s31 =	simm.s32 $0x0;
	s25 =	simm.s32 $0x4E80  }
0x39: {  	[tilespmem:s16], [sflag:$0x2] =	stream.indirect.gather [hbm4b:s4+s15], $0x80, s25, s15, $0xb8;
	[tilespmem:$0x1C200] =	vst v63  }
0x3a: {  	v2 =	vld [tilespmem:s31+$0x4E80];
	_ =	sdelay $0x4  }
0x3b: {  	v3 =	vsub.s32 v2, v0;
	v2 =	vand.u32 $0x7F, v2  }
0x3c: {  	vm0 =	vlt.u32 v3, $0x1400;
	v2 =	vor.u32 $0x1400, v2  }
0x3d: {  	v2 =	vsel vm0, v3, v2  }
0x3e: {  	[tilespmem:$0x9D00] =	vst v2  }
0x3f: {  	v2 =	vld [tilespmem:s31+$0x4E90];
	_ =	sdelay $0x4  }
0x40: {  	v3 =	vsub.s32 v2, v0;
	v2 =	vand.u32 $0x7F, v2  }
0x41: {  	vm13 =	vlt.u32 v3, $0x1400;
	v2 =	vor.u32 $0x1400, v2  }
0x42: {  	v2 =	vsel vm13, v3, v2  }
0x43: {  	[tilespmem:$0x9D10] =	vst v2  }
0x44: {  	v2 =	vld [tilespmem:s31+$0x4EA0];
	_ =	sdelay $0x4  }
0x45: {  	v3 =	vsub.s32 v2, v0;
	v2 =	vand.u32 $0x7F, v2  }
0x46: {  	vm14 =	vlt.u32 v3, $0x1400;
	v2 =	vor.u32 $0x1400, v2  }
0x47: {  	v2 =	vsel vm14, v3, v2  }
0x48: {  	[tilespmem:$0x9D20] =	vst v2  }
0x49: {  	v2 =	vld [tilespmem:s31+$0x4EB0];
	_ =	sdelay $0x4  }
0x4a: {  	v3 =	vsub.s32 v2, v0;
	v2 =	vand.u32 $0x7F, v2  }
0x4b: {  	vm15 =	vlt.u32 v3, $0x1400;
	v2 =	vor.u32 $0x1400, v2  }
0x4c: {  	v2 =	vsel vm15, v3, v2  }
0x4d: {  	[tilespmem:$0x9D30] =	vst v2  }
0x4e: {  	v2 =	vld [tilespmem:s31+$0x4EC0];
	_ =	sdelay $0x4  }
0x4f: {  	v3 =	vsub.s32 v2, v0;
	v2 =	vand.u32 $0x7F, v2  }
0x50: {  	vm4 =	vlt.u32 v3, $0x1400;
	v2 =	vor.u32 $0x1400, v2  }
0x51: {  	v2 =	vsel vm4, v3, v2  }
0x52: {  	[tilespmem:$0x9D40] =	vst v2  }
0x53: {  	v2 =	vld [tilespmem:s31+$0x4ED0];
	_ =	sdelay $0x4  }
0x54: {  	v3 =	vsub.s32 v2, v0;
	v2 =	vand.u32 $0x7F, v2  }
0x55: {  	vm5 =	vlt.u32 v3, $0x1400;
	v2 =	vor.u32 $0x1400, v2  }
0x56: {  	v2 =	vsel vm5, v3, v2  }
0x57: {  	[tilespmem:$0x9D50] =	vst v2  }
0x58: {  	v2 =	vld [tilespmem:s31+$0x4EE0];
	_ =	sdelay $0x4  }
0x59: {  	v3 =	vsub.s32 v2, v0;
	v2 =	vand.u32 $0x7F, v2  }
0x5a: {  	vm6 =	vlt.u32 v3, $0x1400;
	v2 =	vor.u32 $0x1400, v2  }
0x5b: {  	v2 =	vsel vm6, v3, v2  }
0x5c: {  	[tilespmem:$0x9D60] =	vst v2  }
0x5d: {  	v2 =	vld [tilespmem:s31+$0x4EF0];
	_ =	sdelay $0x4  }
0x5e: {  	v3 =	vsub.s32 v2, v0;
	v2 =	vand.u32 $0x7F, v2  }
0x5f: {  	vm7 =	vlt.u32 v3, $0x1400;
	v2 =	vor.u32 $0x1400, v2  }
0x60: {  	v2 =	vsel vm7, v3, v2  }
0x61: {  	[tilespmem:$0x9D70] =	vst v2  }
0x62: {  	_ =	swait.ge [sflag:s17], $0x4000  }
0x63: {  	[sflag:s17] =	ssyncset.done $0x0  }
0x64: {  	[sflag:s17] =	ssyncadd.s32 $0xFFFFC000  }
0x65: {  	[spmem:s1] =	stream.indirect.scatter.add.f32 [tilespmem:s14], [sflag:$0x3], $0x80, s18, s15, $0xb8;
	[tilespmem:$0x1C200] =	vst v63  }
0x66: {  	p0 =	por $0x0, $0x0;
	_ =	swait.ge [sflag:s12], $0x4000  }
0x67: {  	s26 =	simm.s32 @!p0 $0x80;
	[sflag:s12] =	ssyncset.done $0x0  }
0x68: {  	s28 =	simm.s32 @!p0 $0x80;
	s25 =	simm.s32 @!p0 $0x9E00;
	[sflag:s12] =	ssyncadd.s32 $0xFFFFC000  }
0x69: {  	[tilespmem:s25], [sflag:$0x1] =	stream.indirect.gather @!p0 [hbm4b:s4+s28], $0x80, s26, s28, $0xb8;
	[tilespmem:$0x1C200] =	vst v63  }
0x6a: {  	v2 =	vld [tilespmem:s31+$0x0];
	_ =	sdelay $0x4  }
0x6b: {  	v3 =	vsub.s32 v2, v0;
	v2 =	vand.u32 $0x7F, v2  }
0x6c: {  	vm8 =	vlt.u32 v3, $0x1400;
	v2 =	vor.u32 $0x1400, v2  }
0x6d: {  	v2 =	vsel vm8, v3, v2  }
0x6e: {  	[tilespmem:$0x9D80] =	vst v2  }
0x6f: {  	v2 =	vld [tilespmem:s31+$0x10];
	_ =	sdelay $0x4  }
0x70: {  	v3 =	vsub.s32 v2, v0;
	v2 =	vand.u32 $0x7F, v2  }
0x71: {  	vm9 =	vlt.u32 v3, $0x1400;
	v2 =	vor.u32 $0x1400, v2  }
0x72: {  	v2 =	vsel vm9, v3, v2  }
0x73: {  	[tilespmem:$0x9D90] =	vst v2  }
0x74: {  	v2 =	vld [tilespmem:s31+$0x20];
	_ =	sdelay $0x4  }
0x75: {  	v3 =	vsub.s32 v2, v0;
	v2 =	vand.u32 $0x7F, v2  }
0x76: {  	vm10 =	vlt.u32 v3, $0x1400;
	v2 =	vor.u32 $0x1400, v2  }
0x77: {  	v2 =	vsel vm10, v3, v2  }
0x78: {  	[tilespmem:$0x9DA0] =	vst v2  }
0x79: {  	v2 =	vld [tilespmem:s31+$0x30];
	_ =	sdelay $0x4  }
0x7a: {  	v3 =	vsub.s32 v2, v0;
	v2 =	vand.u32 $0x7F, v2  }
0x7b: {  	vm11 =	vlt.u32 v3, $0x1400;
	v2 =	vor.u32 $0x1400, v2  }
0x7c: {  	v2 =	vsel vm11, v3, v2  }
0x7d: {  	[tilespmem:$0x9DB0] =	vst v2  }
0x7e: {  	v2 =	vld [tilespmem:s31+$0x40];
	_ =	sdelay $0x4  }
0x7f: {  	v3 =	vsub.s32 v2, v0;
	v2 =	vand.u32 $0x7F, v2  }
0x80: {  	vm12 =	vlt.u32 v3, $0x1400;
	v2 =	vor.u32 $0x1400, v2  }
0x81: {  	v2 =	vsel vm12, v3, v2  }
0x82: {  	[tilespmem:$0x9DC0] =	vst v2  }
0x83: {  	v2 =	vld [tilespmem:s31+$0x50];
	_ =	sdelay $0x4  }
0x84: {  	v3 =	vsub.s32 v2, v0;
	v2 =	vand.u32 $0x7F, v2  }
0x85: {  	vm13 =	vlt.u32 v3, $0x1400;
	v2 =	vor.u32 $0x1400, v2  }
0x86: {  	v2 =	vsel vm13, v3, v2  }
0x87: {  	[tilespmem:$0x9DD0] =	vst v2  }
0x88: {  	v2 =	vld [tilespmem:s31+$0x60];
	_ =	sdelay $0x4  }
0x89: {  	v3 =	vsub.s32 v2, v0;
	v2 =	vand.u32 $0x7F, v2  }
0x8a: {  	vm14 =	vlt.u32 v3, $0x1400;
	v2 =	vor.u32 $0x1400, v2  }
0x8b: {  	v2 =	vsel vm14, v3, v2  }
0x8c: {  	[tilespmem:$0x9DE0] =	vst v2  }
0x8d: {  	v2 =	vld [tilespmem:s31+$0x70];
	_ =	sdelay $0x4  }
0x8e: {  	v3 =	vsub.s32 v2, v0;
	v2 =	vand.u32 $0x7F, v2  }
0x8f: {  	vm15 =	vlt.u32 v3, $0x1400;
	v2 =	vor.u32 $0x1400, v2  }
0x90: {  	v2 =	vsel vm15, v3, v2  }
0x91: {  	[tilespmem:$0x9DF0] =	vst v2  }
0x92: {  	_ =	swait.ge [sflag:s19], $0x4000  }
0x93: {  	[sflag:s19] =	ssyncset.done $0x0  }
0x94: {  	[sflag:s19] =	ssyncadd.s32 $0xFFFFC000  }
0x95: {  	[spmem:s1] =	stream.indirect.scatter.add.f32 [tilespmem:s16], [sflag:$0x3], $0x80, s20, s15, $0xb8;
	[tilespmem:$0x1C200] =	vst v63  }
0x96: {  	s24 =	simm.s32 $0x80;
	_ =	swait.ge [sflag:s12], $0x4000  }
0x97: {  	s25 =	simm.s32 $0x200;
	s26 =	simm.s32 $0x400;
	[sflag:s12] =	ssyncset.done $0x0  }
.LBB2_4:
0x98: {  	s29 =	sadd.s32 $0x4E80, s24  }
0x99: {  	[sflag:s12] =	ssyncadd.s32 $0xFFFFC000;
	s28 =	smov.u32 s26;
	s26 =	sadd.s32 $0x200, s26  }
0x9a: {  	[tilespmem:s16], [sflag:$0x2] =	stream.indirect.gather [hbm4b:s4+s15], $0x80, s29, s15, $0xb8;
	[tilespmem:$0x1C200] =	vst v63  }
0x9b: {  	p0 =	sne.s32 s26, $0x13A00;
	v2 =	vld [tilespmem:s24+$0x4E80];
	_ =	sdelay $0x4  }
0x9c: {  	v3 =	vsub.s32 v2, v0;
	v2 =	vand.u32 $0x7F, v2  }
0x9d: {  	vm0 =	vlt.u32 v3, $0x1400;
	v2 =	vor.u32 $0x1400, v2  }
0x9e: {  	v2 =	vsel vm0, v3, v2  }
0x9f: {  	[tilespmem:$0x9D00] =	vst v2  }
0xa0: {  	v2 =	vld [tilespmem:s24+$0x4E90];
	_ =	sdelay $0x4  }
0xa1: {  	v3 =	vsub.s32 v2, v0;
	v2 =	vand.u32 $0x7F, v2  }
0xa2: {  	vm0 =	vlt.u32 v3, $0x1400;
	v2 =	vor.u32 $0x1400, v2  }
0xa3: {  	v2 =	vsel vm0, v3, v2  }
0xa4: {  	[tilespmem:$0x9D10] =	vst v2  }
0xa5: {  	v2 =	vld [tilespmem:s24+$0x4EA0];
	_ =	sdelay $0x4  }
0xa6: {  	v3 =	vsub.s32 v2, v0;
	v2 =	vand.u32 $0x7F, v2  }
0xa7: {  	vm0 =	vlt.u32 v3, $0x1400;
	v2 =	vor.u32 $0x1400, v2  }
0xa8: {  	v2 =	vsel vm0, v3, v2  }
0xa9: {  	[tilespmem:$0x9D20] =	vst v2  }
0xaa: {  	v2 =	vld [tilespmem:s24+$0x4EB0];
	_ =	sdelay $0x4  }
0xab: {  	v3 =	vsub.s32 v2, v0;
	v2 =	vand.u32 $0x7F, v2  }
0xac: {  	vm0 =	vlt.u32 v3, $0x1400;
	v2 =	vor.u32 $0x1400, v2  }
0xad: {  	v2 =	vsel vm0, v3, v2  }
0xae: {  	[tilespmem:$0x9D30] =	vst v2  }
0xaf: {  	v2 =	vld [tilespmem:s24+$0x4EC0];
	_ =	sdelay $0x4  }
0xb0: {  	v3 =	vsub.s32 v2, v0;
	v2 =	vand.u32 $0x7F, v2  }
0xb1: {  	vm0 =	vlt.u32 v3, $0x1400;
	v2 =	vor.u32 $0x1400, v2  }
0xb2: {  	v2 =	vsel vm0, v3, v2  }
0xb3: {  	[tilespmem:$0x9D40] =	vst v2  }
0xb4: {  	v2 =	vld [tilespmem:s24+$0x4ED0];
	_ =	sdelay $0x4  }
0xb5: {  	v3 =	vsub.s32 v2, v0;
	v2 =	vand.u32 $0x7F, v2  }
0xb6: {  	vm0 =	vlt.u32 v3, $0x1400;
	v2 =	vor.u32 $0x1400, v2  }
0xb7: {  	v2 =	vsel vm0, v3, v2  }
0xb8: {  	[tilespmem:$0x9D50] =	vst v2  }
0xb9: {  	v2 =	vld [tilespmem:s24+$0x4EE0];
	_ =	sdelay $0x4  }
0xba: {  	v3 =	vsub.s32 v2, v0;
	v2 =	vand.u32 $0x7F, v2  }
0xbb: {  	vm0 =	vlt.u32 v3, $0x1400;
	v2 =	vor.u32 $0x1400, v2  }
0xbc: {  	v2 =	vsel vm0, v3, v2  }
0xbd: {  	[tilespmem:$0x9D60] =	vst v2  }
0xbe: {  	v2 =	vld [tilespmem:s24+$0x4EF0];
	_ =	sdelay $0x4  }
0xbf: {  	v3 =	vsub.s32 v2, v0;
	v2 =	vand.u32 $0x7F, v2  }
0xc0: {  	vm0 =	vlt.u32 v3, $0x1400;
	v2 =	vor.u32 $0x1400, v2  }
0xc1: {  	v2 =	vsel vm0, v3, v2  }
0xc2: {  	[tilespmem:$0x9D70] =	vst v2  }
0xc3: {  	_ =	swait.ge [sflag:s17], $0x4000  }
0xc4: {  	[sflag:s17] =	ssyncset.done $0x0  }
0xc5: {  	[sflag:s17] =	ssyncadd.s32 $0xFFFFC000  }
0xc6: {  	[spmem:s1] =	stream.indirect.scatter.add.f32 [tilespmem:s14], [sflag:$0x3], $0x80, s18, s15, $0xb8;
	[tilespmem:$0x1C200] =	vst v63  }
0xc7: {  	p1 =	seq.s32 s25, $0x13800;
	_ =	swait.ge [sflag:s12], $0x4000  }
0xc8: {  	s25 =	sshra.s32 @!p1 s25, $0x2;
	s29 =	simm.s32 @!p1 $0x9E00;
	[sflag:s12] =	ssyncset.done $0x0  }
0xc9: {  	s30 =	simm.s32 @!p1 $0x80;
	s25 =	sadd.s32 @!p1 $0x80, s25;
	[sflag:s12] =	ssyncadd.s32 $0xFFFFC000  }
0xca: {  	[tilespmem:s29], [sflag:$0x1] =	stream.indirect.gather @!p1 [hbm4b:s4+s30], $0x80, s25, s30, $0xb8;
	[tilespmem:$0x1C200] =	vst v63  }
0xcb: {  	s25 =	smov.u32 s28;
	v2 =	vld [tilespmem:s24+$0x0];
	_ =	sdelay $0x4  }
0xcc: {  	v3 =	vsub.s32 v2, v0;
	v2 =	vand.u32 $0x7F, v2  }
0xcd: {  	vm0 =	vlt.u32 v3, $0x1400;
	v2 =	vor.u32 $0x1400, v2  }
0xce: {  	v2 =	vsel vm0, v3, v2  }
0xcf: {  	[tilespmem:$0x9D80] =	vst v2  }
0xd0: {  	v2 =	vld [tilespmem:s24+$0x10];
	_ =	sdelay $0x4  }
0xd1: {  	v3 =	vsub.s32 v2, v0;
	v2 =	vand.u32 $0x7F, v2  }
0xd2: {  	vm0 =	vlt.u32 v3, $0x1400;
	v2 =	vor.u32 $0x1400, v2  }
0xd3: {  	v2 =	vsel vm0, v3, v2  }
0xd4: {  	[tilespmem:$0x9D90] =	vst v2  }
0xd5: {  	v2 =	vld [tilespmem:s24+$0x20];
	_ =	sdelay $0x4  }
0xd6: {  	v3 =	vsub.s32 v2, v0;
	v2 =	vand.u32 $0x7F, v2  }
0xd7: {  	vm0 =	vlt.u32 v3, $0x1400;
	v2 =	vor.u32 $0x1400, v2  }
0xd8: {  	v2 =	vsel vm0, v3, v2  }
0xd9: {  	[tilespmem:$0x9DA0] =	vst v2  }
0xda: {  	v2 =	vld [tilespmem:s24+$0x30];
	_ =	sdelay $0x4  }
0xdb: {  	v3 =	vsub.s32 v2, v0;
	v2 =	vand.u32 $0x7F, v2  }
0xdc: {  	vm0 =	vlt.u32 v3, $0x1400;
	v2 =	vor.u32 $0x1400, v2  }
0xdd: {  	v2 =	vsel vm0, v3, v2  }
0xde: {  	[tilespmem:$0x9DB0] =	vst v2  }
0xdf: {  	v2 =	vld [tilespmem:s24+$0x40];
	_ =	sdelay $0x4  }
0xe0: {  	v3 =	vsub.s32 v2, v0;
	v2 =	vand.u32 $0x7F, v2  }
0xe1: {  	vm0 =	vlt.u32 v3, $0x1400;
	v2 =	vor.u32 $0x1400, v2  }
0xe2: {  	v2 =	vsel vm0, v3, v2  }
0xe3: {  	[tilespmem:$0x9DC0] =	vst v2  }
0xe4: {  	v2 =	vld [tilespmem:s24+$0x50];
	_ =	sdelay $0x4  }
0xe5: {  	v3 =	vsub.s32 v2, v0;
	v2 =	vand.u32 $0x7F, v2  }
0xe6: {  	vm0 =	vlt.u32 v3, $0x1400;
	v2 =	vor.u32 $0x1400, v2  }
0xe7: {  	v2 =	vsel vm0, v3, v2  }
0xe8: {  	[tilespmem:$0x9DD0] =	vst v2  }
0xe9: {  	v2 =	vld [tilespmem:s24+$0x60];
	_ =	sdelay $0x4  }
0xea: {  	v3 =	vsub.s32 v2, v0;
	v2 =	vand.u32 $0x7F, v2  }
0xeb: {  	vm0 =	vlt.u32 v3, $0x1400;
	v2 =	vor.u32 $0x1400, v2  }
0xec: {  	v2 =	vsel vm0, v3, v2  }
0xed: {  	[tilespmem:$0x9DE0] =	vst v2  }
0xee: {  	v2 =	vld [tilespmem:s24+$0x70];
	_ =	sdelay $0x4  }
0xef: {  	v3 =	vsub.s32 v2, v0;
	v2 =	vand.u32 $0x7F, v2  }
0xf0: {  	vm0 =	vlt.u32 v3, $0x1400;
	v2 =	vor.u32 $0x1400, v2  }
0xf1: {  	v2 =	vsel vm0, v3, v2  }
0xf2: {  	[tilespmem:$0x9DF0] =	vst v2  }
0xf3: {  	_ =	swait.ge [sflag:s19], $0x4000  }
.Ltmp1:
0xf4: {  	[sflag:s19] =	ssyncset.done $0x0;
	(pc) =	sbr.rel @p0 .LBB2_4-.Ltmp1, $4  }
0xf5: {  	[sflag:s19] =	ssyncadd.s32 $0xFFFFC000  }
0xf6: {  	[spmem:s1] =	stream.indirect.scatter.add.f32 [tilespmem:s16], [sflag:$0x3], $0x80, s20, s15, $0xb8;
	[tilespmem:$0x1C200] =	vst v63  }
0xf7: {  	_ =	swait.ge [sflag:s12], $0x4000  }
0xf8: {  	s24 =	sshra.s32 s25, $0x2;
	[sflag:s12] =	ssyncset.done $0x0  }
0xf9: {  	s26 =	sadd.s32 $0x4E80, s24;
	[sflag:s12] =	ssyncadd.s32 $0xFFFFC000  }
0xfa: {  	[tilespmem:s16], [sflag:$0x2] =	stream.indirect.gather [hbm4b:s4+s15], $0x80, s26, s15, $0xb8;
	[tilespmem:$0x1C200] =	vst v63  }
0xfb: {  	v2 =	vld [tilespmem:s24+$0x4E80];
	_ =	sdelay $0x4  }
0xfc: {  	v3 =	vsub.s32 v2, v0;
	v2 =	vand.u32 $0x7F, v2  }
0xfd: {  	vm0 =	vlt.u32 v3, $0x1400;
	v2 =	vor.u32 $0x1400, v2  }
0xfe: {  	v2 =	vsel vm0, v3, v2  }
0xff: {  	[tilespmem:$0x9D00] =	vst v2  }
0x100: {  	v2 =	vld [tilespmem:s24+$0x4E90];
	_ =	sdelay $0x4  }
0x101: {  	v3 =	vsub.s32 v2, v0;
	v2 =	vand.u32 $0x7F, v2  }
0x102: {  	vm13 =	vlt.u32 v3, $0x1400;
	v2 =	vor.u32 $0x1400, v2  }
0x103: {  	v2 =	vsel vm13, v3, v2  }
0x104: {  	[tilespmem:$0x9D10] =	vst v2  }
0x105: {  	v2 =	vld [tilespmem:s24+$0x4EA0];
	_ =	sdelay $0x4  }
0x106: {  	v3 =	vsub.s32 v2, v0;
	v2 =	vand.u32 $0x7F, v2  }
0x107: {  	vm14 =	vlt.u32 v3, $0x1400;
	v2 =	vor.u32 $0x1400, v2  }
0x108: {  	v2 =	vsel vm14, v3, v2  }
0x109: {  	[tilespmem:$0x9D20] =	vst v2  }
0x10a: {  	v2 =	vld [tilespmem:s24+$0x4EB0];
	_ =	sdelay $0x4  }
0x10b: {  	v3 =	vsub.s32 v2, v0;
	v2 =	vand.u32 $0x7F, v2  }
0x10c: {  	vm15 =	vlt.u32 v3, $0x1400;
	v2 =	vor.u32 $0x1400, v2  }
0x10d: {  	v2 =	vsel vm15, v3, v2  }
0x10e: {  	[tilespmem:$0x9D30] =	vst v2  }
0x10f: {  	v2 =	vld [tilespmem:s24+$0x4EC0];
	_ =	sdelay $0x4  }
0x110: {  	v3 =	vsub.s32 v2, v0;
	v2 =	vand.u32 $0x7F, v2  }
0x111: {  	vm4 =	vlt.u32 v3, $0x1400;
	v2 =	vor.u32 $0x1400, v2  }
0x112: {  	v2 =	vsel vm4, v3, v2  }
0x113: {  	[tilespmem:$0x9D40] =	vst v2  }
0x114: {  	v2 =	vld [tilespmem:s24+$0x4ED0];
	_ =	sdelay $0x4  }
0x115: {  	v3 =	vsub.s32 v2, v0;
	v2 =	vand.u32 $0x7F, v2  }
0x116: {  	vm5 =	vlt.u32 v3, $0x1400;
	v2 =	vor.u32 $0x1400, v2  }
0x117: {  	v2 =	vsel vm5, v3, v2  }
0x118: {  	[tilespmem:$0x9D50] =	vst v2  }
0x119: {  	v2 =	vld [tilespmem:s24+$0x4EE0];
	_ =	sdelay $0x4  }
0x11a: {  	v3 =	vsub.s32 v2, v0;
	v2 =	vand.u32 $0x7F, v2  }
0x11b: {  	vm6 =	vlt.u32 v3, $0x1400;
	v2 =	vor.u32 $0x1400, v2  }
0x11c: {  	v2 =	vsel vm6, v3, v2  }
0x11d: {  	[tilespmem:$0x9D60] =	vst v2  }
0x11e: {  	v2 =	vld [tilespmem:s24+$0x4EF0];
	_ =	sdelay $0x4  }
0x11f: {  	v3 =	vsub.s32 v2, v0;
	v2 =	vand.u32 $0x7F, v2  }
0x120: {  	vm7 =	vlt.u32 v3, $0x1400;
	v2 =	vor.u32 $0x1400, v2  }
0x121: {  	v2 =	vsel vm7, v3, v2  }
0x122: {  	[tilespmem:$0x9D70] =	vst v2  }
0x123: {  	_ =	swait.ge [sflag:s17], $0x4000  }
0x124: {  	[sflag:s17] =	ssyncset.done $0x0  }
0x125: {  	[sflag:s17] =	ssyncadd.s32 $0xFFFFC000  }
0x126: {  	[spmem:s1] =	stream.indirect.scatter.add.f32 [tilespmem:s14], [sflag:$0x3], $0x80, s18, s15, $0xb8;
	[tilespmem:$0x1C200] =	vst v63  }
0x127: {  	p0 =	seq.s32 s25, $0x13800;
	_ =	swait.ge [sflag:s12], $0x4000  }
0x128: {  	s25 =	sshra.s32 @!p0 s25, $0x2;
	s26 =	simm.s32 @!p0 $0x9E00;
	[sflag:s12] =	ssyncset.done $0x0  }
0x129: {  	s28 =	simm.s32 @!p0 $0x80;
	s25 =	sadd.s32 @!p0 $0x80, s25;
	[sflag:s12] =	ssyncadd.s32 $0xFFFFC000  }
0x12a: {  	[tilespmem:s26], [sflag:$0x1] =	stream.indirect.gather @!p0 [hbm4b:s4+s28], $0x80, s25, s28, $0xb8;
	[tilespmem:$0x1C200] =	vst v63  }
0x12b: {  	v2 =	vld [tilespmem:s24+$0x0];
	_ =	sdelay $0x4  }
0x12c: {  	v3 =	vsub.s32 v2, v0;
	v2 =	vand.u32 $0x7F, v2  }
0x12d: {  	vm8 =	vlt.u32 v3, $0x1400;
	v2 =	vor.u32 $0x1400, v2  }
0x12e: {  	v2 =	vsel vm8, v3, v2  }
0x12f: {  	[tilespmem:$0x9D80] =	vst v2  }
0x130: {  	v2 =	vld [tilespmem:s24+$0x10];
	_ =	sdelay $0x4  }
0x131: {  	v3 =	vsub.s32 v2, v0;
	v2 =	vand.u32 $0x7F, v2  }
0x132: {  	vm9 =	vlt.u32 v3, $0x1400;
	v2 =	vor.u32 $0x1400, v2  }
0x133: {  	v2 =	vsel vm9, v3, v2  }
0x134: {  	[tilespmem:$0x9D90] =	vst v2  }
0x135: {  	v2 =	vld [tilespmem:s24+$0x20];
	_ =	sdelay $0x4  }
0x136: {  	v3 =	vsub.s32 v2, v0;
	v2 =	vand.u32 $0x7F, v2  }
0x137: {  	vm10 =	vlt.u32 v3, $0x1400;
	v2 =	vor.u32 $0x1400, v2  }
0x138: {  	v2 =	vsel vm10, v3, v2  }
0x139: {  	[tilespmem:$0x9DA0] =	vst v2  }
0x13a: {  	v2 =	vld [tilespmem:s24+$0x30];
	_ =	sdelay $0x4  }
0x13b: {  	v3 =	vsub.s32 v2, v0;
	v2 =	vand.u32 $0x7F, v2  }
0x13c: {  	vm11 =	vlt.u32 v3, $0x1400;
	v2 =	vor.u32 $0x1400, v2  }
0x13d: {  	v2 =	vsel vm11, v3, v2  }
0x13e: {  	[tilespmem:$0x9DB0] =	vst v2  }
0x13f: {  	v2 =	vld [tilespmem:s24+$0x40];
	_ =	sdelay $0x4  }
0x140: {  	v3 =	vsub.s32 v2, v0;
	v2 =	vand.u32 $0x7F, v2  }
0x141: {  	vm12 =	vlt.u32 v3, $0x1400;
	v2 =	vor.u32 $0x1400, v2  }
0x142: {  	v2 =	vsel vm12, v3, v2  }
0x143: {  	[tilespmem:$0x9DC0] =	vst v2  }
0x144: {  	v2 =	vld [tilespmem:s24+$0x50];
	_ =	sdelay $0x4  }
0x145: {  	v3 =	vsub.s32 v2, v0;
	v2 =	vand.u32 $0x7F, v2  }
0x146: {  	vm13 =	vlt.u32 v3, $0x1400;
	v2 =	vor.u32 $0x1400, v2  }
0x147: {  	v2 =	vsel vm13, v3, v2  }
0x148: {  	[tilespmem:$0x9DD0] =	vst v2  }
0x149: {  	v2 =	vld [tilespmem:s24+$0x60];
	_ =	sdelay $0x4  }
0x14a: {  	v3 =	vsub.s32 v2, v0;
	v2 =	vand.u32 $0x7F, v2  }
0x14b: {  	vm14 =	vlt.u32 v3, $0x1400;
	v2 =	vor.u32 $0x1400, v2  }
0x14c: {  	v2 =	vsel vm14, v3, v2  }
0x14d: {  	[tilespmem:$0x9DE0] =	vst v2  }
0x14e: {  	v2 =	vld [tilespmem:s24+$0x70];
	_ =	sdelay $0x4  }
0x14f: {  	v3 =	vsub.s32 v2, v0;
	v2 =	vand.u32 $0x7F, v2  }
0x150: {  	vm15 =	vlt.u32 v3, $0x1400;
	v2 =	vor.u32 $0x1400, v2  }
0x151: {  	v2 =	vsel vm15, v3, v2  }
0x152: {  	[tilespmem:$0x9DF0] =	vst v2  }
0x153: {  	_ =	swait.ge [sflag:s19], $0x4000  }
0x154: {  	[sflag:s19] =	ssyncset.done $0x0  }
0x155: {  	[sflag:s19] =	ssyncadd.s32 $0xFFFFC000  }
0x156: {  	[spmem:s1] =	stream.indirect.scatter.add.f32 [tilespmem:s16], [sflag:$0x3], $0x80, s20, s15, $0xb8;
	[tilespmem:$0x1C200] =	vst v63  }
0x157: {  	_ =	swait.ge [sflag:s12], $0x4000  }
0x158: {  	s23 =	sadd.s32 $0x1, s23;
	[sflag:s12] =	ssyncset.done $0x0  }
0x159: {  	p0 =	sne.s32 s23, s11;
	[sflag:s12] =	ssyncadd.s32 $0xFFFFC000  }
.Ltmp2:
0x15a: {  	[bflag:$0x0] =	sbarrier.arrive $0xFFFF;
	(pc) =	sbr.rel @p0 .LBB2_1-.Ltmp2, $4  }
0x15b: {  	[hbm:s10], [sflag:s21] =	dma.local [spmem:s22], $0x1400  }
0x15c: {  	_ =	swait.ge [sflag:s12], $0x1400  }
0x15d: {  	[sflag:s12] =	ssyncset.done $0x0  }
0x15e: {  	[sflag:s12] =	ssyncadd.s32 $0xFFFFEC00  }
0x15f: {  	_ =	sfence.sel $0x180000  }
0x160: {  	[bflag:$0x0] =	sbarrier.arrive $0xFFFF  }
0x161: {  	p0 =	sne.s32 s2, $0x0;
	_ =	strace $0x9000004D  }
0x162: {  	s0 =	sadd.s32 @!p0 $0x100000, s0;
	[bflag:$0x2] =	sbarrier.arrive $0xFFFF  }
0x163: {  	[sflag:s0] =	ssyncadd.tile.s32 @!p0 $0x1;
	_ =	shalt  }
.Lfunc_end2:
_tile_overlayer_lowered:
.L_overlay_start_2:
0x164: {  	(tag) =	ssettag $0x2  }
0x165: {  	s0 =	rddreg [dreg:$0x0];
	s2 =	stileid.u32  }
0x166: {  	s1 =	rddreg [dreg:$0x1];
	p0 =	sne.s32 s2, $0x0  }
0x167: {  	s3 =	rddreg [dreg:$0x2];
	[bflag:$0x3] =	sbarrier.arrive $0xFFFF;
	s2 =	simm.s32 @!p0 $0x1C03  }
0x168: {  	[timem:s3], [sflag:s2] =	dma.local @!p0 [hbm:s0], s1  }
0x169: {  	s0 =	simm.s32 @!p0 $0x3  }
0x16a: {  	_ =	swait.ge @!p0 [sflag:s0], s1  }
0x16b: {  	s1 =	ssub.s32 @!p0 $0x0, s1;
	[sflag:s0] =	ssyncset.done @!p0 $0x0  }
0x16c: {  	[sflag:s0] =	ssyncadd.s32 @!p0 s1  }
0x16d: {  	[bflag:$0x3] =	sbarrier.arrive $0xFFFF  }
0x16e: {  	_ =	shalt  }

// kernel: kernel.8.cloned.1.call-start
scs
__scs_entry_jumppad:
0x0: {  	(pc) =	sbr.rel $0x88, $3  }
0x1: {  	(tag) =	ssettag $0x0;
	lr =	simm.s32 $0x1  }
0x2: {  	[smem:$0x3F99] =	sst lr;
	_ =	strace $0xD0000000  }
0x3: {  	_ = 	snop  }
0x4: {  	_ = 	snop  }
0x5: {  	_ = 	snop  }
0x6: {  	_ = 	snop  }
0x7: {  	_ = 	snop  }
__scs_overlays_trampoline_lowered:
0x8: {  	[smem:$0x3FA8] =	sst s0  }
0x9: {  	[smem:$0x3FA9] =	sst s1  }
0xa: {  	[smem:$0x3FAA] =	sst s2  }
0xb: {  	[smem:$0x3FAB] =	sst s3  }
0xc: {  	[smem:$0x3FAC] =	sst s4  }
0xd: {  	[smem:$0x3FAD] =	sst s5  }
0xe: {  	[smem:$0x3FAE] =	sst s6  }
0xf: {  	[smem:$0x3FAF] =	sst s7  }
0x10: {  	[smem:$0x3FB0] =	sst s8  }
0x11: {  	[smem:$0x3FB1] =	sst s9;
	s0 =	simm.s32 @!p0 $0x0  }
0x12: {  	s1 =	sld [smem:$0x3F97];
	s0 =	simm.s32 @p0 $0x1  }
0x13: {  	[smem:$0x3FB2] =	sst s0;
	s0 =	simm.s32 @!p1 $0x0  }
0x14: {  	s2 =	sld [smem:$0x3F96];
	s0 =	simm.s32 @p1 $0x1  }
0x15: {  	[smem:$0x3FB3] =	sst s0;
	s0 =	simm.s32 @!p2 $0x0  }
0x16: {  	s3 =	sld [smem:$0x3FDB];
	s0 =	simm.s32 @p2 $0x1  }
0x17: {  	s4 =	simm.s32 $0x1BF5;
	[smem:$0x3FB5] =	sst s0  }
0x18: {  	s0 =	sld [smem:$0x3F98];
	_ =	swait.ge [sflag:s4], $0x0  }
0x19: {  	s7 =	sld [smem:$0x3F99]  }
0x1a: {  	s8 =	sadd.s32 $0xFFFFE003, lr  }
0x1b: {  	s9 =	sadd.s32 $0xFFFFFEF7, lr;
	s5 =	simm.s32 $0xFFFFFFFF;
	p2 =	slt.u32 s8, $0xFFFFF086  }
0x1c: {  	p1 =	slt.u32 s9, $0xF7A;
	s5 =	simm.s32 @!p2 $0x0  }
0x1d: {  	s5 =	simm.s32 @p1 $0x1;
	p0 =	seq.s32 s7, s2  }
0x1e: {  	s7 =	smul.u32 @!p0 $0xF7A, s2;
	p2 =	seq.s32 @!p0 s5, $0x0  }
0x1f: {  	s9 =	smul.u32 $0xF7A, s1;
	s8 =	simm.s32 @!p0 $0x1BF5;
	p2 =	por !p2, p0  }
0x20: {  	[sflag:s8] =	ssyncset.s32 @!p0 $0xFFFFF086;
	s6 =	sadd.s32 @!p0 s3, s7;
	s7 =	simm.s32 @!p0 $0x108  }
0x21: {  	s3 =	sadd.s32 s3, s9;
	s6 =	sadd.s32 @!p0 $0x88, s6;
	s7 =	simm.s32 @p2 $0x1082  }
0x22: {  	[simem:s7], [sflag:s8] =	dma.local @!p0 [hbm:s6], $0xF7A  }
0x23: {  	s9 =	sor.u32 $0xD0000000, s2;
	s6 =	simm.s32 $0x108;
	_ =	swait.ge @!p0 [sflag:s8], $0x0  }
0x24: {  	s3 =	sadd.s32 $0x88, s3;
	s6 =	simm.s32 @!p1 $0x1082;
	[sflag:s4] =	ssyncset.s32 $0xFFFFF086  }
0x25: {  	[simem:s6], [sflag:s4] =	dma.local [hbm:s3], $0xF7A  }
0x26: {  	[smem:$0x3F99] =	sst s1;
	(tag) =	ssettag s2;
	_ =	strace s9  }
0x27: {  	s1 =	sld [smem:$0x3FA9]  }
0x28: {  	s2 =	sld [smem:$0x3FAA]  }
0x29: {  	s4 =	sld [smem:$0x3FAC]  }
0x2a: {  	p0 =	seq.s32 s5, $0x0;
	s5 =	sld [smem:$0x3FAD]  }
0x2b: {  	s6 =	sld [smem:$0x3FAE]  }
0x2c: {  	s7 =	sld [smem:$0x3FAF]  }
0x2d: {  	s3 =	simm.s32 $0x108;
	s8 =	sld [smem:$0x3FB0]  }
0x2e: {  	s3 =	simm.s32 @!p0 $0x1082;
	s9 =	sld [smem:$0x3FB1]  }
0x2f: {  	lr =	sadd.s32 s0, s3;
	s0 =	sld [smem:$0x3FA8]  }
0x30: {  	s3 =	sld [smem:$0x3FAB]  }
0x31: {  	[smem:$0x3FB4] =	sst s10  }
0x32: {  	s10 =	sld [smem:$0x3FB2];
	_ =	sdelay $0x3  }
0x33: {  	p0 =	seq.s32 s10, $0x1;
	s10 =	sld [smem:$0x3FB4];
	_ =	sdelay $0x3  }
0x34: {  	[smem:$0x3FB4] =	sst s10  }
0x35: {  	s10 =	sld [smem:$0x3FB3];
	_ =	sdelay $0x3  }
0x36: {  	p1 =	seq.s32 s10, $0x1;
	s10 =	sld [smem:$0x3FB4];
	_ =	sdelay $0x3  }
0x37: {  	[smem:$0x3FB4] =	sst s10  }
0x38: {  	s10 =	sld [smem:$0x3FB5]  }
0x39: {  	_ = 	snop;
	(pc) =	sbr.ind lr, $3  }
0x3a: {  	_ = 	snop  }
0x3b: {  	_ = 	snop  }
0x3c: {  	p2 =	seq.s32 s10, $0x1;
	s10 =	sld [smem:$0x3FB4]  }
0x3d: {  	_ =	shalt  }
0x3e: {  	_ =	shalt  }
0x3f: {  	_ =	shalt  }
0x40: {  	_ =	shalt  }
0x41: {  	_ =	shalt  }
0x42: {  	_ =	shalt  }
0x43: {  	_ =	shalt  }
0x44: {  	_ =	shalt  }
0x45: {  	_ =	shalt  }
0x46: {  	_ =	shalt  }
0x47: {  	_ =	shalt  }
0x48: {  	_ =	shalt  }
0x49: {  	_ =	shalt  }
0x4a: {  	_ =	shalt  }
0x4b: {  	_ =	shalt  }
0x4c: {  	_ =	shalt  }
0x4d: {  	_ =	shalt  }
0x4e: {  	_ =	shalt  }
0x4f: {  	_ =	shalt  }
0x50: {  	_ =	shalt  }
0x51: {  	_ =	shalt  }
0x52: {  	_ =	shalt  }
0x53: {  	_ =	shalt  }
0x54: {  	_ =	shalt  }
0x55: {  	_ =	shalt  }
0x56: {  	_ =	shalt  }
0x57: {  	_ =	shalt  }
0x58: {  	_ =	shalt  }
0x59: {  	_ =	shalt  }
0x5a: {  	_ =	shalt  }
0x5b: {  	_ =	shalt  }
0x5c: {  	_ =	shalt  }
0x5d: {  	_ =	shalt  }
0x5e: {  	_ =	shalt  }
0x5f: {  	_ =	shalt  }
0x60: {  	_ =	shalt  }
0x61: {  	_ =	shalt  }
0x62: {  	_ =	shalt  }
0x63: {  	_ =	shalt  }
0x64: {  	_ =	shalt  }
0x65: {  	_ =	shalt  }
0x66: {  	_ =	shalt  }
0x67: {  	_ =	shalt  }
0x68: {  	_ =	shalt  }
0x69: {  	_ =	shalt  }
0x6a: {  	_ =	shalt  }
0x6b: {  	_ =	shalt  }
0x6c: {  	_ =	shalt  }
0x6d: {  	_ =	shalt  }
0x6e: {  	_ =	shalt  }
0x6f: {  	_ =	shalt  }
0x70: {  	_ =	shalt  }
0x71: {  	_ =	shalt  }
0x72: {  	_ =	shalt  }
0x73: {  	_ =	shalt  }
0x74: {  	_ =	shalt  }
0x75: {  	_ =	shalt  }
0x76: {  	_ =	shalt  }
0x77: {  	_ =	shalt  }
0x78: {  	_ =	shalt  }
0x79: {  	_ =	shalt  }
0x7a: {  	_ =	shalt  }
0x7b: {  	_ =	shalt  }
0x7c: {  	_ =	shalt  }
0x7d: {  	_ =	shalt  }
0x7e: {  	_ =	shalt  }
0x7f: {  	_ =	shalt  }
0x80: {  	_ =	shalt  }
0x81: {  	_ =	shalt  }
0x82: {  	_ =	shalt  }
0x83: {  	_ =	shalt  }
0x84: {  	_ =	shalt  }
0x85: {  	_ =	shalt  }
0x86: {  	_ =	shalt  }
0x87: {  	_ =	shalt  }
.Lfunc_end0:
.L_simem_size_0:
called_computation_lowered:
.L_overlay_start_0:
0x88: {  	s2 =	sld [smem:$0x3FD9]  }
0x89: {  	s3 =	sld [smem:$0x3FFE];
	_ =	sdelay $0x1  }
0x8a: {  	s1 =	srdreg.scid  }
0x8b: {  	s0 =	sand.u32 $0x1, s1  }
0x8c: {  	s17 =	sshll.u32 s0, $0xA;
	s2 =	sadd.s32 s3, s2  }
0x8d: {  	s2 =	sadd.s32 s2, s17  }
0x8e: {  	[smem:$0x3FC0] =	sst s2  }
0x8f: {  	_ = 	snop  }
0x90: {  	s2 =	sld [smem:$0x3FD0];
	(tm) =	ssettm $0x1  }
0x91: {  	s18 =	sld [smem:$0x3FFB];
	_ =	sdelay $0x3  }
0x92: {  	_ =	strace s18  }
0x93: {  	s3 =	sld [smem:$0x3FFC];
	_ =	sdelay $0x3  }
0x94: {  	_ =	strace s3  }
0x95: {  	s3 =	sld [smem:$0x3FFD];
	_ =	sdelay $0x3  }
0x96: {  	_ =	strace s3  }
0x97: {  	_ =	strace $0x8FFFFFFF  }
0x98: {  	s19 =	sld [smem:$0x3FDB];
	_ =	sdelay $0x1  }
0x99: {  	s4 =	simm.s32 $_scs_section_size  }
0x9a: {  	s5 =	simm.s32 $_size__tile_overlayer_lowered;
	s6 =	simm.s32 $_tile_overlayer_lowered  }
0x9b: {  	s22 =	simm.s32 $0x1BFF;
	s21 =	sshll.u32 s6, $0x1;
	s3 =	sadd.s32 s4, s19  }
0x9c: {  	s7 =	simm.s32 $0x0;
	s20 =	sshll.u32 s5, $0x1;
	s5 =	sadd.s32 s21, s3  }
0x9d: {  	[timem:s7], [sflag:s22] =	dma.local [hbm:s5], s20  }
0x9e: {  	_ =	swait.ge [sflag:s22], s20  }
0x9f: {  	s4 =	ssub.s32 $0x0, s20;
	[sflag:s22] =	ssyncset.done $0x0  }
0xa0: {  	[sflag:s22] =	ssyncadd.s32 s4;
	_ =	sdelay $0x1  }
0xa1: {  	s23 =	simm.s32 $0x1B8B  }
0xa2: {  	_ =	swait.ge [sflag:s23], $0x1  }
0xa3: {  	[sflag:s23] =	ssyncset.done $0x0  }
0xa4: {  	s25 =	simm.s32 $0x1B8E;
	s24 =	sld [smem:$0x3FFE];
	[sflag:s23] =	ssyncadd.s32 $0xFFFFFFFF  }
0xa5: {  	s26 =	simm.s32 $execute0_lowered;
	[smem:$0x3FD2] =	sst s25  }
0xa6: {  	s5 =	sshll.u32 s26, $0x1;
	_ =	strace $0x80000046;
	[dreg:$0x1] =	wrdreg $0xFFFFFFFF  }
0xa7: {  	s28 =	simm.s32 $_size_execute0_lowered;
	s3 =	sadd.s32 s3, s5;
	[dreg:$0x0] =	wrdreg $0x0  }
0xa8: {  	s5 =	sshll.u32 s28, $0x1;
	[dreg:$0x2] =	wrdreg s3  }
0xa9: {  	[dreg:$0x3] =	wrdreg s5  }
0xaa: {  	[dreg:$0x4] =	wrdreg $0xC0  }
0xab: {  	_ =	task [dreg:s7], $0x5FFFF  }
0xac: {  	[dreg:$0x1] =	wrdreg $0xFFFFFFFF  }
0xad: {  	[dreg:$0x0] =	wrdreg $0x60  }
0xae: {  	[dreg:$0x2] =	wrdreg s2  }
0xaf: {  	[dreg:$0x3] =	wrdreg s24  }
0xb0: {  	[dreg:$0x4] =	wrdreg $0x9  }
0xb1: {  	_ =	task.clear_ibuf [dreg:s7], $0x5FFFF;
	_ =	strace $0x90000046  }
0xb2: {  	s29 =	simm.s32 $0x9;
	_ =	strace $0x80000048  }
0xb3: {  	_ =	swait.ge [sflag:s29], $0x1  }
0xb4: {  	[sflag:s29] =	ssyncadd.s32 $0xFFFFFFFF  }
0xb5: {  	_ =	strace $0x90000048  }
0xb6: {  	_ =	sfence  }
0xb7: {  	s30 =	sld [smem:$0x0];
	_ =	sdelay $0x2  }
0xb8: {  	s31 =	sshll.u32 s1, $0xD;
	s1 =	sshrl.u32 s1, $0x2  }
0xb9: {  	s3 =	sand.u32 $0x4000, s31;
	s1 =	sadd.s32 s1, s30  }
0xba: {  	s0 =	sor.u32 s3, s0;
	s1 =	sshll.u32 s1, $0x11  }
0xbb: {  	s0 =	sor.u32 s1, s0  }
0xbc: {  	s0 =	sadd.s32 $0x8F2B, s0  }
0xbd: {  	[sflag:s0] =	ssyncadd.remote.s32 $0x1  }
0xbe: {  	_ =	sfence.sel $0xFFFF  }
0xbf: {  	[dreg:$0x0] =	wrdreg $0xFFFFFFFF;
	(pc) =	sbr.abs _section_cstart, $3  }
0xc0: {  	[dreg:$0x1] =	wrdreg $0xFFFFFFFF  }
0xc1: {  	_ =	task.clear_ibuf [dreg:s7], $0x2FFFF;
	_ =	strace $0x9FFFFFFF  }
0xc2: {  	(tm) =	ssettm $0x7FFFFFFF  }
0xc3: {  	_ =	shalt  }
tec
execute0_lowered:
.L_overlay_start_1:
0x0: {  	(tag) =	ssettag $0x1  }
0x1: {  	s1 =	srdreg.scid  }
0x2: {  	s0 =	stileid.u32;
	s3 =	rddreg [dreg:$0x0]  }
0x3: {  	s5 =	rddreg [dreg:$0x1];
	s2 =	simm.s32 $0x0;
	s28 =	simm.s32 $0xC500  }
0x4: {  	s29 =	simm.s32 $0xC780;
	s30 =	simm.s32 $0x0;
	s4 =	smul.u32 $0x280, s0  }
0x5: {  	s1 =	sand.u32 $0x1, s1;
	[smem:$0x7FF] =	sst s2;
	s7 =	smul.u32 $0x4E80, s0  }
0x6: {  	s14 =	sadd.s32 $0x3C00, s5;
	s6 =	smul.u32 $0x2800, s1;
	_ =	strace $0x80000047  }
0x7: {  	s24 =	smul.u32 $0x28000, s1;
	s25 =	ssub.s32 $0x2, s1;
	s1 =	sshll.u32 s1, $0x4  }
0x8: {  	s8 =	sshrl.u32 s25, $0x1;
	s1 =	sor.u32 s0, s1;
	s26 =	sshrl.u32 s7, $0x3  }
0x9: {  	s6 =	sadd.s32 s4, s6;
	s10 =	sor.u32 s4, s24;
	s1 =	smul.u32 $0x500, s1  }
0xa: {  	s23 =	ssub.s32 s25, s8;
	s3 =	sadd.s32 s3, s26;
	s24 =	simm.s32 $0x1  }
0xb: {  	s25 =	simm.s32 $0x4E80;
	s26 =	simm.s32 $0x9D00;
	s6 =	sshrl.u32 s6, $0x3  }
0xc: {  	s31 =	sadd.s32 $0x14000, s10;
	s23 =	smax.u32 s23, $0x1;
	s22 =	sadd.s32 s6, s5  }
0xd: {  	s5 =	sshrl.u32 s10, $0x3;
	s6 =	sadd.s32 s14, s1;
	s1 =	sshrl.u32 s31, $0x3  }
0xe: {  	s4 =	sadd.s32 s14, s5;
	s5 =	sadd.s32 $0x9D00, s3;
	s14 =	sadd.s32 s14, s1  }
0xf: {  	s22 =	sadd.s32 $0xDC00, s22;
	s7 =	sadd.s32 $0x500, s4;
	s8 =	sadd.s32 $0xA00, s4  }
0x10: {  	s9 =	sadd.s32 $0xF00, s4;
	s10 =	sadd.s32 $0x1400, s4;
	s11 =	sadd.s32 $0x1900, s4  }
0x11: {  	s12 =	sadd.s32 $0x1E00, s4;
	s13 =	sadd.s32 $0x2300, s4;
	s15 =	sadd.s32 $0x2D00, s4  }
0x12: {  	s16 =	sadd.s32 $0x3200, s4;
	s17 =	sadd.s32 $0x3700, s4;
	s18 =	sadd.s32 $0x3C00, s4  }
0x13: {  	v0 =	vimm.f32 $0.0e+00;
	v1 =	vimm.f32 $1.000000000e+00;
	s19 =	sadd.s32 $0x4100, s4;
	s20 =	sadd.s32 $0x4600, s4;
	s21 =	sadd.s32 $0x4B00, s4  }
.LBB2_1:
0x14: {  	[tilespmem:s2], [sflag:$0x1] =	stream.linear.gather [hbm4b:s3+s2], $0x4E80, $0x38;
	[tilespmem:$0xCA00] =	vst v63  }
0x15: {  	_ =	swait.ge [sflag:s24], $0x4E80  }
0x16: {  	[sflag:s24] =	ssyncset.done $0x0  }
0x17: {  	[sflag:s24] =	ssyncadd.s32 $0xFFFFB180  }
0x18: {  	[tilespmem:s25], [sflag:$0x1] =	stream.linear.gather [hbm4b:s5+s2], $0x4E80, $0x38;
	[tilespmem:$0xCA00] =	vst v63  }
0x19: {  	_ =	swait.ge [sflag:s24], $0x4E80  }
0x1a: {  	[sflag:s24] =	ssyncset.done $0x0  }
0x1b: {  	s1 =	simm.s32 $0x0;
	[sflag:s24] =	ssyncadd.s32 $0xFFFFB180  }
.LBB2_2:
0x1c: {  	p0 =	sne.s32 s1, $0x9FC0  }
.Ltmp0:
0x1d: {  	_ = 	snop;
	(pc) =	sbr.rel @p0 .LBB2_2-.Ltmp0, $3  }
0x1e: {  	_ =	sdelay $0x1  }
0x1f: {  	s31 =	sshra.s32 s1, $0x2  }
0x20: {  	s1 =	sadd.s32 $0x40, s1;
	[tilespmem:s31+$0x9D00] =	vst v0  }
0x21: {  	s31 =	simm.s32 $0x0;
	s1 =	simm.s32 $0x40  }
.LBB2_4:
0x22: {  	p0 =	sne.s32 s1, $0x273C0;
	v2 =	vld [tilespmem:s31+$0x0];
	_ =	sdelay $0x3  }
.Ltmp1:
0x23: {  	(pc) =	sbr.rel @p0 .LBB2_4-.Ltmp1, $2  }
0x24: {  	_ =	sdelay $0x2  }
0x25: {  	s31 =	sshra.s32 s1, $0x2;
	s1 =	sadd.s32 $0x40, s1;
	[tilespmem:v2+s26+$0x0] =	vst.idx.add.f32.msk $0xffff, v1  }
0x26: {  	v2 =	vld [tilespmem:s31+$0x0];
	_ =	sdelay $0x7  }
0x27: {  	s1 =	simm.s32 $0x0;
	[tilespmem:v2+s26+$0x0] =	vst.idx.add.f32.msk $0xffff, v1  }
0x28: {  	[hbm4b:s6+s1] =	stream.linear.scatter [tilespmem:s26], [sflag:$0x1], $0x2800, $0x38;
	[tilespmem:$0xCA00] =	vst v63  }
0x29: {  	_ =	swait.ge [sflag:s24], $0x2800  }
0x2a: {  	[sflag:s24] =	ssyncset.done $0x0  }
0x2b: {  	[sflag:s24] =	ssyncadd.s32 $0xFFFFD800  }
0x2c: {  	[bflag:$0x0] =	sbarrier.arrive $0xFFFF  }
0x2d: {  	[tilespmem:$0xC780] =	vst v0  }
0x2e: {  	[tilespmem:$0xC790] =	vst v0  }
0x2f: {  	[tilespmem:$0xC7A0] =	vst v0  }
0x30: {  	[tilespmem:$0xC7B0] =	vst v0  }
0x31: {  	[tilespmem:$0xC7C0] =	vst v0  }
0x32: {  	[tilespmem:$0xC7D0] =	vst v0  }
0x33: {  	[tilespmem:$0xC7E0] =	vst v0  }
0x34: {  	[tilespmem:$0xC7F0] =	vst v0  }
0x35: {  	[tilespmem:$0xC800] =	vst v0  }
0x36: {  	[tilespmem:$0xC810] =	vst v0  }
0x37: {  	[tilespmem:$0xC820] =	vst v0  }
0x38: {  	[tilespmem:$0xC830] =	vst v0  }
0x39: {  	[tilespmem:$0xC840] =	vst v0  }
0x3a: {  	[tilespmem:$0xC850] =	vst v0  }
0x3b: {  	[tilespmem:$0xC860] =	vst v0  }
0x3c: {  	[tilespmem:$0xC870] =	vst v0  }
0x3d: {  	[tilespmem:$0xC880] =	vst v0  }
0x3e: {  	[tilespmem:$0xC890] =	vst v0  }
0x3f: {  	[tilespmem:$0xC8A0] =	vst v0  }
0x40: {  	[tilespmem:$0xC8B0] =	vst v0  }
0x41: {  	[tilespmem:$0xC8C0] =	vst v0  }
0x42: {  	[tilespmem:$0xC8D0] =	vst v0  }
0x43: {  	[tilespmem:$0xC8E0] =	vst v0  }
0x44: {  	[tilespmem:$0xC8F0] =	vst v0  }
0x45: {  	[tilespmem:$0xC900] =	vst v0  }
0x46: {  	[tilespmem:$0xC910] =	vst v0  }
0x47: {  	[tilespmem:$0xC920] =	vst v0  }
0x48: {  	[tilespmem:$0xC930] =	vst v0  }
0x49: {  	[tilespmem:$0xC940] =	vst v0  }
0x4a: {  	[tilespmem:$0xC950] =	vst v0  }
0x4b: {  	[tilespmem:$0xC960] =	vst v0  }
0x4c: {  	[tilespmem:$0xC970] =	vst v0  }
0x4d: {  	[tilespmem:$0xC980] =	vst v0  }
0x4e: {  	[tilespmem:$0xC990] =	vst v0  }
0x4f: {  	[tilespmem:$0xC9A0] =	vst v0  }
0x50: {  	[tilespmem:$0xC9B0] =	vst v0  }
0x51: {  	[tilespmem:$0xC9C0] =	vst v0  }
0x52: {  	[tilespmem:$0xC9D0] =	vst v0  }
0x53: {  	[tilespmem:$0xC9E0] =	vst v0  }
0x54: {  	[tilespmem:$0xC9F0] =	vst v0  }
0x55: {  	[tilespmem:s28], [sflag:$0x1] =	stream.linear.gather [hbm4b:s4+s1], $0x280, $0x38;
	[tilespmem:$0xCA00] =	vst v63  }
0x56: {  	_ =	swait.ge [sflag:s24], $0x280  }
0x57: {  	[sflag:s24] =	ssyncset.done $0x0  }
0x58: {  	s31 =	simm.s32 $0x0;
	[sflag:s24] =	ssyncadd.s32 $0xFFFFFD80  }
0x59: {  	s1 =	simm.s32 $0x40;
	v2 =	vld [tilespmem:s31+$0xC500]  }
.LBB2_6:
0x5a: {  	p0 =	sne.s32 s1, $0x9C0;
	v3 =	vld [tilespmem:s31+$0xC780];
	_ =	sdelay $0x2  }
.Ltmp2:
0x5b: {  	(pc) =	sbr.rel @p0 .LBB2_6-.Ltmp2, $4  }
0x5c: {  	_ = 	snop  }
0x5d: {  	v3 =	vadd.f32 v2, v3  }
0x5e: {  	s0 =	sshra.s32 s1, $0x2  }
0x5f: {  	s1 =	sadd.s32 $0x40, s1;
	v2 =	vld [tilespmem:s0+$0xC500];
	[tilespmem:s31+$0xC780] =	vst v3;
	s31 =	smov.u32 s0  }
0x60: {  	v3 =	vld [tilespmem:s31+$0xC780];
	_ =	sdelay $0x4  }
0x61: {  	v2 =	vadd.f32 v2, v3;
	_ =	sdelay $0x1  }
0x62: {  	s0 =	simm.s32 $0x0;
	[tilespmem:s31+$0xC780] =	vst v2  }
0x63: {  	[tilespmem:s28], [sflag:$0x1] =	stream.linear.gather [hbm4b:s7+s0], $0x280, $0x38;
	[tilespmem:$0xCA00] =	vst v63  }
0x64: {  	_ =	swait.ge [sflag:s24], $0x280  }
0x65: {  	[sflag:s24] =	ssyncset.done $0x0  }
0x66: {  	s31 =	simm.s32 $0x0;
	[sflag:s24] =	ssyncadd.s32 $0xFFFFFD80  }
0x67: {  	s1 =	simm.s32 $0x40;
	v2 =	vld [tilespmem:s31+$0xC500]  }
.LBB2_8:
0x68: {  	p0 =	sne.s32 s1, $0x9C0;
	v3 =	vld [tilespmem:s31+$0xC780];
	_ =	sdelay $0x2  }
.Ltmp3:
0x69: {  	(pc) =	sbr.rel @p0 .LBB2_8-.Ltmp3, $4  }
0x6a: {  	_ = 	snop  }
0x6b: {  	v3 =	vadd.f32 v2, v3  }
0x6c: {  	s0 =	sshra.s32 s1, $0x2  }
0x6d: {  	s1 =	sadd.s32 $0x40, s1;
	v2 =	vld [tilespmem:s0+$0xC500];
	[tilespmem:s31+$0xC780] =	vst v3;
	s31 =	smov.u32 s0  }
0x6e: {  	v3 =	vld [tilespmem:s31+$0xC780];
	_ =	sdelay $0x4  }
0x6f: {  	v2 =	vadd.f32 v2, v3;
	_ =	sdelay $0x1  }
0x70: {  	s0 =	simm.s32 $0x0;
	[tilespmem:s31+$0xC780] =	vst v2  }
0x71: {  	[tilespmem:s28], [sflag:$0x1] =	stream.linear.gather [hbm4b:s8+s0], $0x280, $0x38;
	[tilespmem:$0xCA00] =	vst v63  }
0x72: {  	_ =	swait.ge [sflag:s24], $0x280  }
0x73: {  	[sflag:s24] =	ssyncset.done $0x0  }
0x74: {  	s31 =	simm.s32 $0x0;
	[sflag:s24] =	ssyncadd.s32 $0xFFFFFD80  }
0x75: {  	s1 =	simm.s32 $0x40;
	v2 =	vld [tilespmem:s31+$0xC500]  }
.LBB2_10:
0x76: {  	p0 =	sne.s32 s1, $0x9C0;
	v3 =	vld [tilespmem:s31+$0xC780];
	_ =	sdelay $0x2  }
.Ltmp4:
0x77: {  	(pc) =	sbr.rel @p0 .LBB2_10-.Ltmp4, $4  }
0x78: {  	_ = 	snop  }
0x79: {  	v3 =	vadd.f32 v2, v3  }
0x7a: {  	s0 =	sshra.s32 s1, $0x2  }
0x7b: {  	s1 =	sadd.s32 $0x40, s1;
	v2 =	vld [tilespmem:s0+$0xC500];
	[tilespmem:s31+$0xC780] =	vst v3;
	s31 =	smov.u32 s0  }
0x7c: {  	v3 =	vld [tilespmem:s31+$0xC780];
	_ =	sdelay $0x4  }
0x7d: {  	v2 =	vadd.f32 v2, v3;
	_ =	sdelay $0x1  }
0x7e: {  	s0 =	simm.s32 $0x0;
	[tilespmem:s31+$0xC780] =	vst v2  }
0x7f: {  	[tilespmem:s28], [sflag:$0x1] =	stream.linear.gather [hbm4b:s9+s0], $0x280, $0x38;
	[tilespmem:$0xCA00] =	vst v63  }
0x80: {  	_ =	swait.ge [sflag:s24], $0x280  }
0x81: {  	[sflag:s24] =	ssyncset.done $0x0  }
0x82: {  	s31 =	simm.s32 $0x0;
	[sflag:s24] =	ssyncadd.s32 $0xFFFFFD80  }
0x83: {  	s1 =	simm.s32 $0x40;
	v2 =	vld [tilespmem:s31+$0xC500]  }
.LBB2_12:
0x84: {  	p0 =	sne.s32 s1, $0x9C0;
	v3 =	vld [tilespmem:s31+$0xC780];
	_ =	sdelay $0x2  }
.Ltmp5:
0x85: {  	(pc) =	sbr.rel @p0 .LBB2_12-.Ltmp5, $4  }
0x86: {  	_ = 	snop  }
0x87: {  	v3 =	vadd.f32 v2, v3  }
0x88: {  	s0 =	sshra.s32 s1, $0x2  }
0x89: {  	s1 =	sadd.s32 $0x40, s1;
	v2 =	vld [tilespmem:s0+$0xC500];
	[tilespmem:s31+$0xC780] =	vst v3;
	s31 =	smov.u32 s0  }
0x8a: {  	v3 =	vld [tilespmem:s31+$0xC780];
	_ =	sdelay $0x4  }
0x8b: {  	v2 =	vadd.f32 v2, v3;
	_ =	sdelay $0x1  }
0x8c: {  	s0 =	simm.s32 $0x0;
	[tilespmem:s31+$0xC780] =	vst v2  }
0x8d: {  	[tilespmem:s28], [sflag:$0x1] =	stream.linear.gather [hbm4b:s10+s0], $0x280, $0x38;
	[tilespmem:$0xCA00] =	vst v63  }
0x8e: {  	_ =	swait.ge [sflag:s24], $0x280  }
0x8f: {  	[sflag:s24] =	ssyncset.done $0x0  }
0x90: {  	s31 =	simm.s32 $0x0;
	[sflag:s24] =	ssyncadd.s32 $0xFFFFFD80  }
0x91: {  	s1 =	simm.s32 $0x40;
	v2 =	vld [tilespmem:s31+$0xC500]  }
.LBB2_14:
0x92: {  	p0 =	sne.s32 s1, $0x9C0;
	v3 =	vld [tilespmem:s31+$0xC780];
	_ =	sdelay $0x2  }
.Ltmp6:
0x93: {  	(pc) =	sbr.rel @p0 .LBB2_14-.Ltmp6, $4  }
0x94: {  	_ = 	snop  }
0x95: {  	v3 =	vadd.f32 v2, v3  }
0x96: {  	s0 =	sshra.s32 s1, $0x2  }
0x97: {  	s1 =	sadd.s32 $0x40, s1;
	v2 =	vld [tilespmem:s0+$0xC500];
	[tilespmem:s31+$0xC780] =	vst v3;
	s31 =	smov.u32 s0  }
0x98: {  	v3 =	vld [tilespmem:s31+$0xC780];
	_ =	sdelay $0x4  }
0x99: {  	v2 =	vadd.f32 v2, v3;
	_ =	sdelay $0x1  }
0x9a: {  	s0 =	simm.s32 $0x0;
	[tilespmem:s31+$0xC780] =	vst v2  }
0x9b: {  	[tilespmem:s28], [sflag:$0x1] =	stream.linear.gather [hbm4b:s11+s0], $0x280, $0x38;
	[tilespmem:$0xCA00] =	vst v63  }
0x9c: {  	_ =	swait.ge [sflag:s24], $0x280  }
0x9d: {  	[sflag:s24] =	ssyncset.done $0x0  }
0x9e: {  	s31 =	simm.s32 $0x0;
	[sflag:s24] =	ssyncadd.s32 $0xFFFFFD80  }
0x9f: {  	s1 =	simm.s32 $0x40;
	v2 =	vld [tilespmem:s31+$0xC500]  }
.LBB2_16:
0xa0: {  	p0 =	sne.s32 s1, $0x9C0;
	v3 =	vld [tilespmem:s31+$0xC780];
	_ =	sdelay $0x2  }
.Ltmp7:
0xa1: {  	(pc) =	sbr.rel @p0 .LBB2_16-.Ltmp7, $4  }
0xa2: {  	_ = 	snop  }
0xa3: {  	v3 =	vadd.f32 v2, v3  }
0xa4: {  	s0 =	sshra.s32 s1, $0x2  }
0xa5: {  	s1 =	sadd.s32 $0x40, s1;
	v2 =	vld [tilespmem:s0+$0xC500];
	[tilespmem:s31+$0xC780] =	vst v3;
	s31 =	smov.u32 s0  }
0xa6: {  	v3 =	vld [tilespmem:s31+$0xC780];
	_ =	sdelay $0x4  }
0xa7: {  	v2 =	vadd.f32 v2, v3;
	_ =	sdelay $0x1  }
0xa8: {  	s0 =	simm.s32 $0x0;
	[tilespmem:s31+$0xC780] =	vst v2  }
0xa9: {  	[tilespmem:s28], [sflag:$0x1] =	stream.linear.gather [hbm4b:s12+s0], $0x280, $0x38;
	[tilespmem:$0xCA00] =	vst v63  }
0xaa: {  	_ =	swait.ge [sflag:s24], $0x280  }
0xab: {  	[sflag:s24] =	ssyncset.done $0x0  }
0xac: {  	s31 =	simm.s32 $0x0;
	[sflag:s24] =	ssyncadd.s32 $0xFFFFFD80  }
0xad: {  	s1 =	simm.s32 $0x40;
	v2 =	vld [tilespmem:s31+$0xC500]  }
.LBB2_18:
0xae: {  	p0 =	sne.s32 s1, $0x9C0;
	v3 =	vld [tilespmem:s31+$0xC780];
	_ =	sdelay $0x2  }
.Ltmp8:
0xaf: {  	(pc) =	sbr.rel @p0 .LBB2_18-.Ltmp8, $4  }
0xb0: {  	_ = 	snop  }
0xb1: {  	v3 =	vadd.f32 v2, v3  }
0xb2: {  	s0 =	sshra.s32 s1, $0x2  }
0xb3: {  	s1 =	sadd.s32 $0x40, s1;
	v2 =	vld [tilespmem:s0+$0xC500];
	[tilespmem:s31+$0xC780] =	vst v3;
	s31 =	smov.u32 s0  }
0xb4: {  	v3 =	vld [tilespmem:s31+$0xC780];
	_ =	sdelay $0x4  }
0xb5: {  	v2 =	vadd.f32 v2, v3;
	_ =	sdelay $0x1  }
0xb6: {  	s0 =	simm.s32 $0x0;
	[tilespmem:s31+$0xC780] =	vst v2  }
0xb7: {  	[tilespmem:s28], [sflag:$0x1] =	stream.linear.gather [hbm4b:s13+s0], $0x280, $0x38;
	[tilespmem:$0xCA00] =	vst v63  }
0xb8: {  	_ =	swait.ge [sflag:s24], $0x280  }
0xb9: {  	[sflag:s24] =	ssyncset.done $0x0  }
0xba: {  	s31 =	simm.s32 $0x0;
	[sflag:s24] =	ssyncadd.s32 $0xFFFFFD80  }
0xbb: {  	s1 =	simm.s32 $0x40;
	v2 =	vld [tilespmem:s31+$0xC500]  }
.LBB2_20:
0xbc: {  	p0 =	sne.s32 s1, $0x9C0;
	v3 =	vld [tilespmem:s31+$0xC780];
	_ =	sdelay $0x2  }
.Ltmp9:
0xbd: {  	(pc) =	sbr.rel @p0 .LBB2_20-.Ltmp9, $4  }
0xbe: {  	_ = 	snop  }
0xbf: {  	v3 =	vadd.f32 v2, v3  }
0xc0: {  	s0 =	sshra.s32 s1, $0x2  }
0xc1: {  	s1 =	sadd.s32 $0x40, s1;
	v2 =	vld [tilespmem:s0+$0xC500];
	[tilespmem:s31+$0xC780] =	vst v3;
	s31 =	smov.u32 s0  }
0xc2: {  	v3 =	vld [tilespmem:s31+$0xC780];
	_ =	sdelay $0x4  }
0xc3: {  	v2 =	vadd.f32 v2, v3;
	_ =	sdelay $0x1  }
0xc4: {  	s0 =	simm.s32 $0x0;
	[tilespmem:s31+$0xC780] =	vst v2  }
0xc5: {  	[tilespmem:s28], [sflag:$0x1] =	stream.linear.gather [hbm4b:s14+s0], $0x280, $0x38;
	[tilespmem:$0xCA00] =	vst v63  }
0xc6: {  	_ =	swait.ge [sflag:s24], $0x280  }
0xc7: {  	[sflag:s24] =	ssyncset.done $0x0  }
0xc8: {  	s31 =	simm.s32 $0x0;
	[sflag:s24] =	ssyncadd.s32 $0xFFFFFD80  }
0xc9: {  	s1 =	simm.s32 $0x40;
	v2 =	vld [tilespmem:s31+$0xC500]  }
.LBB2_22:
0xca: {  	p0 =	sne.s32 s1, $0x9C0;
	v3 =	vld [tilespmem:s31+$0xC780];
	_ =	sdelay $0x2  }
.Ltmp10:
0xcb: {  	(pc) =	sbr.rel @p0 .LBB2_22-.Ltmp10, $4  }
0xcc: {  	_ = 	snop  }
0xcd: {  	v3 =	vadd.f32 v2, v3  }
0xce: {  	s0 =	sshra.s32 s1, $0x2  }
0xcf: {  	s1 =	sadd.s32 $0x40, s1;
	v2 =	vld [tilespmem:s0+$0xC500];
	[tilespmem:s31+$0xC780] =	vst v3;
	s31 =	smov.u32 s0  }
0xd0: {  	v3 =	vld [tilespmem:s31+$0xC780];
	_ =	sdelay $0x4  }
0xd1: {  	v2 =	vadd.f32 v2, v3;
	_ =	sdelay $0x1  }
0xd2: {  	s0 =	simm.s32 $0x0;
	[tilespmem:s31+$0xC780] =	vst v2  }
0xd3: {  	[tilespmem:s28], [sflag:$0x1] =	stream.linear.gather [hbm4b:s15+s0], $0x280, $0x38;
	[tilespmem:$0xCA00] =	vst v63  }
0xd4: {  	_ =	swait.ge [sflag:s24], $0x280  }
0xd5: {  	[sflag:s24] =	ssyncset.done $0x0  }
0xd6: {  	s31 =	simm.s32 $0x0;
	[sflag:s24] =	ssyncadd.s32 $0xFFFFFD80  }
0xd7: {  	s1 =	simm.s32 $0x40;
	v2 =	vld [tilespmem:s31+$0xC500]  }
.LBB2_24:
0xd8: {  	p0 =	sne.s32 s1, $0x9C0;
	v3 =	vld [tilespmem:s31+$0xC780];
	_ =	sdelay $0x2  }
.Ltmp11:
0xd9: {  	(pc) =	sbr.rel @p0 .LBB2_24-.Ltmp11, $4  }
0xda: {  	_ = 	snop  }
0xdb: {  	v3 =	vadd.f32 v2, v3  }
0xdc: {  	s0 =	sshra.s32 s1, $0x2  }
0xdd: {  	s1 =	sadd.s32 $0x40, s1;
	v2 =	vld [tilespmem:s0+$0xC500];
	[tilespmem:s31+$0xC780] =	vst v3;
	s31 =	smov.u32 s0  }
0xde: {  	v3 =	vld [tilespmem:s31+$0xC780];
	_ =	sdelay $0x4  }
0xdf: {  	v2 =	vadd.f32 v2, v3;
	_ =	sdelay $0x1  }
0xe0: {  	s0 =	simm.s32 $0x0;
	[tilespmem:s31+$0xC780] =	vst v2  }
0xe1: {  	[tilespmem:s28], [sflag:$0x1] =	stream.linear.gather [hbm4b:s16+s0], $0x280, $0x38;
	[tilespmem:$0xCA00] =	vst v63  }
0xe2: {  	_ =	swait.ge [sflag:s24], $0x280  }
0xe3: {  	[sflag:s24] =	ssyncset.done $0x0  }
0xe4: {  	s31 =	simm.s32 $0x0;
	[sflag:s24] =	ssyncadd.s32 $0xFFFFFD80  }
0xe5: {  	s1 =	simm.s32 $0x40;
	v2 =	vld [tilespmem:s31+$0xC500]  }
.LBB2_26:
0xe6: {  	p0 =	sne.s32 s1, $0x9C0;
	v3 =	vld [tilespmem:s31+$0xC780];
	_ =	sdelay $0x2  }
.Ltmp12:
0xe7: {  	(pc) =	sbr.rel @p0 .LBB2_26-.Ltmp12, $4  }
0xe8: {  	_ = 	snop  }
0xe9: {  	v3 =	vadd.f32 v2, v3  }
0xea: {  	s0 =	sshra.s32 s1, $0x2  }
0xeb: {  	s1 =	sadd.s32 $0x40, s1;
	v2 =	vld [tilespmem:s0+$0xC500];
	[tilespmem:s31+$0xC780] =	vst v3;
	s31 =	smov.u32 s0  }
0xec: {  	v3 =	vld [tilespmem:s31+$0xC780];
	_ =	sdelay $0x4  }
0xed: {  	v2 =	vadd.f32 v2, v3;
	_ =	sdelay $0x1  }
0xee: {  	s0 =	simm.s32 $0x0;
	[tilespmem:s31+$0xC780] =	vst v2  }
0xef: {  	[tilespmem:s28], [sflag:$0x1] =	stream.linear.gather [hbm4b:s17+s0], $0x280, $0x38;
	[tilespmem:$0xCA00] =	vst v63  }
0xf0: {  	_ =	swait.ge [sflag:s24], $0x280  }
0xf1: {  	[sflag:s24] =	ssyncset.done $0x0  }
0xf2: {  	s31 =	simm.s32 $0x0;
	[sflag:s24] =	ssyncadd.s32 $0xFFFFFD80  }
0xf3: {  	s1 =	simm.s32 $0x40;
	v2 =	vld [tilespmem:s31+$0xC500]  }
.LBB2_28:
0xf4: {  	p0 =	sne.s32 s1, $0x9C0;
	v3 =	vld [tilespmem:s31+$0xC780];
	_ =	sdelay $0x2  }
.Ltmp13:
0xf5: {  	(pc) =	sbr.rel @p0 .LBB2_28-.Ltmp13, $4  }
0xf6: {  	_ = 	snop  }
0xf7: {  	v3 =	vadd.f32 v2, v3  }
0xf8: {  	s0 =	sshra.s32 s1, $0x2  }
0xf9: {  	s1 =	sadd.s32 $0x40, s1;
	v2 =	vld [tilespmem:s0+$0xC500];
	[tilespmem:s31+$0xC780] =	vst v3;
	s31 =	smov.u32 s0  }
0xfa: {  	v3 =	vld [tilespmem:s31+$0xC780];
	_ =	sdelay $0x4  }
0xfb: {  	v2 =	vadd.f32 v2, v3;
	_ =	sdelay $0x1  }
0xfc: {  	s0 =	simm.s32 $0x0;
	[tilespmem:s31+$0xC780] =	vst v2  }
0xfd: {  	[tilespmem:s28], [sflag:$0x1] =	stream.linear.gather [hbm4b:s18+s0], $0x280, $0x38;
	[tilespmem:$0xCA00] =	vst v63  }
0xfe: {  	_ =	swait.ge [sflag:s24], $0x280  }
0xff: {  	[sflag:s24] =	ssyncset.done $0x0  }
0x100: {  	s31 =	simm.s32 $0x0;
	[sflag:s24] =	ssyncadd.s32 $0xFFFFFD80  }
0x101: {  	s1 =	simm.s32 $0x40;
	v2 =	vld [tilespmem:s31+$0xC500]  }
.LBB2_30:
0x102: {  	p0 =	sne.s32 s1, $0x9C0;
	v3 =	vld [tilespmem:s31+$0xC780];
	_ =	sdelay $0x2  }
.Ltmp14:
0x103: {  	(pc) =	sbr.rel @p0 .LBB2_30-.Ltmp14, $4  }
0x104: {  	_ = 	snop  }
0x105: {  	v3 =	vadd.f32 v2, v3  }
0x106: {  	s0 =	sshra.s32 s1, $0x2  }
0x107: {  	s1 =	sadd.s32 $0x40, s1;
	v2 =	vld [tilespmem:s0+$0xC500];
	[tilespmem:s31+$0xC780] =	vst v3;
	s31 =	smov.u32 s0  }
0x108: {  	v3 =	vld [tilespmem:s31+$0xC780];
	_ =	sdelay $0x4  }
0x109: {  	v2 =	vadd.f32 v2, v3;
	_ =	sdelay $0x1  }
0x10a: {  	s0 =	simm.s32 $0x0;
	[tilespmem:s31+$0xC780] =	vst v2  }
0x10b: {  	[tilespmem:s28], [sflag:$0x1] =	stream.linear.gather [hbm4b:s19+s0], $0x280, $0x38;
	[tilespmem:$0xCA00] =	vst v63  }
0x10c: {  	_ =	swait.ge [sflag:s24], $0x280  }
0x10d: {  	[sflag:s24] =	ssyncset.done $0x0  }
0x10e: {  	s31 =	simm.s32 $0x0;
	[sflag:s24] =	ssyncadd.s32 $0xFFFFFD80  }
0x10f: {  	s1 =	simm.s32 $0x40;
	v2 =	vld [tilespmem:s31+$0xC500]  }
.LBB2_32:
0x110: {  	p0 =	sne.s32 s1, $0x9C0;
	v3 =	vld [tilespmem:s31+$0xC780];
	_ =	sdelay $0x2  }
.Ltmp15:
0x111: {  	(pc) =	sbr.rel @p0 .LBB2_32-.Ltmp15, $4  }
0x112: {  	_ = 	snop  }
0x113: {  	v3 =	vadd.f32 v2, v3  }
0x114: {  	s0 =	sshra.s32 s1, $0x2  }
0x115: {  	s1 =	sadd.s32 $0x40, s1;
	v2 =	vld [tilespmem:s0+$0xC500];
	[tilespmem:s31+$0xC780] =	vst v3;
	s31 =	smov.u32 s0  }
0x116: {  	v3 =	vld [tilespmem:s31+$0xC780];
	_ =	sdelay $0x4  }
0x117: {  	v2 =	vadd.f32 v2, v3;
	_ =	sdelay $0x1  }
0x118: {  	s0 =	simm.s32 $0x0;
	[tilespmem:s31+$0xC780] =	vst v2  }
0x119: {  	[tilespmem:s28], [sflag:$0x1] =	stream.linear.gather [hbm4b:s20+s0], $0x280, $0x38;
	[tilespmem:$0xCA00] =	vst v63  }
0x11a: {  	_ =	swait.ge [sflag:s24], $0x280  }
0x11b: {  	[sflag:s24] =	ssyncset.done $0x0  }
0x11c: {  	s31 =	simm.s32 $0x0;
	[sflag:s24] =	ssyncadd.s32 $0xFFFFFD80  }
0x11d: {  	s1 =	simm.s32 $0x40;
	v2 =	vld [tilespmem:s31+$0xC500]  }
.LBB2_34:
0x11e: {  	p0 =	sne.s32 s1, $0x9C0;
	v3 =	vld [tilespmem:s31+$0xC780];
	_ =	sdelay $0x2  }
.Ltmp16:
0x11f: {  	(pc) =	sbr.rel @p0 .LBB2_34-.Ltmp16, $4  }
0x120: {  	_ = 	snop  }
0x121: {  	v3 =	vadd.f32 v2, v3  }
0x122: {  	s0 =	sshra.s32 s1, $0x2  }
0x123: {  	s1 =	sadd.s32 $0x40, s1;
	v2 =	vld [tilespmem:s0+$0xC500];
	[tilespmem:s31+$0xC780] =	vst v3;
	s31 =	smov.u32 s0  }
0x124: {  	v3 =	vld [tilespmem:s31+$0xC780];
	_ =	sdelay $0x4  }
0x125: {  	v2 =	vadd.f32 v2, v3;
	_ =	sdelay $0x1  }
0x126: {  	s0 =	simm.s32 $0x0;
	[tilespmem:s31+$0xC780] =	vst v2  }
0x127: {  	[tilespmem:s28], [sflag:$0x1] =	stream.linear.gather [hbm4b:s21+s0], $0x280, $0x38;
	[tilespmem:$0xCA00] =	vst v63  }
0x128: {  	_ =	swait.ge [sflag:s24], $0x280  }
0x129: {  	[sflag:s24] =	ssyncset.done $0x0  }
0x12a: {  	s31 =	simm.s32 $0x0;
	[sflag:s24] =	ssyncadd.s32 $0xFFFFFD80  }
0x12b: {  	s1 =	simm.s32 $0x40;
	v2 =	vld [tilespmem:s31+$0xC500]  }
.LBB2_36:
0x12c: {  	p0 =	sne.s32 s1, $0x9C0;
	v3 =	vld [tilespmem:s31+$0xC780];
	_ =	sdelay $0x2  }
.Ltmp17:
0x12d: {  	(pc) =	sbr.rel @p0 .LBB2_36-.Ltmp17, $4  }
0x12e: {  	_ = 	snop  }
0x12f: {  	v3 =	vadd.f32 v2, v3  }
0x130: {  	s0 =	sshra.s32 s1, $0x2  }
0x131: {  	s1 =	sadd.s32 $0x40, s1;
	v2 =	vld [tilespmem:s0+$0xC500];
	[tilespmem:s31+$0xC780] =	vst v3;
	s31 =	smov.u32 s0  }
0x132: {  	v3 =	vld [tilespmem:s31+$0xC780];
	_ =	sdelay $0x4  }
0x133: {  	s30 =	sadd.s32 $0x1, s30;
	v2 =	vadd.f32 v2, v3  }
0x134: {  	p0 =	sne.s32 s30, s23  }
.Ltmp18:
0x135: {  	[tilespmem:s31+$0xC780] =	vst v2;
	(pc) =	sbr.rel @p0 .LBB2_1-.Ltmp18, $4  }
0x136: {  	[hbm4b:s22+s2] =	stream.linear.scatter [tilespmem:s29], [sflag:$0x1], $0x280, $0x38;
	[tilespmem:$0xCA00] =	vst v63  }
0x137: {  	_ =	swait.ge [sflag:s24], $0x280  }
0x138: {  	[sflag:s24] =	ssyncset.done $0x0  }
0x139: {  	[sflag:s24] =	ssyncadd.s32 $0xFFFFFD80  }
0x13a: {  	_ =	sfence.sel $0x180000  }
0x13b: {  	[bflag:$0x0] =	sbarrier.arrive $0xFFFF  }
0x13c: {  	_ =	strace $0x90000047  }
0x13d: {  	s0 =	stileid.u32;
	[bflag:$0x2] =	sbarrier.arrive $0xFFFF  }
0x13e: {  	p0 =	sne.s32 s0, $0x0;
	s0 =	rddreg [dreg:$0x2]  }
0x13f: {  	s0 =	sadd.s32 @!p0 $0x100000, s0  }
0x140: {  	[sflag:s0] =	ssyncadd.tile.s32 @!p0 $0x1;
	_ =	shalt  }
.Lfunc_end2:
_tile_overlayer_lowered:
.L_overlay_start_2:
0x141: {  	(tag) =	ssettag $0x2  }
0x142: {  	s0 =	rddreg [dreg:$0x0];
	s2 =	stileid.u32  }
0x143: {  	s1 =	rddreg [dreg:$0x1];
	p0 =	sne.s32 s2, $0x0  }
0x144: {  	s3 =	rddreg [dreg:$0x2];
	[bflag:$0x3] =	sbarrier.arrive $0xFFFF;
	s2 =	simm.s32 @!p0 $0x1C01  }
0x145: {  	[timem:s3], [sflag:s2] =	dma.local @!p0 [hbm:s0], s1  }
0x146: {  	s0 =	simm.s32 @!p0 $0x1  }
0x147: {  	_ =	swait.ge @!p0 [sflag:s0], s1  }
0x148: {  	s1 =	ssub.s32 @!p0 $0x0, s1;
	[sflag:s0] =	ssyncset.done @!p0 $0x0  }
0x149: {  	[sflag:s0] =	ssyncadd.s32 @!p0 s1  }
0x14a: {  	[bflag:$0x3] =	sbarrier.arrive $0xFFFF  }
0x14b: {  	_ =	shalt  }

</sc_bundles>
